<compile_context>
chip_gen: v7x
topology: tpu7x:2x2x1
jax: 0.10.2.dev20260603
libtpu: 0.0.44.dev20260713+nightly
codegen_flags: <defaults>
</compile_context>

<pallas_src>
import functools

import jax
import jax.numpy as jnp
from jax import lax
from jax.experimental import pallas as pl
from jax.experimental.pallas import tpu as pltpu
from jax.experimental.pallas import tpu_sc as plsc

N = 10000
E = 320000
D = 128
NP = 10240
NC, NS, L = 2, 16, 16
NW = NC * NS
EB = 128
NBAT = E // EB
NBAT2 = 2560
EPAD = NBAT2 * EB
PAD_NODE = 10200
CH = 16
DCH = 8
NTAIL = NBAT - (NBAT // (NS * DCH)) * NS * DCH
NR = 10240
RPT = NR // NS

def _sc_mesh():
    return plsc.VectorSubcoreMesh(
        core_axis_name="c", subcore_axis_name="s", num_cores=NC, num_subcores=NS)

_f32 = jnp.float32


def _fill_1d(ref, n, value):
    def body(i, _):
        ref[pl.ds(i * 16, 16)] = jnp.full((16,), value, _f32)
        return 0
    lax.fori_loop(0, n // 16, body, 0)


def _fill_1d_i32(ref, n, value):
    def body(i, _):
        ref[pl.ds(i * 16, 16)] = jnp.full((16,), value, jnp.int32)
        return 0
    lax.fori_loop(0, n // 16, body, 0)


def _zero_rows(ref, rows):
    def body(i, _):
        r = i // (D // 16)
        j = i % (D // 16)
        ref[r, pl.ds(j * 16, 16)] = jnp.zeros((16,), _f32)
        return 0
    lax.fori_loop(0, rows * (D // 16), body, 0)


@functools.cache
def _degrees_kernel():
    return pl.kernel(
        _degrees_body,
        out_type=jax.ShapeDtypeStruct((NC, NP), _f32),
        mesh=_sc_mesh(),
        scratch_types=[
            pltpu.VMEM((160, EB), jnp.int32),
            pltpu.VMEM((EB,), jnp.int32),
            pltpu.VMEM((EB,), _f32),
            pltpu.VMEM((NP // NS,), _f32),
            pltpu.VMEM_SHARED((NP,), _f32),
            pltpu.SemaphoreType.DMA,
            pltpu.SemaphoreType.DMA,
            pltpu.SemaphoreType.DMA,
            pltpu.SemaphoreType.DMA,
            pltpu.SemaphoreType.DMA,
        ],
    )


def _degrees(e2, e3raw):
    return _degrees_kernel()(e2, e3raw)


def _degrees_body(e2_ref, e3_ref, out_ref, idx_i, tidx_v,
                  ones_v, zbuf_v, acc, isem, s0, s1, s2, s3):
    c = lax.axis_index("c")
    s = lax.axis_index("s")
    ssem = (s0, s1, s2, s3)
    seg = NP // NS
    nch = 19 + jnp.where(s < 8, 1, 0)

    def fire_load(k, _):
        gchunk = s + k * NS
        pltpu.async_copy(e3_ref.at[c, pl.ds(gchunk * DCH, DCH)],
                         idx_i.at[pl.ds(k * DCH, DCH)], isem)
        return 0
    lax.fori_loop(0, nch, fire_load, 0)
    _fill_1d(ones_v, EB, 1.0)
    _fill_1d(zbuf_v, seg, 0.0)
    pltpu.sync_copy(zbuf_v, acc.at[pl.ds(s * seg, seg)])

    def drain_load(k, _):
        pltpu.make_async_copy(e3_ref.at[0, pl.ds(0, DCH)],
                              idx_i.at[pl.ds(0, DCH)], isem).wait()
        return 0
    lax.fori_loop(0, nch, drain_load, 0)
    plsc.subcore_barrier()

    def drain(b):
        pltpu.make_async_copy(e3_ref.at[0, 0], tidx_v, ssem[b]).wait()

    def group(g, _):
        for b in range(4):
            t = g * 4 + b

            @pl.when(t >= 4)
            def _():
                drain(b)
            pltpu.async_copy(ones_v, acc.at[idx_i.at[t]], ssem[b], add=True)
        return 0
    lax.fori_loop(0, nch * (DCH // 4), group, 0)
    for b in range(4):
        drain(b)

    @pl.when(s < NTAIL)
    def _():
        pltpu.sync_copy(e2_ref.at[pl.ds(c * E + (NBAT - NTAIL + s) * EB, EB)],
                        tidx_v)
        pltpu.sync_copy(ones_v, acc.at[tidx_v], add=True)

    plsc.subcore_barrier()
    pltpu.sync_copy(acc.at[pl.ds(s * seg, seg)], out_ref.at[c, pl.ds(s * seg, seg)])


def _seg_scratch():
    return [
        pltpu.VMEM((2, EB), jnp.int32),
        pltpu.VMEM((EB,), jnp.int32),
        pltpu.VMEM((EB, D), _f32),
        pltpu.VMEM_SHARED((NR, D), _f32),
        pltpu.SemaphoreType.DMA,
        pltpu.SemaphoreType.DMA,
    ]


def _edge_pipeline(h_row_ref, edge_ref, out_ref, src_v, dst_v, rows_v, acc,
                   gsem, isem, c, s, offset, stride, nfull, ntail):
    def zbody(i, _):
        r = i // (D // 16)
        j = i % (D // 16)
        rows_v[r, pl.ds(j * 16, 16)] = jnp.zeros((16,), _f32)
        return 0
    lax.fori_loop(0, EB * (D // 16), zbody, 0)
    for k in range(RPT // EB):
        pltpu.sync_copy(rows_v, acc.at[pl.ds(s * RPT + k * EB, EB)])
    plsc.subcore_barrier()

    def fire_src(t, slot):
        pltpu.async_copy(edge_ref.at[0, pl.ds((t * stride + offset) * EB, EB)],
                         src_v.at[slot], isem)

    def wait_src(slot):
        pltpu.make_async_copy(edge_ref.at[0, pl.ds(0, EB)], src_v.at[slot],
                              isem).wait()

    fire_src(0, 0)

    def group(g, _):
        for b in range(2):
            t = g * 2 + b
            wait_src(b)
            pltpu.async_copy(h_row_ref.at[src_v.at[b]], rows_v, gsem)
            pltpu.sync_copy(edge_ref.at[1, pl.ds((t * stride + offset) * EB, EB)],
                            dst_v)
            @pl.when(t + 1 < nfull)
            def _():
                fire_src(t + 1, 1 - b)
            pltpu.make_async_copy(h_row_ref.at[pl.ds(0, EB)], rows_v, gsem).wait()
            pltpu.sync_copy(rows_v, acc.at[dst_v], add=True)
        return 0
    lax.fori_loop(0, nfull // 2, group, 0)

    @pl.when(offset < ntail)
    def _():
        eb = (nfull * stride + offset) * EB
        pltpu.sync_copy(edge_ref.at[0, pl.ds(eb, EB)], src_v.at[0])
        pltpu.async_copy(h_row_ref.at[src_v.at[0]], rows_v, gsem)
        pltpu.sync_copy(edge_ref.at[1, pl.ds(eb, EB)], dst_v)
        pltpu.make_async_copy(h_row_ref.at[pl.ds(0, EB)], rows_v, gsem).wait()
        pltpu.sync_copy(rows_v, acc.at[dst_v], add=True)

    plsc.subcore_barrier()
    pltpu.sync_copy(acc.at[pl.ds(s * RPT, RPT)], out_ref.at[c, pl.ds(s * RPT, RPT)])


@functools.cache
def _seg1_kernel():
    return pl.kernel(
        _seg1_body,
        out_type=jax.ShapeDtypeStruct((NC, NR, D), _f32),
        mesh=_sc_mesh(),
        scratch_types=_seg_scratch(),
    )


def _seg1(h, e3):
    return _seg1_kernel()(h, e3)


def _seg1_body(h_ref, edge_ref, out_ref, src_v, dst_v, rows_v, acc, gsem,
               isem):
    c = lax.axis_index("c")
    s = lax.axis_index("s")
    wid = s * NC + c
    _edge_pipeline(h_ref, edge_ref, out_ref, src_v, dst_v, rows_v, acc,
                   gsem, isem, c, s, wid, NW, NBAT // NW,
                   NBAT - (NBAT // NW) * NW)





@functools.cache
def _seg2_kernel():
    return pl.kernel(
        _seg2_body,
        out_type=jax.ShapeDtypeStruct((NC, NR, D), _f32),
        mesh=_sc_mesh(),
        scratch_types=_seg_scratch(),
    )


def _seg2(h2, e3):
    return _seg2_kernel()(h2, e3)


def _seg2_body(h2_ref, edge_ref, out_ref, src_v, dst_v, rows_v, acc, gsem,
               isem):
    c = lax.axis_index("c")
    s = lax.axis_index("s")
    _edge_pipeline(h2_ref.at[c], edge_ref, out_ref, src_v, dst_v, rows_v, acc,
                   gsem, isem, c, s, s, NS, NBAT // NS,
                   NBAT - (NBAT // NS) * NS)


RB = 1000
GRID = N // RB


def _mm_scale_body(x_ref, w_ref, deg_ref, o_ref):
    inv = lax.rsqrt(jnp.maximum(deg_ref[0], 1.0))
    o_ref[...] = jnp.dot(x_ref[...], w_ref[...],
                         preferred_element_type=_f32) * inv


def _mm_scale(x, W0, degs3):
    return pl.pallas_call(
        _mm_scale_body,
        grid=(GRID,),
        in_specs=[
            pl.BlockSpec((RB, D), lambda i: (i, 0)),
            pl.BlockSpec((D, D), lambda i: (0, 0)),
            pl.BlockSpec((NC, RB, 1), lambda i: (0, i, 0)),
        ],
        out_specs=pl.BlockSpec((RB, D), lambda i: (i, 0)),
        out_shape=jax.ShapeDtypeStruct((NR, D), _f32),
    )(x, W0, degs3)


def _mid_body(p_ref, deg_ref, b0_ref, w1_ref, o_ref):
    inv_out = lax.rsqrt(jnp.maximum(deg_ref[0], 1.0))
    inv_in = lax.rsqrt(jnp.maximum(deg_ref[1], 1.0))
    h1 = jnp.maximum((p_ref[0] + p_ref[1]) * inv_in + b0_ref[...], 0.0)
    hn = h1 * inv_out
    o_ref[0] = jnp.dot(hn, w1_ref[:, :D], preferred_element_type=_f32)
    o_ref[1] = jnp.dot(hn, w1_ref[:, D:], preferred_element_type=_f32)


def _mid(agg1, degs3, b0r, W1):
    return pl.pallas_call(
        _mid_body,
        grid=(GRID,),
        in_specs=[
            pl.BlockSpec((NC, RB, D), lambda i: (0, i, 0)),
            pl.BlockSpec((NC, RB, 1), lambda i: (0, i, 0)),
            pl.BlockSpec((1, D), lambda i: (0, 0)),
            pl.BlockSpec((D, 2 * D), lambda i: (0, 0)),
        ],
        out_specs=pl.BlockSpec((NC, RB, D), lambda i: (0, i, 0)),
        out_shape=jax.ShapeDtypeStruct((NC, NR, D), _f32),
    )(agg1, degs3, b0r, W1)


def _tail_body(p_ref, deg_ref, b1_ref, eps_ref, x_ref, we_ref, wd0_ref,
               bd0_ref, wd1_ref, bd1_ref, o_ref, acc):
    i = pl.program_id(0)

    @pl.when(i == 0)
    def _():
        acc[0] = 0.0
        acc[1] = 0.0

    inv_in = lax.rsqrt(jnp.maximum(deg_ref[1], 1.0))
    mu = p_ref[0] * inv_in + b1_ref[0]
    logvar = p_ref[1] * inv_in + b1_ref[1]
    z = mu + eps_ref[...] * jnp.exp(0.5 * logvar)
    rep = jnp.dot(z, we_ref[...], preferred_element_type=_f32)
    hdec = jnp.maximum(
        jnp.dot(rep, wd0_ref[...], preferred_element_type=_f32) + bd0_ref[...],
        0.0)
    logits = jnp.dot(hdec, wd1_ref[...], preferred_element_type=_f32) + bd1_ref[...]
    recon = jax.nn.sigmoid(logits)
    p = jnp.clip(recon, 1e-7, 1.0 - 1e-7)
    xb = x_ref[...]
    bce = -jnp.sum(xb * jnp.log(p) + (1.0 - xb) * jnp.log1p(-p))
    klin = jnp.sum(1.0 + logvar - mu * mu - jnp.exp(logvar))
    acc[0] += bce
    acc[1] += klin

    @pl.when(i == pl.num_programs(0) - 1)
    def _():
        o_ref[0, 0] = acc[0]
        o_ref[0, 1] = acc[1]


def _tail(agg2, degs3, b1r, eps, x, W_e2d, Wd0, bd0r, Wd1, bd1r):
    return pl.pallas_call(
        _tail_body,
        grid=(GRID,),
        in_specs=[
            pl.BlockSpec((NC, RB, D), lambda i: (0, i, 0)),
            pl.BlockSpec((NC, RB, 1), lambda i: (0, i, 0)),
            pl.BlockSpec((2, 1, D), lambda i: (0, 0, 0)),
            pl.BlockSpec((RB, D), lambda i: (i, 0)),
            pl.BlockSpec((RB, D), lambda i: (i, 0)),
            pl.BlockSpec((D, D), lambda i: (0, 0)),
            pl.BlockSpec((D, D), lambda i: (0, 0)),
            pl.BlockSpec((1, D), lambda i: (0, 0)),
            pl.BlockSpec((D, D), lambda i: (0, 0)),
            pl.BlockSpec((1, D), lambda i: (0, 0)),
        ],
        out_specs=pl.BlockSpec(memory_space=pltpu.MemorySpace.SMEM),
        out_shape=jax.ShapeDtypeStruct((1, 2), _f32),
        scratch_shapes=[pltpu.SMEM((2,), _f32)],
    )(agg2, degs3, b1r, eps, x, W_e2d, Wd0, bd0r, Wd1, bd1r)


def kernel(x, edge_index, W0, b0, W1, b1, W_e2d, Wd0, bd0, Wd1, bd1):
    e32 = edge_index.astype(jnp.int32)
    e3r = e32.reshape(2, NBAT, EB)
    degs = _degrees(e32.reshape(2 * E), e3r)
    degs3 = degs.reshape(NC, NP, 1)
    h0n = _mm_scale(x, W0, degs3)
    agg1 = _seg1(h0n, e32)
    h2 = _mid(agg1, degs3, b0.reshape(1, D), W1)
    agg2 = _seg2(h2, e32)
    eps = jax.random.normal(jax.random.key(42), (N, D), dtype=_f32)
    sums = _tail(agg2, degs3, b1.reshape(2, 1, D), eps, x,
                 W_e2d, Wd0, bd0.reshape(1, D), Wd1, bd1.reshape(1, D))
    bce_sum = sums[0, 0]
    klin = sums[0, 1]
    recon_loss = bce_sum / N
    kl_loss = -0.5 * klin / N
    err = -kl_loss
    Pk = 0.02 / (1.0 + jnp.exp(err)) + 0.5
    Ik = -0.001 * err
    Wk = jnp.maximum(Pk + Ik, 1e-6)
    return Wk * kl_loss + recon_loss

# --- scband reference (transcript-rebuilt; emitter-appended) ---
"""Pipeline reference for scband-graph-vae-21294447854274 (READ-ONLY COPY).

The authoritative reference and input builder live on the scoring server;
editing this copy changes nothing except your own understanding.
"""

import jax, jax.numpy as jnp
import numpy as np

N_NODES = 10000
N_EDGES = 320000
IN_DIM = 128
HID = 128


def setup_inputs(seed: int = 0) -> dict:
    key = jax.random.key(seed)
    ks = jax.random.split(key, 12)
    # node features must lie in [0,1] because the reconstruction loss is BCE
    x = jax.random.uniform(ks[0], (N_NODES, IN_DIM), dtype=jnp.float32)
    edge_index = jax.random.randint(ks[1], (2, N_EDGES), 0, N_NODES)
    s = 0.05
    # GCN encoder: layer0 in_dim->num_hidden, layer1 num_hidden->2*num_hidden (VAE)
    W0 = jax.random.normal(ks[2], (IN_DIM, HID), dtype=jnp.float32) * s
    b0 = jnp.zeros((HID,), dtype=jnp.float32)
    W1 = jax.random.normal(ks[3], (HID, 2 * HID), dtype=jnp.float32) * s
    b1 = jnp.zeros((2 * HID,), dtype=jnp.float32)
    # encoder_to_decoder linear (no bias)
    W_e2d = jax.random.normal(ks[4], (HID, HID), dtype=jnp.float32) * s
    # 2-layer MLP decoder: hid->hid->in_dim, then sigmoid
    Wd0 = jax.random.normal(ks[5], (HID, HID), dtype=jnp.float32) * s
    bd0 = jnp.zeros((HID,), dtype=jnp.float32)
    Wd1 = jax.random.normal(ks[6], (HID, IN_DIM), dtype=jnp.float32) * s
    bd1 = jnp.zeros((IN_DIM,), dtype=jnp.float32)
    return {"x": x, "edge_index": edge_index, "W0": W0, "b0": b0, "W1": W1,
            "b1": b1, "W_e2d": W_e2d, "Wd0": Wd0, "bd0": bd0, "Wd1": Wd1, "bd1": bd1}


def reference(x, edge_index, W0, b0, W1, b1, W_e2d, Wd0, bd0, Wd1, bd1):
    N = x.shape[0]
    src = edge_index[0]
    dst = edge_index[1]
    # symmetric ('both') GCN normalization as in DGL GraphConv
    deg_out = jnp.maximum(jnp.zeros((N,), jnp.float32).at[src].add(1.0), 1.0)
    deg_in = jnp.maximum(jnp.zeros((N,), jnp.float32).at[dst].add(1.0), 1.0)
    inv_sqrt_out = deg_out ** -0.5
    inv_sqrt_in = deg_in ** -0.5

    def gcn_layer(h, W, b):
        h = h @ W
        h = h * inv_sqrt_out[:, None]
        msgs = jnp.take(h, src, axis=0)                      # gather
        agg = jnp.zeros((N, h.shape[1]), h.dtype).at[dst].add(msgs)  # scatter-add
        agg = agg * inv_sqrt_in[:, None]
        return agg + b

    # encoder (num_layers=2, activation on all but last layer)
    h = jax.nn.relu(gcn_layer(x, W0, b0))
    enc_rep = gcn_layer(h, W1, b1)

    # VAE reparameterization
    mu = enc_rep[:, :HID]
    logvar = enc_rep[:, HID:]
    eps = jax.random.normal(jax.random.key(42), mu.shape, dtype=jnp.float32)
    z = mu + eps * jnp.exp(0.5 * logvar)

    # encoder_to_decoder + MLP decoder + sigmoid
    rep = z @ W_e2d
    hdec = jax.nn.relu(rep @ Wd0 + bd0)
    recon = jax.nn.sigmoid(hdec @ Wd1 + bd1)

    # BCE(sum)/N
    p = jnp.clip(recon, 1e-7, 1.0 - 1e-7)
    recon_loss = -jnp.sum(x * jnp.log(p) + (1.0 - x) * jnp.log1p(-p)) / N
    # KL / N
    kl_loss = -0.5 * jnp.sum(1.0 + logvar - mu ** 2 - jnp.exp(logvar)) / N

    # PID controller weight (first step: exp_kl=0, I_k1=0, W_k1=1)
    klv = jax.lax.stop_gradient(kl_loss)  # .item() detaches in torch
    err = -klv  # exp_kl - kl
    Pk = 0.02 / (1.0 + jnp.exp(err)) + 0.5
    Ik = -0.001 * err
    Wk = jnp.maximum(Pk + Ik, 1e-6)

    loss = Wk * kl_loss + recon_loss
    return loss

if __name__ == "__main__":
    import jax
    _d = setup_inputs()
    print(jax.jit(kernel)(*tuple(_d.values())))

</pallas_src>

<mosaic_0001>
#map = affine_map<(d0, d1) -> (0, 0)>
#map1 = affine_map<(d0, d1) -> (0, 0, 0)>
module attributes {stable_mosaic.version = 14 : i64} {
  func.func @_seg1_body(%arg0: i32, %arg1: i32, %arg2: memref<10240x128xf32, #tpu.memory_space<hbm>>, %arg3: memref<2x320000xi32, #tpu.memory_space<hbm>>, %arg4: memref<2x10240x128xf32, #tpu.memory_space<hbm>>, %arg5: memref<2x128xi32, #tpu.memory_space<vmem>>, %arg6: memref<128xi32, #tpu.memory_space<vmem>>, %arg7: memref<128x128xf32, #tpu.memory_space<vmem>>, %arg8: memref<10240x128xf32, #tpu.memory_space<vmem_shared>>, %arg9: memref<!tpu.dma_semaphore, #tpu.memory_space<semaphore_mem>>, %arg10: memref<!tpu.dma_semaphore, #tpu.memory_space<semaphore_mem>>) attributes {dimension_semantics = [#tpu.dimension_semantics<core_parallel>, #tpu.dimension_semantics<subcore_parallel>], iteration_bounds = array<i64: 2, 16>, scalar_prefetch = 0 : i64, scratch_operands = 6 : i64, tpu.core_type = #tpu.core_type<sc_vector_subcore>, window_params = [{transform_indices = #map}, {transform_indices = #map}, {transform_indices = #map1}]} {
    %mul3A = arith.constant 2 : i32
    %mul3A_0 = arith.muli %arg1, %mul3A : i32
    %add3A = arith.addi %mul3A_0, %arg0 : i32
    %scan3A = arith.constant 0 : i32
    %scan3A_1 = arith.constant 0 : i32
    %scan3A_2 = arith.constant 1024 : i32
    %scan3A_3 = arith.addi %scan3A_1, %scan3A_2 : i32
    %scan3A_4 = arith.constant 1 : i32
    %scan3A_5 = scf.for %scan3A_56 = %scan3A_1 to %scan3A_3 step %scan3A_4 iter_args(%scan3A_57 = %scan3A) -> (i32)  : i32 {
      %jit3A = arith.constant 8 : i32
      %div3A = arith.divsi %scan3A_56, %jit3A : i32
      %sign3A = arith.constant 0 : i32
      %sign3A_58 = arith.cmpi sgt, %scan3A_56, %sign3A : i32
      %sign3A_59 = arith.extui %sign3A_58 : i1 to i32
      %sign3A_60 = arith.constant 0 : i32
      %sign3A_61 = arith.cmpi slt, %scan3A_56, %sign3A_60 : i32
      %sign3A_62 = arith.extui %sign3A_61 : i1 to i32
      %sign3A_63 = arith.subi %sign3A_59, %sign3A_62 : i32
      %sign3A_64 = arith.constant 0 : i32
      %sign3A_65 = arith.cmpi sgt, %jit3A, %sign3A_64 : i32
      %sign3A_66 = arith.extui %sign3A_65 : i1 to i32
      %sign3A_67 = arith.constant 0 : i32
      %sign3A_68 = arith.cmpi slt, %jit3A, %sign3A_67 : i32
      %sign3A_69 = arith.extui %sign3A_68 : i1 to i32
      %sign3A_70 = arith.subi %sign3A_66, %sign3A_69 : i32
      %ne3A = arith.cmpi ne, %sign3A_63, %sign3A_70 : i32
      %rem3A = arith.remsi %scan3A_56, %jit3A : i32
      %ne3A_71 = arith.constant 0 : i32
      %ne3A_72 = arith.cmpi ne, %rem3A, %ne3A_71 : i32
      %and3A = arith.andi %ne3A, %ne3A_72 : i1
      %sub3A = arith.constant 1 : i32
      %sub3A_73 = arith.subi %div3A, %sub3A : i32
      %select_n3A = arith.select %and3A, %sub3A_73, %div3A : i32
      %jit3A_74 = arith.constant 8 : i32
      %eq3A = arith.constant 0 : i32
      %eq3A_75 = arith.cmpi eq, %jit3A_74, %eq3A : i32
      %jit3A_76 = arith.constant 1 : i32
      %select_n3A_77 = arith.select %eq3A_75, %jit3A_76, %jit3A_74 : i32
      %rem3A_78 = arith.remsi %scan3A_56, %select_n3A_77 : i32
      %ne3A_79 = arith.constant 0 : i32
      %ne3A_80 = arith.cmpi ne, %rem3A_78, %ne3A_79 : i32
      %lt3A_81 = arith.constant 0 : i32
      %lt3A_82 = arith.cmpi slt, %rem3A_78, %lt3A_81 : i32
      %lt3A_83 = arith.constant 0 : i32
      %lt3A_84 = arith.cmpi slt, %select_n3A_77, %lt3A_83 : i32
      %ne3A_85 = arith.xori %lt3A_82, %lt3A_84 : i1
      %and3A_86 = arith.andi %ne3A_85, %ne3A_80 : i1
      %add3A_87 = arith.addi %rem3A_78, %select_n3A_77 : i32
      %select_n3A_88 = arith.select %and3A_86, %add3A_87, %rem3A_78 : i32
      %broadcast_in_dim3A = arith.constant 0.000000e+00 : f32
      %broadcast_in_dim3A_89 = vector.broadcast %broadcast_in_dim3A : f32 to vector<16xf32>
      %mul3A_90 = arith.constant 16 : i32
      %mul3A_91 = arith.muli %select_n3A_88, %mul3A_90 : i32
      %swap3A = arith.index_cast %select_n3A : i32 to index
      %swap3A_92 = arith.index_cast %mul3A_91 : i32 to index
      %swap3A_93 = tpu.vector_load %arg7[%swap3A, %swap3A_92] {strides = array<i32>} : memref<128x128xf32, #tpu.memory_space<vmem>>, vector<1x16xf32>,
      %swap3A_94 = vector.shape_cast %swap3A_93 : vector<1x16xf32> to vector<16xf32>
      %swap3A_95 = vector.shape_cast %broadcast_in_dim3A_89 : vector<16xf32> to vector<1x16xf32>
      tpu.vector_store %arg7[%swap3A, %swap3A_92], %swap3A_95 {strides = array<i32>} : memref<128x128xf32, #tpu.memory_space<vmem>>, vector<1x16xf32>,
      %scan3A_96 = arith.constant 0 : i32
      scf.yield %scan3A_96 : i32
    }
    %scan3A_6 = arith.constant 1024 : i32
    %mul3A_7 = arith.constant 640 : i32
    %mul3A_8 = arith.muli %arg1, %mul3A_7 : i32
    %add3A_9 = arith.constant 0 : i32
    %add3A_10 = arith.addi %mul3A_8, %add3A_9 : i32
    "tpu.region"() ({
      %run_scoped3A = tpu.sem_alloc : memref<!tpu.dma_semaphore, #tpu.memory_space<semaphore_mem>>
      %dma_start3A_56 = arith.constant 0 : i32
      %dma_start3A_57 = tpu.memref_slice %arg8[%add3A_10, %dma_start3A_56] : memref<10240x128xf32, #tpu.memory_space<vmem_shared>> -> memref<128x128xf32, #tpu.memory_space<vmem_shared>>
      %dma_start3A_58 = arith.constant 0 : i32
      %dma_start3A_59 = tpu.memref_slice %arg8[%add3A_10, %dma_start3A_58] : memref<10240x128xf32, #tpu.memory_space<vmem_shared>> -> memref<128x128xf32, #tpu.memory_space<vmem_shared>>
      tpu.enqueue_dma source(%arg7 : memref<128x128xf32, #tpu.memory_space<vmem>>) target(%dma_start3A_59 : memref<128x128xf32, #tpu.memory_space<vmem_shared>>) target_semaphore(%run_scoped3A : memref<!tpu.dma_semaphore, #tpu.memory_space<semaphore_mem>>)
      %dma_wait3A = arith.constant 0 : i32
      %dma_wait3A_60 = tpu.memref_slice %arg8[%add3A_10, %dma_wait3A] : memref<10240x128xf32, #tpu.memory_space<vmem_shared>> -> memref<128x128xf32, #tpu.memory_space<vmem_shared>>
      %dma_wait3A_61 = arith.constant 0 : i32
      %dma_wait3A_62 = tpu.memref_slice %arg8[%add3A_10, %dma_wait3A_61] : memref<10240x128xf32, #tpu.memory_space<vmem_shared>> -> memref<128x128xf32, #tpu.memory_space<vmem_shared>>
      tpu.wait_dma2 semaphore(%run_scoped3A : memref<!tpu.dma_semaphore, #tpu.memory_space<semaphore_mem>>) src(%arg7 : memref<128x128xf32, #tpu.memory_space<vmem>>) dst(%dma_wait3A_62 : memref<128x128xf32, #tpu.memory_space<vmem_shared>>)
      tpu.yield
    }) : () -> ()
    %mul3A_11 = arith.constant 640 : i32
    %mul3A_12 = arith.muli %arg1, %mul3A_11 : i32
    %add3A_13 = arith.constant 128 : i32
    %add3A_14 = arith.addi %mul3A_12, %add3A_13 : i32
    "tpu.region"() ({
      %run_scoped3A = tpu.sem_alloc : memref<!tpu.dma_semaphore, #tpu.memory_space<semaphore_mem>>
      %dma_start3A_56 = arith.constant 0 : i32
      %dma_start3A_57 = tpu.memref_slice %arg8[%add3A_14, %dma_start3A_56] : memref<10240x128xf32, #tpu.memory_space<vmem_shared>> -> memref<128x128xf32, #tpu.memory_space<vmem_shared>>
      %dma_start3A_58 = arith.constant 0 : i32
      %dma_start3A_59 = tpu.memref_slice %arg8[%add3A_14, %dma_start3A_58] : memref<10240x128xf32, #tpu.memory_space<vmem_shared>> -> memref<128x128xf32, #tpu.memory_space<vmem_shared>>
      tpu.enqueue_dma source(%arg7 : memref<128x128xf32, #tpu.memory_space<vmem>>) target(%dma_start3A_59 : memref<128x128xf32, #tpu.memory_space<vmem_shared>>) target_semaphore(%run_scoped3A : memref<!tpu.dma_semaphore, #tpu.memory_space<semaphore_mem>>)
      %dma_wait3A = arith.constant 0 : i32
      %dma_wait3A_60 = tpu.memref_slice %arg8[%add3A_14, %dma_wait3A] : memref<10240x128xf32, #tpu.memory_space<vmem_shared>> -> memref<128x128xf32, #tpu.memory_space<vmem_shared>>
      %dma_wait3A_61 = arith.constant 0 : i32
      %dma_wait3A_62 = tpu.memref_slice %arg8[%add3A_14, %dma_wait3A_61] : memref<10240x128xf32, #tpu.memory_space<vmem_shared>> -> memref<128x128xf32, #tpu.memory_space<vmem_shared>>
      tpu.wait_dma2 semaphore(%run_scoped3A : memref<!tpu.dma_semaphore, #tpu.memory_space<semaphore_mem>>) src(%arg7 : memref<128x128xf32, #tpu.memory_space<vmem>>) dst(%dma_wait3A_62 : memref<128x128xf32, #tpu.memory_space<vmem_shared>>)
      tpu.yield
    }) : () -> ()
    %mul3A_15 = arith.constant 640 : i32
    %mul3A_16 = arith.muli %arg1, %mul3A_15 : i32
    %add3A_17 = arith.constant 256 : i32
    %add3A_18 = arith.addi %mul3A_16, %add3A_17 : i32
    "tpu.region"() ({
      %run_scoped3A = tpu.sem_alloc : memref<!tpu.dma_semaphore, #tpu.memory_space<semaphore_mem>>
      %dma_start3A_56 = arith.constant 0 : i32
      %dma_start3A_57 = tpu.memref_slice %arg8[%add3A_18, %dma_start3A_56] : memref<10240x128xf32, #tpu.memory_space<vmem_shared>> -> memref<128x128xf32, #tpu.memory_space<vmem_shared>>
      %dma_start3A_58 = arith.constant 0 : i32
      %dma_start3A_59 = tpu.memref_slice %arg8[%add3A_18, %dma_start3A_58] : memref<10240x128xf32, #tpu.memory_space<vmem_shared>> -> memref<128x128xf32, #tpu.memory_space<vmem_shared>>
      tpu.enqueue_dma source(%arg7 : memref<128x128xf32, #tpu.memory_space<vmem>>) target(%dma_start3A_59 : memref<128x128xf32, #tpu.memory_space<vmem_shared>>) target_semaphore(%run_scoped3A : memref<!tpu.dma_semaphore, #tpu.memory_space<semaphore_mem>>)
      %dma_wait3A = arith.constant 0 : i32
      %dma_wait3A_60 = tpu.memref_slice %arg8[%add3A_18, %dma_wait3A] : memref<10240x128xf32, #tpu.memory_space<vmem_shared>> -> memref<128x128xf32, #tpu.memory_space<vmem_shared>>
      %dma_wait3A_61 = arith.constant 0 : i32
      %dma_wait3A_62 = tpu.memref_slice %arg8[%add3A_18, %dma_wait3A_61] : memref<10240x128xf32, #tpu.memory_space<vmem_shared>> -> memref<128x128xf32, #tpu.memory_space<vmem_shared>>
      tpu.wait_dma2 semaphore(%run_scoped3A : memref<!tpu.dma_semaphore, #tpu.memory_space<semaphore_mem>>) src(%arg7 : memref<128x128xf32, #tpu.memory_space<vmem>>) dst(%dma_wait3A_62 : memref<128x128xf32, #tpu.memory_space<vmem_shared>>)
      tpu.yield
    }) : () -> ()
    %mul3A_19 = arith.constant 640 : i32
    %mul3A_20 = arith.muli %arg1, %mul3A_19 : i32
    %add3A_21 = arith.constant 384 : i32
    %add3A_22 = arith.addi %mul3A_20, %add3A_21 : i32
    "tpu.region"() ({
      %run_scoped3A = tpu.sem_alloc : memref<!tpu.dma_semaphore, #tpu.memory_space<semaphore_mem>>
      %dma_start3A_56 = arith.constant 0 : i32
      %dma_start3A_57 = tpu.memref_slice %arg8[%add3A_22, %dma_start3A_56] : memref<10240x128xf32, #tpu.memory_space<vmem_shared>> -> memref<128x128xf32, #tpu.memory_space<vmem_shared>>
      %dma_start3A_58 = arith.constant 0 : i32
      %dma_start3A_59 = tpu.memref_slice %arg8[%add3A_22, %dma_start3A_58] : memref<10240x128xf32, #tpu.memory_space<vmem_shared>> -> memref<128x128xf32, #tpu.memory_space<vmem_shared>>
      tpu.enqueue_dma source(%arg7 : memref<128x128xf32, #tpu.memory_space<vmem>>) target(%dma_start3A_59 : memref<128x128xf32, #tpu.memory_space<vmem_shared>>) target_semaphore(%run_scoped3A : memref<!tpu.dma_semaphore, #tpu.memory_space<semaphore_mem>>)
      %dma_wait3A = arith.constant 0 : i32
      %dma_wait3A_60 = tpu.memref_slice %arg8[%add3A_22, %dma_wait3A] : memref<10240x128xf32, #tpu.memory_space<vmem_shared>> -> memref<128x128xf32, #tpu.memory_space<vmem_shared>>
      %dma_wait3A_61 = arith.constant 0 : i32
      %dma_wait3A_62 = tpu.memref_slice %arg8[%add3A_22, %dma_wait3A_61] : memref<10240x128xf32, #tpu.memory_space<vmem_shared>> -> memref<128x128xf32, #tpu.memory_space<vmem_shared>>
      tpu.wait_dma2 semaphore(%run_scoped3A : memref<!tpu.dma_semaphore, #tpu.memory_space<semaphore_mem>>) src(%arg7 : memref<128x128xf32, #tpu.memory_space<vmem>>) dst(%dma_wait3A_62 : memref<128x128xf32, #tpu.memory_space<vmem_shared>>)
      tpu.yield
    }) : () -> ()
    %mul3A_23 = arith.constant 640 : i32
    %mul3A_24 = arith.muli %arg1, %mul3A_23 : i32
    %add3A_25 = arith.constant 512 : i32
    %add3A_26 = arith.addi %mul3A_24, %add3A_25 : i32
    "tpu.region"() ({
      %run_scoped3A = tpu.sem_alloc : memref<!tpu.dma_semaphore, #tpu.memory_space<semaphore_mem>>
      %dma_start3A_56 = arith.constant 0 : i32
      %dma_start3A_57 = tpu.memref_slice %arg8[%add3A_26, %dma_start3A_56] : memref<10240x128xf32, #tpu.memory_space<vmem_shared>> -> memref<128x128xf32, #tpu.memory_space<vmem_shared>>
      %dma_start3A_58 = arith.constant 0 : i32
      %dma_start3A_59 = tpu.memref_slice %arg8[%add3A_26, %dma_start3A_58] : memref<10240x128xf32, #tpu.memory_space<vmem_shared>> -> memref<128x128xf32, #tpu.memory_space<vmem_shared>>
      tpu.enqueue_dma source(%arg7 : memref<128x128xf32, #tpu.memory_space<vmem>>) target(%dma_start3A_59 : memref<128x128xf32, #tpu.memory_space<vmem_shared>>) target_semaphore(%run_scoped3A : memref<!tpu.dma_semaphore, #tpu.memory_space<semaphore_mem>>)
      %dma_wait3A = arith.constant 0 : i32
      %dma_wait3A_60 = tpu.memref_slice %arg8[%add3A_26, %dma_wait3A] : memref<10240x128xf32, #tpu.memory_space<vmem_shared>> -> memref<128x128xf32, #tpu.memory_space<vmem_shared>>
      %dma_wait3A_61 = arith.constant 0 : i32
      %dma_wait3A_62 = tpu.memref_slice %arg8[%add3A_26, %dma_wait3A_61] : memref<10240x128xf32, #tpu.memory_space<vmem_shared>> -> memref<128x128xf32, #tpu.memory_space<vmem_shared>>
      tpu.wait_dma2 semaphore(%run_scoped3A : memref<!tpu.dma_semaphore, #tpu.memory_space<semaphore_mem>>) src(%arg7 : memref<128x128xf32, #tpu.memory_space<vmem>>) dst(%dma_wait3A_62 : memref<128x128xf32, #tpu.memory_space<vmem_shared>>)
      tpu.yield
    }) : () -> ()
    %barrier3A = arith.constant 0 : index
    tpu.barrier barrier_id(%barrier3A)
    %add3A_27 = arith.constant 0 : i32
    %add3A_28 = arith.addi %add3A_27, %add3A : i32
    %mul3A_29 = arith.constant 128 : i32
    %mul3A_30 = arith.muli %add3A_28, %mul3A_29 : i32
    %dma_start3A = arith.constant 0 : i32
    %dma_start3A_31 = arith.constant 0 : i32
    %dma_start3A_32 = arith.constant 0 : i32
    %dma_start3A_33 = tpu.memref_slice %arg5[%dma_start3A_31, %dma_start3A_32] : memref<2x128xi32, #tpu.memory_space<vmem>> -> memref<1x128xi32, #tpu.memory_space<vmem>>
    %dma_start3A_34 = tpu.memref_squeeze %dma_start3A_33 : memref<1x128xi32, #tpu.memory_space<vmem>> -> memref<128xi32, #tpu.memory_space<vmem>>
    %dma_start3A_35 = tpu.memref_slice %arg3[%dma_start3A, %mul3A_30] : memref<2x320000xi32, #tpu.memory_space<hbm>> -> memref<1x128xi32, #tpu.memory_space<hbm>>
    %dma_start3A_36 = tpu.memref_squeeze %dma_start3A_35 : memref<1x128xi32, #tpu.memory_space<hbm>> -> memref<128xi32, #tpu.memory_space<hbm>>
    %dma_start3A_37 = arith.constant 0 : i32
    %dma_start3A_38 = tpu.memref_slice %arg5[%dma_start3A_31, %dma_start3A_37] : memref<2x128xi32, #tpu.memory_space<vmem>> -> memref<1x128xi32, #tpu.memory_space<vmem>>
    %dma_start3A_39 = tpu.memref_squeeze %dma_start3A_38 : memref<1x128xi32, #tpu.memory_space<vmem>> -> memref<128xi32, #tpu.memory_space<vmem>>
    %dma_start3A_40 = tpu.memref_slice %arg3[%dma_start3A, %mul3A_30] : memref<2x320000xi32, #tpu.memory_space<hbm>> -> memref<1x128xi32, #tpu.memory_space<hbm>>
    %dma_start3A_41 = tpu.memref_squeeze %dma_start3A_40 : memref<1x128xi32, #tpu.memory_space<hbm>> -> memref<128xi32, #tpu.memory_space<hbm>>
    tpu.enqueue_dma source(%dma_start3A_41 : memref<128xi32, #tpu.memory_space<hbm>>) target(%dma_start3A_39 : memref<128xi32, #tpu.memory_space<vmem>>) target_semaphore(%arg10 : memref<!tpu.dma_semaphore, #tpu.memory_space<semaphore_mem>>)
    %scan3A_42 = arith.constant 0 : i32
    %scan3A_43 = arith.constant 0 : i32
    %scan3A_44 = arith.constant 39 : i32
    %scan3A_45 = arith.addi %scan3A_43, %scan3A_44 : i32
    %scan3A_46 = arith.constant 1 : i32
    %scan3A_47 = scf.for %scan3A_56 = %scan3A_43 to %scan3A_45 step %scan3A_46 iter_args(%scan3A_57 = %scan3A_42) -> (i32)  : i32 {
      %mul3A_58 = arith.constant 2 : i32
      %mul3A_59 = arith.muli %scan3A_56, %mul3A_58 : i32
      %add3A_60 = arith.constant 0 : i32
      %add3A_61 = arith.addi %mul3A_59, %add3A_60 : i32
      %dma_wait3A = arith.constant 0 : i32
      %dma_wait3A_62 = arith.constant 0 : i32
      %dma_wait3A_63 = arith.constant 0 : i32
      %dma_wait3A_64 = tpu.memref_slice %arg5[%dma_wait3A_62, %dma_wait3A_63] : memref<2x128xi32, #tpu.memory_space<vmem>> -> memref<1x128xi32, #tpu.memory_space<vmem>>
      %dma_wait3A_65 = tpu.memref_squeeze %dma_wait3A_64 : memref<1x128xi32, #tpu.memory_space<vmem>> -> memref<128xi32, #tpu.memory_space<vmem>>
      %dma_wait3A_66 = arith.constant 0 : i32
      %dma_wait3A_67 = tpu.memref_slice %arg3[%dma_wait3A, %dma_wait3A_66] : memref<2x320000xi32, #tpu.memory_space<hbm>> -> memref<1x128xi32, #tpu.memory_space<hbm>>
      %dma_wait3A_68 = tpu.memref_squeeze %dma_wait3A_67 : memref<1x128xi32, #tpu.memory_space<hbm>> -> memref<128xi32, #tpu.memory_space<hbm>>
      %dma_wait3A_69 = arith.constant 0 : i32
      %dma_wait3A_70 = tpu.memref_slice %arg5[%dma_wait3A_62, %dma_wait3A_69] : memref<2x128xi32, #tpu.memory_space<vmem>> -> memref<1x128xi32, #tpu.memory_space<vmem>>
      %dma_wait3A_71 = tpu.memref_squeeze %dma_wait3A_70 : memref<1x128xi32, #tpu.memory_space<vmem>> -> memref<128xi32, #tpu.memory_space<vmem>>
      %dma_wait3A_72 = arith.constant 0 : i32
      %dma_wait3A_73 = tpu.memref_slice %arg3[%dma_wait3A, %dma_wait3A_72] : memref<2x320000xi32, #tpu.memory_space<hbm>> -> memref<1x128xi32, #tpu.memory_space<hbm>>
      %dma_wait3A_74 = tpu.memref_squeeze %dma_wait3A_73 : memref<1x128xi32, #tpu.memory_space<hbm>> -> memref<128xi32, #tpu.memory_space<hbm>>
      tpu.wait_dma2 semaphore(%arg10 : memref<!tpu.dma_semaphore, #tpu.memory_space<semaphore_mem>>) src(%dma_wait3A_74 : memref<128xi32, #tpu.memory_space<hbm>>) dst(%dma_wait3A_71 : memref<128xi32, #tpu.memory_space<vmem>>)
      %dma_start3A_75 = arith.constant 0 : i32
      %dma_start3A_76 = arith.constant 0 : i32
      %dma_start3A_77 = tpu.memref_slice %arg5[%dma_start3A_75, %dma_start3A_76] : memref<2x128xi32, #tpu.memory_space<vmem>> -> memref<1x128xi32, #tpu.memory_space<vmem>>
      %dma_start3A_78 = tpu.memref_squeeze %dma_start3A_77 : memref<1x128xi32, #tpu.memory_space<vmem>> -> memref<128xi32, #tpu.memory_space<vmem>>
      %dma_start3A_79 = arith.constant 0 : i32
      %dma_start3A_80 = arith.constant 0 : i32
      %dma_start3A_81 = tpu.memref_slice %arg2[%dma_start3A_79, %dma_start3A_80] : memref<10240x128xf32, #tpu.memory_space<hbm>> -> memref<10240x128xf32, #tpu.memory_space<hbm>>
      tpu.enqueue_indirect_dma source(%dma_start3A_81 : memref<10240x128xf32, #tpu.memory_space<hbm>>) target(%arg7 : memref<128x128xf32, #tpu.memory_space<vmem>>) offsets(%dma_start3A_78 : memref<128xi32, #tpu.memory_space<vmem>>) semaphore(%arg9 : memref<!tpu.dma_semaphore, #tpu.memory_space<semaphore_mem>>)
      %mul3A_82 = arith.constant 32 : i32
      %mul3A_83 = arith.muli %add3A_61, %mul3A_82 : i32
      %add3A_84 = arith.addi %mul3A_83, %add3A : i32
      %mul3A_85 = arith.constant 128 : i32
      %mul3A_86 = arith.muli %add3A_84, %mul3A_85 : i32
      %run_scoped3A = arith.constant 1 : i32
      "tpu.region"() ({
        %run_scoped3A_145 = tpu.sem_alloc : memref<!tpu.dma_semaphore, #tpu.memory_space<semaphore_mem>>
        %dma_start3A_146 = tpu.memref_slice %arg3[%run_scoped3A, %mul3A_86] : memref<2x320000xi32, #tpu.memory_space<hbm>> -> memref<1x128xi32, #tpu.memory_space<hbm>>
        %dma_start3A_147 = tpu.memref_squeeze %dma_start3A_146 : memref<1x128xi32, #tpu.memory_space<hbm>> -> memref<128xi32, #tpu.memory_space<hbm>>
        %dma_start3A_148 = tpu.memref_slice %arg3[%run_scoped3A, %mul3A_86] : memref<2x320000xi32, #tpu.memory_space<hbm>> -> memref<1x128xi32, #tpu.memory_space<hbm>>
        %dma_start3A_149 = tpu.memref_squeeze %dma_start3A_148 : memref<1x128xi32, #tpu.memory_space<hbm>> -> memref<128xi32, #tpu.memory_space<hbm>>
        tpu.enqueue_dma source(%dma_start3A_149 : memref<128xi32, #tpu.memory_space<hbm>>) target(%arg6 : memref<128xi32, #tpu.memory_space<vmem>>) target_semaphore(%run_scoped3A_145 : memref<!tpu.dma_semaphore, #tpu.memory_space<semaphore_mem>>)
        %dma_wait3A_150 = tpu.memref_slice %arg3[%run_scoped3A, %mul3A_86] : memref<2x320000xi32, #tpu.memory_space<hbm>> -> memref<1x128xi32, #tpu.memory_space<hbm>>
        %dma_wait3A_151 = tpu.memref_squeeze %dma_wait3A_150 : memref<1x128xi32, #tpu.memory_space<hbm>> -> memref<128xi32, #tpu.memory_space<hbm>>
        %dma_wait3A_152 = tpu.memref_slice %arg3[%run_scoped3A, %mul3A_86] : memref<2x320000xi32, #tpu.memory_space<hbm>> -> memref<1x128xi32, #tpu.memory_space<hbm>>
        %dma_wait3A_153 = tpu.memref_squeeze %dma_wait3A_152 : memref<1x128xi32, #tpu.memory_space<hbm>> -> memref<128xi32, #tpu.memory_space<hbm>>
        tpu.wait_dma2 semaphore(%run_scoped3A_145 : memref<!tpu.dma_semaphore, #tpu.memory_space<semaphore_mem>>) src(%dma_wait3A_153 : memref<128xi32, #tpu.memory_space<hbm>>) dst(%arg6 : memref<128xi32, #tpu.memory_space<vmem>>)
        tpu.yield
      }) : () -> ()
      %add3A_87 = arith.constant 1 : i32
      %add3A_88 = arith.addi %add3A_61, %add3A_87 : i32
      %lt3A_89 = arith.constant 78 : i32
      %lt3A_90 = arith.cmpi slt, %add3A_88, %lt3A_89 : i32
      %convert_element_type3A_91 = arith.extui %lt3A_90 : i1 to i32
      %cond3A_92 = arith.constant 0 : i32
      %cond3A_93 = arith.cmpi ne, %convert_element_type3A_91, %cond3A_92 : i32
      scf.if %cond3A_93 {
        %add3A_145 = arith.constant 1 : i32
        %add3A_146 = arith.addi %add3A_61, %add3A_145 : i32
        %mul3A_147 = arith.constant 32 : i32
        %mul3A_148 = arith.muli %add3A_146, %mul3A_147 : i32
        %add3A_149 = arith.addi %mul3A_148, %add3A : i32
        %mul3A_150 = arith.constant 128 : i32
        %mul3A_151 = arith.muli %add3A_149, %mul3A_150 : i32
        %dma_start3A_152 = arith.constant 0 : i32
        %dma_start3A_153 = arith.constant 1 : i32
        %dma_start3A_154 = arith.constant 0 : i32
        %dma_start3A_155 = tpu.memref_slice %arg5[%dma_start3A_153, %dma_start3A_154] : memref<2x128xi32, #tpu.memory_space<vmem>> -> memref<1x128xi32, #tpu.memory_space<vmem>>
        %dma_start3A_156 = tpu.memref_squeeze %dma_start3A_155 : memref<1x128xi32, #tpu.memory_space<vmem>> -> memref<128xi32, #tpu.memory_space<vmem>>
        %dma_start3A_157 = tpu.memref_slice %arg3[%dma_start3A_152, %mul3A_151] : memref<2x320000xi32, #tpu.memory_space<hbm>> -> memref<1x128xi32, #tpu.memory_space<hbm>>
        %dma_start3A_158 = tpu.memref_squeeze %dma_start3A_157 : memref<1x128xi32, #tpu.memory_space<hbm>> -> memref<128xi32, #tpu.memory_space<hbm>>
        %dma_start3A_159 = arith.constant 0 : i32
        %dma_start3A_160 = tpu.memref_slice %arg5[%dma_start3A_153, %dma_start3A_159] : memref<2x128xi32, #tpu.memory_space<vmem>> -> memref<1x128xi32, #tpu.memory_space<vmem>>
        %dma_start3A_161 = tpu.memref_squeeze %dma_start3A_160 : memref<1x128xi32, #tpu.memory_space<vmem>> -> memref<128xi32, #tpu.memory_space<vmem>>
        %dma_start3A_162 = tpu.memref_slice %arg3[%dma_start3A_152, %mul3A_151] : memref<2x320000xi32, #tpu.memory_space<hbm>> -> memref<1x128xi32, #tpu.memory_space<hbm>>
        %dma_start3A_163 = tpu.memref_squeeze %dma_start3A_162 : memref<1x128xi32, #tpu.memory_space<hbm>> -> memref<128xi32, #tpu.memory_space<hbm>>
        tpu.enqueue_dma source(%dma_start3A_163 : memref<128xi32, #tpu.memory_space<hbm>>) target(%dma_start3A_161 : memref<128xi32, #tpu.memory_space<vmem>>) target_semaphore(%arg10 : memref<!tpu.dma_semaphore, #tpu.memory_space<semaphore_mem>>)
      } else {
      }
      %dma_wait3A_94 = arith.constant 0 : i32
      %dma_wait3A_95 = arith.constant 0 : i32
      %dma_wait3A_96 = tpu.memref_slice %arg2[%dma_wait3A_94, %dma_wait3A_95] : memref<10240x128xf32, #tpu.memory_space<hbm>> -> memref<128x128xf32, #tpu.memory_space<hbm>>
      %dma_wait3A_97 = arith.constant 0 : i32
      %dma_wait3A_98 = arith.constant 0 : i32
      %dma_wait3A_99 = tpu.memref_slice %arg2[%dma_wait3A_97, %dma_wait3A_98] : memref<10240x128xf32, #tpu.memory_space<hbm>> -> memref<128x128xf32, #tpu.memory_space<hbm>>
      tpu.wait_dma2 semaphore(%arg9 : memref<!tpu.dma_semaphore, #tpu.memory_space<semaphore_mem>>) src(%dma_wait3A_99 : memref<128x128xf32, #tpu.memory_space<hbm>>) dst(%arg7 : memref<128x128xf32, #tpu.memory_space<vmem>>)
      "tpu.region"() ({
        %run_scoped3A_145 = tpu.sem_alloc : memref<!tpu.dma_semaphore, #tpu.memory_space<semaphore_mem>>
        %dma_start3A_146 = arith.constant 0 : i32
        %dma_start3A_147 = arith.constant 0 : i32
        %dma_start3A_148 = tpu.memref_slice %arg8[%dma_start3A_146, %dma_start3A_147] : memref<10240x128xf32, #tpu.memory_space<vmem_shared>> -> memref<10240x128xf32, #tpu.memory_space<vmem_shared>>
        tpu.enqueue_indirect_dma source(%arg7 : memref<128x128xf32, #tpu.memory_space<vmem>>) target(%dma_start3A_148 : memref<10240x128xf32, #tpu.memory_space<vmem_shared>>) offsets(%arg6 : memref<128xi32, #tpu.memory_space<vmem>>) semaphore(%run_scoped3A_145 : memref<!tpu.dma_semaphore, #tpu.memory_space<semaphore_mem>>) {add = true}
        %dma_wait3A_149 = arith.constant 0 : i32
        %dma_wait3A_150 = arith.constant 0 : i32
        %dma_wait3A_151 = tpu.memref_slice %arg8[%dma_wait3A_149, %dma_wait3A_150] : memref<10240x128xf32, #tpu.memory_space<vmem_shared>> -> memref<10240x128xf32, #tpu.memory_space<vmem_shared>>
        tpu.wait_indirect_dma semaphore(%run_scoped3A_145 : memref<!tpu.dma_semaphore, #tpu.memory_space<semaphore_mem>>) src(%arg7 : memref<128x128xf32, #tpu.memory_space<vmem>>) dst(%dma_wait3A_151 : memref<10240x128xf32, #tpu.memory_space<vmem_shared>>)
        tpu.yield
      }) : () -> ()
      %mul3A_100 = arith.constant 2 : i32
      %mul3A_101 = arith.muli %scan3A_56, %mul3A_100 : i32
      %add3A_102 = arith.constant 1 : i32
      %add3A_103 = arith.addi %mul3A_101, %add3A_102 : i32
      %dma_wait3A_104 = arith.constant 0 : i32
      %dma_wait3A_105 = arith.constant 1 : i32
      %dma_wait3A_106 = arith.constant 0 : i32
      %dma_wait3A_107 = tpu.memref_slice %arg5[%dma_wait3A_105, %dma_wait3A_106] : memref<2x128xi32, #tpu.memory_space<vmem>> -> memref<1x128xi32, #tpu.memory_space<vmem>>
      %dma_wait3A_108 = tpu.memref_squeeze %dma_wait3A_107 : memref<1x128xi32, #tpu.memory_space<vmem>> -> memref<128xi32, #tpu.memory_space<vmem>>
      %dma_wait3A_109 = arith.constant 0 : i32
      %dma_wait3A_110 = tpu.memref_slice %arg3[%dma_wait3A_104, %dma_wait3A_109] : memref<2x320000xi32, #tpu.memory_space<hbm>> -> memref<1x128xi32, #tpu.memory_space<hbm>>
      %dma_wait3A_111 = tpu.memref_squeeze %dma_wait3A_110 : memref<1x128xi32, #tpu.memory_space<hbm>> -> memref<128xi32, #tpu.memory_space<hbm>>
      %dma_wait3A_112 = arith.constant 0 : i32
      %dma_wait3A_113 = tpu.memref_slice %arg5[%dma_wait3A_105, %dma_wait3A_112] : memref<2x128xi32, #tpu.memory_space<vmem>> -> memref<1x128xi32, #tpu.memory_space<vmem>>
      %dma_wait3A_114 = tpu.memref_squeeze %dma_wait3A_113 : memref<1x128xi32, #tpu.memory_space<vmem>> -> memref<128xi32, #tpu.memory_space<vmem>>
      %dma_wait3A_115 = arith.constant 0 : i32
      %dma_wait3A_116 = tpu.memref_slice %arg3[%dma_wait3A_104, %dma_wait3A_115] : memref<2x320000xi32, #tpu.memory_space<hbm>> -> memref<1x128xi32, #tpu.memory_space<hbm>>
      %dma_wait3A_117 = tpu.memref_squeeze %dma_wait3A_116 : memref<1x128xi32, #tpu.memory_space<hbm>> -> memref<128xi32, #tpu.memory_space<hbm>>
      tpu.wait_dma2 semaphore(%arg10 : memref<!tpu.dma_semaphore, #tpu.memory_space<semaphore_mem>>) src(%dma_wait3A_117 : memref<128xi32, #tpu.memory_space<hbm>>) dst(%dma_wait3A_114 : memref<128xi32, #tpu.memory_space<vmem>>)
      %dma_start3A_118 = arith.constant 1 : i32
      %dma_start3A_119 = arith.constant 0 : i32
      %dma_start3A_120 = tpu.memref_slice %arg5[%dma_start3A_118, %dma_start3A_119] : memref<2x128xi32, #tpu.memory_space<vmem>> -> memref<1x128xi32, #tpu.memory_space<vmem>>
      %dma_start3A_121 = tpu.memref_squeeze %dma_start3A_120 : memref<1x128xi32, #tpu.memory_space<vmem>> -> memref<128xi32, #tpu.memory_space<vmem>>
      %dma_start3A_122 = arith.constant 0 : i32
      %dma_start3A_123 = arith.constant 0 : i32
      %dma_start3A_124 = tpu.memref_slice %arg2[%dma_start3A_122, %dma_start3A_123] : memref<10240x128xf32, #tpu.memory_space<hbm>> -> memref<10240x128xf32, #tpu.memory_space<hbm>>
      tpu.enqueue_indirect_dma source(%dma_start3A_124 : memref<10240x128xf32, #tpu.memory_space<hbm>>) target(%arg7 : memref<128x128xf32, #tpu.memory_space<vmem>>) offsets(%dma_start3A_121 : memref<128xi32, #tpu.memory_space<vmem>>) semaphore(%arg9 : memref<!tpu.dma_semaphore, #tpu.memory_space<semaphore_mem>>)
      %mul3A_125 = arith.constant 32 : i32
      %mul3A_126 = arith.muli %add3A_103, %mul3A_125 : i32
      %add3A_127 = arith.addi %mul3A_126, %add3A : i32
      %mul3A_128 = arith.constant 128 : i32
      %mul3A_129 = arith.muli %add3A_127, %mul3A_128 : i32
      %run_scoped3A_130 = arith.constant 1 : i32
      "tpu.region"() ({
        %run_scoped3A_145 = tpu.sem_alloc : memref<!tpu.dma_semaphore, #tpu.memory_space<semaphore_mem>>
        %dma_start3A_146 = tpu.memref_slice %arg3[%run_scoped3A_130, %mul3A_129] : memref<2x320000xi32, #tpu.memory_space<hbm>> -> memref<1x128xi32, #tpu.memory_space<hbm>>
        %dma_start3A_147 = tpu.memref_squeeze %dma_start3A_146 : memref<1x128xi32, #tpu.memory_space<hbm>> -> memref<128xi32, #tpu.memory_space<hbm>>
        %dma_start3A_148 = tpu.memref_slice %arg3[%run_scoped3A_130, %mul3A_129] : memref<2x320000xi32, #tpu.memory_space<hbm>> -> memref<1x128xi32, #tpu.memory_space<hbm>>
        %dma_start3A_149 = tpu.memref_squeeze %dma_start3A_148 : memref<1x128xi32, #tpu.memory_space<hbm>> -> memref<128xi32, #tpu.memory_space<hbm>>
        tpu.enqueue_dma source(%dma_start3A_149 : memref<128xi32, #tpu.memory_space<hbm>>) target(%arg6 : memref<128xi32, #tpu.memory_space<vmem>>) target_semaphore(%run_scoped3A_145 : memref<!tpu.dma_semaphore, #tpu.memory_space<semaphore_mem>>)
        %dma_wait3A_150 = tpu.memref_slice %arg3[%run_scoped3A_130, %mul3A_129] : memref<2x320000xi32, #tpu.memory_space<hbm>> -> memref<1x128xi32, #tpu.memory_space<hbm>>
        %dma_wait3A_151 = tpu.memref_squeeze %dma_wait3A_150 : memref<1x128xi32, #tpu.memory_space<hbm>> -> memref<128xi32, #tpu.memory_space<hbm>>
        %dma_wait3A_152 = tpu.memref_slice %arg3[%run_scoped3A_130, %mul3A_129] : memref<2x320000xi32, #tpu.memory_space<hbm>> -> memref<1x128xi32, #tpu.memory_space<hbm>>
        %dma_wait3A_153 = tpu.memref_squeeze %dma_wait3A_152 : memref<1x128xi32, #tpu.memory_space<hbm>> -> memref<128xi32, #tpu.memory_space<hbm>>
        tpu.wait_dma2 semaphore(%run_scoped3A_145 : memref<!tpu.dma_semaphore, #tpu.memory_space<semaphore_mem>>) src(%dma_wait3A_153 : memref<128xi32, #tpu.memory_space<hbm>>) dst(%arg6 : memref<128xi32, #tpu.memory_space<vmem>>)
        tpu.yield
      }) : () -> ()
      %add3A_131 = arith.constant 1 : i32
      %add3A_132 = arith.addi %add3A_103, %add3A_131 : i32
      %lt3A_133 = arith.constant 78 : i32
      %lt3A_134 = arith.cmpi slt, %add3A_132, %lt3A_133 : i32
      %convert_element_type3A_135 = arith.extui %lt3A_134 : i1 to i32
      %cond3A_136 = arith.constant 0 : i32
      %cond3A_137 = arith.cmpi ne, %convert_element_type3A_135, %cond3A_136 : i32
      scf.if %cond3A_137 {
        %add3A_145 = arith.constant 1 : i32
        %add3A_146 = arith.addi %add3A_103, %add3A_145 : i32
        %mul3A_147 = arith.constant 32 : i32
        %mul3A_148 = arith.muli %add3A_146, %mul3A_147 : i32
        %add3A_149 = arith.addi %mul3A_148, %add3A : i32
        %mul3A_150 = arith.constant 128 : i32
        %mul3A_151 = arith.muli %add3A_149, %mul3A_150 : i32
        %dma_start3A_152 = arith.constant 0 : i32
        %dma_start3A_153 = arith.constant 0 : i32
        %dma_start3A_154 = arith.constant 0 : i32
        %dma_start3A_155 = tpu.memref_slice %arg5[%dma_start3A_153, %dma_start3A_154] : memref<2x128xi32, #tpu.memory_space<vmem>> -> memref<1x128xi32, #tpu.memory_space<vmem>>
        %dma_start3A_156 = tpu.memref_squeeze %dma_start3A_155 : memref<1x128xi32, #tpu.memory_space<vmem>> -> memref<128xi32, #tpu.memory_space<vmem>>
        %dma_start3A_157 = tpu.memref_slice %arg3[%dma_start3A_152, %mul3A_151] : memref<2x320000xi32, #tpu.memory_space<hbm>> -> memref<1x128xi32, #tpu.memory_space<hbm>>
        %dma_start3A_158 = tpu.memref_squeeze %dma_start3A_157 : memref<1x128xi32, #tpu.memory_space<hbm>> -> memref<128xi32, #tpu.memory_space<hbm>>
        %dma_start3A_159 = arith.constant 0 : i32
        %dma_start3A_160 = tpu.memref_slice %arg5[%dma_start3A_153, %dma_start3A_159] : memref<2x128xi32, #tpu.memory_space<vmem>> -> memref<1x128xi32, #tpu.memory_space<vmem>>
        %dma_start3A_161 = tpu.memref_squeeze %dma_start3A_160 : memref<1x128xi32, #tpu.memory_space<vmem>> -> memref<128xi32, #tpu.memory_space<vmem>>
        %dma_start3A_162 = tpu.memref_slice %arg3[%dma_start3A_152, %mul3A_151] : memref<2x320000xi32, #tpu.memory_space<hbm>> -> memref<1x128xi32, #tpu.memory_space<hbm>>
        %dma_start3A_163 = tpu.memref_squeeze %dma_start3A_162 : memref<1x128xi32, #tpu.memory_space<hbm>> -> memref<128xi32, #tpu.memory_space<hbm>>
        tpu.enqueue_dma source(%dma_start3A_163 : memref<128xi32, #tpu.memory_space<hbm>>) target(%dma_start3A_161 : memref<128xi32, #tpu.memory_space<vmem>>) target_semaphore(%arg10 : memref<!tpu.dma_semaphore, #tpu.memory_space<semaphore_mem>>)
      } else {
      }
      %dma_wait3A_138 = arith.constant 0 : i32
      %dma_wait3A_139 = arith.constant 0 : i32
      %dma_wait3A_140 = tpu.memref_slice %arg2[%dma_wait3A_138, %dma_wait3A_139] : memref<10240x128xf32, #tpu.memory_space<hbm>> -> memref<128x128xf32, #tpu.memory_space<hbm>>
      %dma_wait3A_141 = arith.constant 0 : i32
      %dma_wait3A_142 = arith.constant 0 : i32
      %dma_wait3A_143 = tpu.memref_slice %arg2[%dma_wait3A_141, %dma_wait3A_142] : memref<10240x128xf32, #tpu.memory_space<hbm>> -> memref<128x128xf32, #tpu.memory_space<hbm>>
      tpu.wait_dma2 semaphore(%arg9 : memref<!tpu.dma_semaphore, #tpu.memory_space<semaphore_mem>>) src(%dma_wait3A_143 : memref<128x128xf32, #tpu.memory_space<hbm>>) dst(%arg7 : memref<128x128xf32, #tpu.memory_space<vmem>>)
      "tpu.region"() ({
        %run_scoped3A_145 = tpu.sem_alloc : memref<!tpu.dma_semaphore, #tpu.memory_space<semaphore_mem>>
        %dma_start3A_146 = arith.constant 0 : i32
        %dma_start3A_147 = arith.constant 0 : i32
        %dma_start3A_148 = tpu.memref_slice %arg8[%dma_start3A_146, %dma_start3A_147] : memref<10240x128xf32, #tpu.memory_space<vmem_shared>> -> memref<10240x128xf32, #tpu.memory_space<vmem_shared>>
        tpu.enqueue_indirect_dma source(%arg7 : memref<128x128xf32, #tpu.memory_space<vmem>>) target(%dma_start3A_148 : memref<10240x128xf32, #tpu.memory_space<vmem_shared>>) offsets(%arg6 : memref<128xi32, #tpu.memory_space<vmem>>) semaphore(%run_scoped3A_145 : memref<!tpu.dma_semaphore, #tpu.memory_space<semaphore_mem>>) {add = true}
        %dma_wait3A_149 = arith.constant 0 : i32
        %dma_wait3A_150 = arith.constant 0 : i32
        %dma_wait3A_151 = tpu.memref_slice %arg8[%dma_wait3A_149, %dma_wait3A_150] : memref<10240x128xf32, #tpu.memory_space<vmem_shared>> -> memref<10240x128xf32, #tpu.memory_space<vmem_shared>>
        tpu.wait_indirect_dma semaphore(%run_scoped3A_145 : memref<!tpu.dma_semaphore, #tpu.memory_space<semaphore_mem>>) src(%arg7 : memref<128x128xf32, #tpu.memory_space<vmem>>) dst(%dma_wait3A_151 : memref<10240x128xf32, #tpu.memory_space<vmem_shared>>)
        tpu.yield
      }) : () -> ()
      %scan3A_144 = arith.constant 0 : i32
      scf.yield %scan3A_144 : i32
    }
    %scan3A_48 = arith.constant 39 : i32
    %lt3A = arith.constant 4 : i32
    %lt3A_49 = arith.cmpi slt, %add3A, %lt3A : i32
    %convert_element_type3A = arith.extui %lt3A_49 : i1 to i32
    %cond3A = arith.constant 0 : i32
    %cond3A_50 = arith.cmpi ne, %convert_element_type3A, %cond3A : i32
    scf.if %cond3A_50 {
      %add3A_56 = arith.constant 2496 : i32
      %add3A_57 = arith.addi %add3A_56, %add3A : i32
      %mul3A_58 = arith.constant 128 : i32
      %mul3A_59 = arith.muli %add3A_57, %mul3A_58 : i32
      %run_scoped3A = arith.constant 0 : i32
      %run_scoped3A_60 = arith.constant 0 : i32
      "tpu.region"() ({
        %run_scoped3A_74 = tpu.sem_alloc : memref<!tpu.dma_semaphore, #tpu.memory_space<semaphore_mem>>
        %dma_start3A_75 = arith.constant 0 : i32
        %dma_start3A_76 = tpu.memref_slice %arg5[%run_scoped3A_60, %dma_start3A_75] : memref<2x128xi32, #tpu.memory_space<vmem>> -> memref<1x128xi32, #tpu.memory_space<vmem>>
        %dma_start3A_77 = tpu.memref_squeeze %dma_start3A_76 : memref<1x128xi32, #tpu.memory_space<vmem>> -> memref<128xi32, #tpu.memory_space<vmem>>
        %dma_start3A_78 = tpu.memref_slice %arg3[%run_scoped3A, %mul3A_59] : memref<2x320000xi32, #tpu.memory_space<hbm>> -> memref<1x128xi32, #tpu.memory_space<hbm>>
        %dma_start3A_79 = tpu.memref_squeeze %dma_start3A_78 : memref<1x128xi32, #tpu.memory_space<hbm>> -> memref<128xi32, #tpu.memory_space<hbm>>
        %dma_start3A_80 = arith.constant 0 : i32
        %dma_start3A_81 = tpu.memref_slice %arg5[%run_scoped3A_60, %dma_start3A_80] : memref<2x128xi32, #tpu.memory_space<vmem>> -> memref<1x128xi32, #tpu.memory_space<vmem>>
        %dma_start3A_82 = tpu.memref_squeeze %dma_start3A_81 : memref<1x128xi32, #tpu.memory_space<vmem>> -> memref<128xi32, #tpu.memory_space<vmem>>
        %dma_start3A_83 = tpu.memref_slice %arg3[%run_scoped3A, %mul3A_59] : memref<2x320000xi32, #tpu.memory_space<hbm>> -> memref<1x128xi32, #tpu.memory_space<hbm>>
        %dma_start3A_84 = tpu.memref_squeeze %dma_start3A_83 : memref<1x128xi32, #tpu.memory_space<hbm>> -> memref<128xi32, #tpu.memory_space<hbm>>
        tpu.enqueue_dma source(%dma_start3A_84 : memref<128xi32, #tpu.memory_space<hbm>>) target(%dma_start3A_82 : memref<128xi32, #tpu.memory_space<vmem>>) target_semaphore(%run_scoped3A_74 : memref<!tpu.dma_semaphore, #tpu.memory_space<semaphore_mem>>)
        %dma_wait3A_85 = arith.constant 0 : i32
        %dma_wait3A_86 = tpu.memref_slice %arg5[%run_scoped3A_60, %dma_wait3A_85] : memref<2x128xi32, #tpu.memory_space<vmem>> -> memref<1x128xi32, #tpu.memory_space<vmem>>
        %dma_wait3A_87 = tpu.memref_squeeze %dma_wait3A_86 : memref<1x128xi32, #tpu.memory_space<vmem>> -> memref<128xi32, #tpu.memory_space<vmem>>
        %dma_wait3A_88 = tpu.memref_slice %arg3[%run_scoped3A, %mul3A_59] : memref<2x320000xi32, #tpu.memory_space<hbm>> -> memref<1x128xi32, #tpu.memory_space<hbm>>
        %dma_wait3A_89 = tpu.memref_squeeze %dma_wait3A_88 : memref<1x128xi32, #tpu.memory_space<hbm>> -> memref<128xi32, #tpu.memory_space<hbm>>
        %dma_wait3A_90 = arith.constant 0 : i32
        %dma_wait3A_91 = tpu.memref_slice %arg5[%run_scoped3A_60, %dma_wait3A_90] : memref<2x128xi32, #tpu.memory_space<vmem>> -> memref<1x128xi32, #tpu.memory_space<vmem>>
        %dma_wait3A_92 = tpu.memref_squeeze %dma_wait3A_91 : memref<1x128xi32, #tpu.memory_space<vmem>> -> memref<128xi32, #tpu.memory_space<vmem>>
        %dma_wait3A_93 = tpu.memref_slice %arg3[%run_scoped3A, %mul3A_59] : memref<2x320000xi32, #tpu.memory_space<hbm>> -> memref<1x128xi32, #tpu.memory_space<hbm>>
        %dma_wait3A_94 = tpu.memref_squeeze %dma_wait3A_93 : memref<1x128xi32, #tpu.memory_space<hbm>> -> memref<128xi32, #tpu.memory_space<hbm>>
        tpu.wait_dma2 semaphore(%run_scoped3A_74 : memref<!tpu.dma_semaphore, #tpu.memory_space<semaphore_mem>>) src(%dma_wait3A_94 : memref<128xi32, #tpu.memory_space<hbm>>) dst(%dma_wait3A_92 : memref<128xi32, #tpu.memory_space<vmem>>)
        tpu.yield
      }) : () -> ()
      %dma_start3A_61 = arith.constant 0 : i32
      %dma_start3A_62 = arith.constant 0 : i32
      %dma_start3A_63 = tpu.memref_slice %arg5[%dma_start3A_61, %dma_start3A_62] : memref<2x128xi32, #tpu.memory_space<vmem>> -> memref<1x128xi32, #tpu.memory_space<vmem>>
      %dma_start3A_64 = tpu.memref_squeeze %dma_start3A_63 : memref<1x128xi32, #tpu.memory_space<vmem>> -> memref<128xi32, #tpu.memory_space<vmem>>
      %dma_start3A_65 = arith.constant 0 : i32
      %dma_start3A_66 = arith.constant 0 : i32
      %dma_start3A_67 = tpu.memref_slice %arg2[%dma_start3A_65, %dma_start3A_66] : memref<10240x128xf32, #tpu.memory_space<hbm>> -> memref<10240x128xf32, #tpu.memory_space<hbm>>
      tpu.enqueue_indirect_dma source(%dma_start3A_67 : memref<10240x128xf32, #tpu.memory_space<hbm>>) target(%arg7 : memref<128x128xf32, #tpu.memory_space<vmem>>) offsets(%dma_start3A_64 : memref<128xi32, #tpu.memory_space<vmem>>) semaphore(%arg9 : memref<!tpu.dma_semaphore, #tpu.memory_space<semaphore_mem>>)
      %run_scoped3A_68 = arith.constant 1 : i32
      "tpu.region"() ({
        %run_scoped3A_74 = tpu.sem_alloc : memref<!tpu.dma_semaphore, #tpu.memory_space<semaphore_mem>>
        %dma_start3A_75 = tpu.memref_slice %arg3[%run_scoped3A_68, %mul3A_59] : memref<2x320000xi32, #tpu.memory_space<hbm>> -> memref<1x128xi32, #tpu.memory_space<hbm>>
        %dma_start3A_76 = tpu.memref_squeeze %dma_start3A_75 : memref<1x128xi32, #tpu.memory_space<hbm>> -> memref<128xi32, #tpu.memory_space<hbm>>
        %dma_start3A_77 = tpu.memref_slice %arg3[%run_scoped3A_68, %mul3A_59] : memref<2x320000xi32, #tpu.memory_space<hbm>> -> memref<1x128xi32, #tpu.memory_space<hbm>>
        %dma_start3A_78 = tpu.memref_squeeze %dma_start3A_77 : memref<1x128xi32, #tpu.memory_space<hbm>> -> memref<128xi32, #tpu.memory_space<hbm>>
        tpu.enqueue_dma source(%dma_start3A_78 : memref<128xi32, #tpu.memory_space<hbm>>) target(%arg6 : memref<128xi32, #tpu.memory_space<vmem>>) target_semaphore(%run_scoped3A_74 : memref<!tpu.dma_semaphore, #tpu.memory_space<semaphore_mem>>)
        %dma_wait3A_79 = tpu.memref_slice %arg3[%run_scoped3A_68, %mul3A_59] : memref<2x320000xi32, #tpu.memory_space<hbm>> -> memref<1x128xi32, #tpu.memory_space<hbm>>
        %dma_wait3A_80 = tpu.memref_squeeze %dma_wait3A_79 : memref<1x128xi32, #tpu.memory_space<hbm>> -> memref<128xi32, #tpu.memory_space<hbm>>
        %dma_wait3A_81 = tpu.memref_slice %arg3[%run_scoped3A_68, %mul3A_59] : memref<2x320000xi32, #tpu.memory_space<hbm>> -> memref<1x128xi32, #tpu.memory_space<hbm>>
        %dma_wait3A_82 = tpu.memref_squeeze %dma_wait3A_81 : memref<1x128xi32, #tpu.memory_space<hbm>> -> memref<128xi32, #tpu.memory_space<hbm>>
        tpu.wait_dma2 semaphore(%run_scoped3A_74 : memref<!tpu.dma_semaphore, #tpu.memory_space<semaphore_mem>>) src(%dma_wait3A_82 : memref<128xi32, #tpu.memory_space<hbm>>) dst(%arg6 : memref<128xi32, #tpu.memory_space<vmem>>)
        tpu.yield
      }) : () -> ()
      %dma_wait3A = arith.constant 0 : i32
      %dma_wait3A_69 = arith.constant 0 : i32
      %dma_wait3A_70 = tpu.memref_slice %arg2[%dma_wait3A, %dma_wait3A_69] : memref<10240x128xf32, #tpu.memory_space<hbm>> -> memref<128x128xf32, #tpu.memory_space<hbm>>
      %dma_wait3A_71 = arith.constant 0 : i32
      %dma_wait3A_72 = arith.constant 0 : i32
      %dma_wait3A_73 = tpu.memref_slice %arg2[%dma_wait3A_71, %dma_wait3A_72] : memref<10240x128xf32, #tpu.memory_space<hbm>> -> memref<128x128xf32, #tpu.memory_space<hbm>>
      tpu.wait_dma2 semaphore(%arg9 : memref<!tpu.dma_semaphore, #tpu.memory_space<semaphore_mem>>) src(%dma_wait3A_73 : memref<128x128xf32, #tpu.memory_space<hbm>>) dst(%arg7 : memref<128x128xf32, #tpu.memory_space<vmem>>)
      "tpu.region"() ({
        %run_scoped3A_74 = tpu.sem_alloc : memref<!tpu.dma_semaphore, #tpu.memory_space<semaphore_mem>>
        %dma_start3A_75 = arith.constant 0 : i32
        %dma_start3A_76 = arith.constant 0 : i32
        %dma_start3A_77 = tpu.memref_slice %arg8[%dma_start3A_75, %dma_start3A_76] : memref<10240x128xf32, #tpu.memory_space<vmem_shared>> -> memref<10240x128xf32, #tpu.memory_space<vmem_shared>>
        tpu.enqueue_indirect_dma source(%arg7 : memref<128x128xf32, #tpu.memory_space<vmem>>) target(%dma_start3A_77 : memref<10240x128xf32, #tpu.memory_space<vmem_shared>>) offsets(%arg6 : memref<128xi32, #tpu.memory_space<vmem>>) semaphore(%run_scoped3A_74 : memref<!tpu.dma_semaphore, #tpu.memory_space<semaphore_mem>>) {add = true}
        %dma_wait3A_78 = arith.constant 0 : i32
        %dma_wait3A_79 = arith.constant 0 : i32
        %dma_wait3A_80 = tpu.memref_slice %arg8[%dma_wait3A_78, %dma_wait3A_79] : memref<10240x128xf32, #tpu.memory_space<vmem_shared>> -> memref<10240x128xf32, #tpu.memory_space<vmem_shared>>
        tpu.wait_indirect_dma semaphore(%run_scoped3A_74 : memref<!tpu.dma_semaphore, #tpu.memory_space<semaphore_mem>>) src(%arg7 : memref<128x128xf32, #tpu.memory_space<vmem>>) dst(%dma_wait3A_80 : memref<10240x128xf32, #tpu.memory_space<vmem_shared>>)
        tpu.yield
      }) : () -> ()
    } else {
    }
    %barrier3A_51 = arith.constant 0 : index
    tpu.barrier barrier_id(%barrier3A_51)
    %mul3A_52 = arith.constant 640 : i32
    %mul3A_53 = arith.muli %arg1, %mul3A_52 : i32
    %mul3A_54 = arith.constant 640 : i32
    %mul3A_55 = arith.muli %arg1, %mul3A_54 : i32
    "tpu.region"() ({
      %run_scoped3A = tpu.sem_alloc : memref<!tpu.dma_semaphore, #tpu.memory_space<semaphore_mem>>
      %dma_start3A_56 = arith.constant 0 : i32
      %dma_start3A_57 = tpu.memref_slice %arg4[%arg0, %mul3A_55, %dma_start3A_56] : memref<2x10240x128xf32, #tpu.memory_space<hbm>> -> memref<1x640x128xf32, #tpu.memory_space<hbm>>
      %dma_start3A_58 = tpu.memref_squeeze %dma_start3A_57 : memref<1x640x128xf32, #tpu.memory_space<hbm>> -> memref<640x128xf32, #tpu.memory_space<hbm>>
      %dma_start3A_59 = arith.constant 0 : i32
      %dma_start3A_60 = tpu.memref_slice %arg8[%mul3A_53, %dma_start3A_59] : memref<10240x128xf32, #tpu.memory_space<vmem_shared>> -> memref<640x128xf32, #tpu.memory_space<vmem_shared>>
      tpu.enqueue_dma source(%dma_start3A_60 : memref<640x128xf32, #tpu.memory_space<vmem_shared>>) target(%dma_start3A_58 : memref<640x128xf32, #tpu.memory_space<hbm>>) target_semaphore(%run_scoped3A : memref<!tpu.dma_semaphore, #tpu.memory_space<semaphore_mem>>)
      %dma_wait3A = arith.constant 0 : i32
      %dma_wait3A_61 = tpu.memref_slice %arg4[%arg0, %mul3A_55, %dma_wait3A] : memref<2x10240x128xf32, #tpu.memory_space<hbm>> -> memref<1x640x128xf32, #tpu.memory_space<hbm>>
      %dma_wait3A_62 = tpu.memref_squeeze %dma_wait3A_61 : memref<1x640x128xf32, #tpu.memory_space<hbm>> -> memref<640x128xf32, #tpu.memory_space<hbm>>
      %dma_wait3A_63 = arith.constant 0 : i32
      %dma_wait3A_64 = tpu.memref_slice %arg8[%mul3A_53, %dma_wait3A_63] : memref<10240x128xf32, #tpu.memory_space<vmem_shared>> -> memref<640x128xf32, #tpu.memory_space<vmem_shared>>
      tpu.wait_dma2 semaphore(%run_scoped3A : memref<!tpu.dma_semaphore, #tpu.memory_space<semaphore_mem>>) src(%dma_wait3A_64 : memref<640x128xf32, #tpu.memory_space<vmem_shared>>) dst(%dma_wait3A_62 : memref<640x128xf32, #tpu.memory_space<hbm>>)
      tpu.yield
    }) : () -> ()
    return
  }
}

#map = affine_map<(d0, d1) -> (0, 0, 0)>
#map1 = affine_map<(d0, d1) -> (0, 0)>
module attributes {stable_mosaic.version = 14 : i64} {
  func.func @_seg2_body(%arg0: i32, %arg1: i32, %arg2: memref<2x10240x128xf32, #tpu.memory_space<hbm>>, %arg3: memref<2x320000xi32, #tpu.memory_space<hbm>>, %arg4: memref<2x10240x128xf32, #tpu.memory_space<hbm>>, %arg5: memref<2x128xi32, #tpu.memory_space<vmem>>, %arg6: memref<128xi32, #tpu.memory_space<vmem>>, %arg7: memref<128x128xf32, #tpu.memory_space<vmem>>, %arg8: memref<10240x128xf32, #tpu.memory_space<vmem_shared>>, %arg9: memref<!tpu.dma_semaphore, #tpu.memory_space<semaphore_mem>>, %arg10: memref<!tpu.dma_semaphore, #tpu.memory_space<semaphore_mem>>) attributes {dimension_semantics = [#tpu.dimension_semantics<core_parallel>, #tpu.dimension_semantics<subcore_parallel>], iteration_bounds = array<i64: 2, 16>, scalar_prefetch = 0 : i64, scratch_operands = 6 : i64, tpu.core_type = #tpu.core_type<sc_vector_subcore>, window_params = [{transform_indices = #map}, {transform_indices = #map1}, {transform_indices = #map}]} {
    %scan3A = arith.constant 0 : i32
    %scan3A_0 = arith.constant 0 : i32
    %scan3A_1 = arith.constant 1024 : i32
    %scan3A_2 = arith.addi %scan3A_0, %scan3A_1 : i32
    %scan3A_3 = arith.constant 1 : i32
    %scan3A_4 = scf.for %scan3A_53 = %scan3A_0 to %scan3A_2 step %scan3A_3 iter_args(%scan3A_54 = %scan3A) -> (i32)  : i32 {
      %jit3A = arith.constant 8 : i32
      %div3A = arith.divsi %scan3A_53, %jit3A : i32
      %sign3A = arith.constant 0 : i32
      %sign3A_55 = arith.cmpi sgt, %scan3A_53, %sign3A : i32
      %sign3A_56 = arith.extui %sign3A_55 : i1 to i32
      %sign3A_57 = arith.constant 0 : i32
      %sign3A_58 = arith.cmpi slt, %scan3A_53, %sign3A_57 : i32
      %sign3A_59 = arith.extui %sign3A_58 : i1 to i32
      %sign3A_60 = arith.subi %sign3A_56, %sign3A_59 : i32
      %sign3A_61 = arith.constant 0 : i32
      %sign3A_62 = arith.cmpi sgt, %jit3A, %sign3A_61 : i32
      %sign3A_63 = arith.extui %sign3A_62 : i1 to i32
      %sign3A_64 = arith.constant 0 : i32
      %sign3A_65 = arith.cmpi slt, %jit3A, %sign3A_64 : i32
      %sign3A_66 = arith.extui %sign3A_65 : i1 to i32
      %sign3A_67 = arith.subi %sign3A_63, %sign3A_66 : i32
      %ne3A = arith.cmpi ne, %sign3A_60, %sign3A_67 : i32
      %rem3A = arith.remsi %scan3A_53, %jit3A : i32
      %ne3A_68 = arith.constant 0 : i32
      %ne3A_69 = arith.cmpi ne, %rem3A, %ne3A_68 : i32
      %and3A = arith.andi %ne3A, %ne3A_69 : i1
      %sub3A = arith.constant 1 : i32
      %sub3A_70 = arith.subi %div3A, %sub3A : i32
      %select_n3A = arith.select %and3A, %sub3A_70, %div3A : i32
      %jit3A_71 = arith.constant 8 : i32
      %eq3A = arith.constant 0 : i32
      %eq3A_72 = arith.cmpi eq, %jit3A_71, %eq3A : i32
      %jit3A_73 = arith.constant 1 : i32
      %select_n3A_74 = arith.select %eq3A_72, %jit3A_73, %jit3A_71 : i32
      %rem3A_75 = arith.remsi %scan3A_53, %select_n3A_74 : i32
      %ne3A_76 = arith.constant 0 : i32
      %ne3A_77 = arith.cmpi ne, %rem3A_75, %ne3A_76 : i32
      %lt3A_78 = arith.constant 0 : i32
      %lt3A_79 = arith.cmpi slt, %rem3A_75, %lt3A_78 : i32
      %lt3A_80 = arith.constant 0 : i32
      %lt3A_81 = arith.cmpi slt, %select_n3A_74, %lt3A_80 : i32
      %ne3A_82 = arith.xori %lt3A_79, %lt3A_81 : i1
      %and3A_83 = arith.andi %ne3A_82, %ne3A_77 : i1
      %add3A_84 = arith.addi %rem3A_75, %select_n3A_74 : i32
      %select_n3A_85 = arith.select %and3A_83, %add3A_84, %rem3A_75 : i32
      %broadcast_in_dim3A = arith.constant 0.000000e+00 : f32
      %broadcast_in_dim3A_86 = vector.broadcast %broadcast_in_dim3A : f32 to vector<16xf32>
      %mul3A_87 = arith.constant 16 : i32
      %mul3A_88 = arith.muli %select_n3A_85, %mul3A_87 : i32
      %swap3A = arith.index_cast %select_n3A : i32 to index
      %swap3A_89 = arith.index_cast %mul3A_88 : i32 to index
      %swap3A_90 = tpu.vector_load %arg7[%swap3A, %swap3A_89] {strides = array<i32>} : memref<128x128xf32, #tpu.memory_space<vmem>>, vector<1x16xf32>,
      %swap3A_91 = vector.shape_cast %swap3A_90 : vector<1x16xf32> to vector<16xf32>
      %swap3A_92 = vector.shape_cast %broadcast_in_dim3A_86 : vector<16xf32> to vector<1x16xf32>
      tpu.vector_store %arg7[%swap3A, %swap3A_89], %swap3A_92 {strides = array<i32>} : memref<128x128xf32, #tpu.memory_space<vmem>>, vector<1x16xf32>,
      %scan3A_93 = arith.constant 0 : i32
      scf.yield %scan3A_93 : i32
    }
    %scan3A_5 = arith.constant 1024 : i32
    %mul3A = arith.constant 640 : i32
    %mul3A_6 = arith.muli %arg1, %mul3A : i32
    %add3A = arith.constant 0 : i32
    %add3A_7 = arith.addi %mul3A_6, %add3A : i32
    "tpu.region"() ({
      %run_scoped3A = tpu.sem_alloc : memref<!tpu.dma_semaphore, #tpu.memory_space<semaphore_mem>>
      %dma_start3A_53 = arith.constant 0 : i32
      %dma_start3A_54 = tpu.memref_slice %arg8[%add3A_7, %dma_start3A_53] : memref<10240x128xf32, #tpu.memory_space<vmem_shared>> -> memref<128x128xf32, #tpu.memory_space<vmem_shared>>
      %dma_start3A_55 = arith.constant 0 : i32
      %dma_start3A_56 = tpu.memref_slice %arg8[%add3A_7, %dma_start3A_55] : memref<10240x128xf32, #tpu.memory_space<vmem_shared>> -> memref<128x128xf32, #tpu.memory_space<vmem_shared>>
      tpu.enqueue_dma source(%arg7 : memref<128x128xf32, #tpu.memory_space<vmem>>) target(%dma_start3A_56 : memref<128x128xf32, #tpu.memory_space<vmem_shared>>) target_semaphore(%run_scoped3A : memref<!tpu.dma_semaphore, #tpu.memory_space<semaphore_mem>>)
      %dma_wait3A = arith.constant 0 : i32
      %dma_wait3A_57 = tpu.memref_slice %arg8[%add3A_7, %dma_wait3A] : memref<10240x128xf32, #tpu.memory_space<vmem_shared>> -> memref<128x128xf32, #tpu.memory_space<vmem_shared>>
      %dma_wait3A_58 = arith.constant 0 : i32
      %dma_wait3A_59 = tpu.memref_slice %arg8[%add3A_7, %dma_wait3A_58] : memref<10240x128xf32, #tpu.memory_space<vmem_shared>> -> memref<128x128xf32, #tpu.memory_space<vmem_shared>>
      tpu.wait_dma2 semaphore(%run_scoped3A : memref<!tpu.dma_semaphore, #tpu.memory_space<semaphore_mem>>) src(%arg7 : memref<128x128xf32, #tpu.memory_space<vmem>>) dst(%dma_wait3A_59 : memref<128x128xf32, #tpu.memory_space<vmem_shared>>)
      tpu.yield
    }) : () -> ()
    %mul3A_8 = arith.constant 640 : i32
    %mul3A_9 = arith.muli %arg1, %mul3A_8 : i32
    %add3A_10 = arith.constant 128 : i32
    %add3A_11 = arith.addi %mul3A_9, %add3A_10 : i32
    "tpu.region"() ({
      %run_scoped3A = tpu.sem_alloc : memref<!tpu.dma_semaphore, #tpu.memory_space<semaphore_mem>>
      %dma_start3A_53 = arith.constant 0 : i32
      %dma_start3A_54 = tpu.memref_slice %arg8[%add3A_11, %dma_start3A_53] : memref<10240x128xf32, #tpu.memory_space<vmem_shared>> -> memref<128x128xf32, #tpu.memory_space<vmem_shared>>
      %dma_start3A_55 = arith.constant 0 : i32
      %dma_start3A_56 = tpu.memref_slice %arg8[%add3A_11, %dma_start3A_55] : memref<10240x128xf32, #tpu.memory_space<vmem_shared>> -> memref<128x128xf32, #tpu.memory_space<vmem_shared>>
      tpu.enqueue_dma source(%arg7 : memref<128x128xf32, #tpu.memory_space<vmem>>) target(%dma_start3A_56 : memref<128x128xf32, #tpu.memory_space<vmem_shared>>) target_semaphore(%run_scoped3A : memref<!tpu.dma_semaphore, #tpu.memory_space<semaphore_mem>>)
      %dma_wait3A = arith.constant 0 : i32
      %dma_wait3A_57 = tpu.memref_slice %arg8[%add3A_11, %dma_wait3A] : memref<10240x128xf32, #tpu.memory_space<vmem_shared>> -> memref<128x128xf32, #tpu.memory_space<vmem_shared>>
      %dma_wait3A_58 = arith.constant 0 : i32
      %dma_wait3A_59 = tpu.memref_slice %arg8[%add3A_11, %dma_wait3A_58] : memref<10240x128xf32, #tpu.memory_space<vmem_shared>> -> memref<128x128xf32, #tpu.memory_space<vmem_shared>>
      tpu.wait_dma2 semaphore(%run_scoped3A : memref<!tpu.dma_semaphore, #tpu.memory_space<semaphore_mem>>) src(%arg7 : memref<128x128xf32, #tpu.memory_space<vmem>>) dst(%dma_wait3A_59 : memref<128x128xf32, #tpu.memory_space<vmem_shared>>)
      tpu.yield
    }) : () -> ()
    %mul3A_12 = arith.constant 640 : i32
    %mul3A_13 = arith.muli %arg1, %mul3A_12 : i32
    %add3A_14 = arith.constant 256 : i32
    %add3A_15 = arith.addi %mul3A_13, %add3A_14 : i32
    "tpu.region"() ({
      %run_scoped3A = tpu.sem_alloc : memref<!tpu.dma_semaphore, #tpu.memory_space<semaphore_mem>>
      %dma_start3A_53 = arith.constant 0 : i32
      %dma_start3A_54 = tpu.memref_slice %arg8[%add3A_15, %dma_start3A_53] : memref<10240x128xf32, #tpu.memory_space<vmem_shared>> -> memref<128x128xf32, #tpu.memory_space<vmem_shared>>
      %dma_start3A_55 = arith.constant 0 : i32
      %dma_start3A_56 = tpu.memref_slice %arg8[%add3A_15, %dma_start3A_55] : memref<10240x128xf32, #tpu.memory_space<vmem_shared>> -> memref<128x128xf32, #tpu.memory_space<vmem_shared>>
      tpu.enqueue_dma source(%arg7 : memref<128x128xf32, #tpu.memory_space<vmem>>) target(%dma_start3A_56 : memref<128x128xf32, #tpu.memory_space<vmem_shared>>) target_semaphore(%run_scoped3A : memref<!tpu.dma_semaphore, #tpu.memory_space<semaphore_mem>>)
      %dma_wait3A = arith.constant 0 : i32
      %dma_wait3A_57 = tpu.memref_slice %arg8[%add3A_15, %dma_wait3A] : memref<10240x128xf32, #tpu.memory_space<vmem_shared>> -> memref<128x128xf32, #tpu.memory_space<vmem_shared>>
      %dma_wait3A_58 = arith.constant 0 : i32
      %dma_wait3A_59 = tpu.memref_slice %arg8[%add3A_15, %dma_wait3A_58] : memref<10240x128xf32, #tpu.memory_space<vmem_shared>> -> memref<128x128xf32, #tpu.memory_space<vmem_shared>>
      tpu.wait_dma2 semaphore(%run_scoped3A : memref<!tpu.dma_semaphore, #tpu.memory_space<semaphore_mem>>) src(%arg7 : memref<128x128xf32, #tpu.memory_space<vmem>>) dst(%dma_wait3A_59 : memref<128x128xf32, #tpu.memory_space<vmem_shared>>)
      tpu.yield
    }) : () -> ()
    %mul3A_16 = arith.constant 640 : i32
    %mul3A_17 = arith.muli %arg1, %mul3A_16 : i32
    %add3A_18 = arith.constant 384 : i32
    %add3A_19 = arith.addi %mul3A_17, %add3A_18 : i32
    "tpu.region"() ({
      %run_scoped3A = tpu.sem_alloc : memref<!tpu.dma_semaphore, #tpu.memory_space<semaphore_mem>>
      %dma_start3A_53 = arith.constant 0 : i32
      %dma_start3A_54 = tpu.memref_slice %arg8[%add3A_19, %dma_start3A_53] : memref<10240x128xf32, #tpu.memory_space<vmem_shared>> -> memref<128x128xf32, #tpu.memory_space<vmem_shared>>
      %dma_start3A_55 = arith.constant 0 : i32
      %dma_start3A_56 = tpu.memref_slice %arg8[%add3A_19, %dma_start3A_55] : memref<10240x128xf32, #tpu.memory_space<vmem_shared>> -> memref<128x128xf32, #tpu.memory_space<vmem_shared>>
      tpu.enqueue_dma source(%arg7 : memref<128x128xf32, #tpu.memory_space<vmem>>) target(%dma_start3A_56 : memref<128x128xf32, #tpu.memory_space<vmem_shared>>) target_semaphore(%run_scoped3A : memref<!tpu.dma_semaphore, #tpu.memory_space<semaphore_mem>>)
      %dma_wait3A = arith.constant 0 : i32
      %dma_wait3A_57 = tpu.memref_slice %arg8[%add3A_19, %dma_wait3A] : memref<10240x128xf32, #tpu.memory_space<vmem_shared>> -> memref<128x128xf32, #tpu.memory_space<vmem_shared>>
      %dma_wait3A_58 = arith.constant 0 : i32
      %dma_wait3A_59 = tpu.memref_slice %arg8[%add3A_19, %dma_wait3A_58] : memref<10240x128xf32, #tpu.memory_space<vmem_shared>> -> memref<128x128xf32, #tpu.memory_space<vmem_shared>>
      tpu.wait_dma2 semaphore(%run_scoped3A : memref<!tpu.dma_semaphore, #tpu.memory_space<semaphore_mem>>) src(%arg7 : memref<128x128xf32, #tpu.memory_space<vmem>>) dst(%dma_wait3A_59 : memref<128x128xf32, #tpu.memory_space<vmem_shared>>)
      tpu.yield
    }) : () -> ()
    %mul3A_20 = arith.constant 640 : i32
    %mul3A_21 = arith.muli %arg1, %mul3A_20 : i32
    %add3A_22 = arith.constant 512 : i32
    %add3A_23 = arith.addi %mul3A_21, %add3A_22 : i32
    "tpu.region"() ({
      %run_scoped3A = tpu.sem_alloc : memref<!tpu.dma_semaphore, #tpu.memory_space<semaphore_mem>>
      %dma_start3A_53 = arith.constant 0 : i32
      %dma_start3A_54 = tpu.memref_slice %arg8[%add3A_23, %dma_start3A_53] : memref<10240x128xf32, #tpu.memory_space<vmem_shared>> -> memref<128x128xf32, #tpu.memory_space<vmem_shared>>
      %dma_start3A_55 = arith.constant 0 : i32
      %dma_start3A_56 = tpu.memref_slice %arg8[%add3A_23, %dma_start3A_55] : memref<10240x128xf32, #tpu.memory_space<vmem_shared>> -> memref<128x128xf32, #tpu.memory_space<vmem_shared>>
      tpu.enqueue_dma source(%arg7 : memref<128x128xf32, #tpu.memory_space<vmem>>) target(%dma_start3A_56 : memref<128x128xf32, #tpu.memory_space<vmem_shared>>) target_semaphore(%run_scoped3A : memref<!tpu.dma_semaphore, #tpu.memory_space<semaphore_mem>>)
      %dma_wait3A = arith.constant 0 : i32
      %dma_wait3A_57 = tpu.memref_slice %arg8[%add3A_23, %dma_wait3A] : memref<10240x128xf32, #tpu.memory_space<vmem_shared>> -> memref<128x128xf32, #tpu.memory_space<vmem_shared>>
      %dma_wait3A_58 = arith.constant 0 : i32
      %dma_wait3A_59 = tpu.memref_slice %arg8[%add3A_23, %dma_wait3A_58] : memref<10240x128xf32, #tpu.memory_space<vmem_shared>> -> memref<128x128xf32, #tpu.memory_space<vmem_shared>>
      tpu.wait_dma2 semaphore(%run_scoped3A : memref<!tpu.dma_semaphore, #tpu.memory_space<semaphore_mem>>) src(%arg7 : memref<128x128xf32, #tpu.memory_space<vmem>>) dst(%dma_wait3A_59 : memref<128x128xf32, #tpu.memory_space<vmem_shared>>)
      tpu.yield
    }) : () -> ()
    %barrier3A = arith.constant 0 : index
    tpu.barrier barrier_id(%barrier3A)
    %add3A_24 = arith.constant 0 : i32
    %add3A_25 = arith.addi %add3A_24, %arg1 : i32
    %mul3A_26 = arith.constant 128 : i32
    %mul3A_27 = arith.muli %add3A_25, %mul3A_26 : i32
    %dma_start3A = arith.constant 0 : i32
    %dma_start3A_28 = arith.constant 0 : i32
    %dma_start3A_29 = arith.constant 0 : i32
    %dma_start3A_30 = tpu.memref_slice %arg5[%dma_start3A_28, %dma_start3A_29] : memref<2x128xi32, #tpu.memory_space<vmem>> -> memref<1x128xi32, #tpu.memory_space<vmem>>
    %dma_start3A_31 = tpu.memref_squeeze %dma_start3A_30 : memref<1x128xi32, #tpu.memory_space<vmem>> -> memref<128xi32, #tpu.memory_space<vmem>>
    %dma_start3A_32 = tpu.memref_slice %arg3[%dma_start3A, %mul3A_27] : memref<2x320000xi32, #tpu.memory_space<hbm>> -> memref<1x128xi32, #tpu.memory_space<hbm>>
    %dma_start3A_33 = tpu.memref_squeeze %dma_start3A_32 : memref<1x128xi32, #tpu.memory_space<hbm>> -> memref<128xi32, #tpu.memory_space<hbm>>
    %dma_start3A_34 = arith.constant 0 : i32
    %dma_start3A_35 = tpu.memref_slice %arg5[%dma_start3A_28, %dma_start3A_34] : memref<2x128xi32, #tpu.memory_space<vmem>> -> memref<1x128xi32, #tpu.memory_space<vmem>>
    %dma_start3A_36 = tpu.memref_squeeze %dma_start3A_35 : memref<1x128xi32, #tpu.memory_space<vmem>> -> memref<128xi32, #tpu.memory_space<vmem>>
    %dma_start3A_37 = tpu.memref_slice %arg3[%dma_start3A, %mul3A_27] : memref<2x320000xi32, #tpu.memory_space<hbm>> -> memref<1x128xi32, #tpu.memory_space<hbm>>
    %dma_start3A_38 = tpu.memref_squeeze %dma_start3A_37 : memref<1x128xi32, #tpu.memory_space<hbm>> -> memref<128xi32, #tpu.memory_space<hbm>>
    tpu.enqueue_dma source(%dma_start3A_38 : memref<128xi32, #tpu.memory_space<hbm>>) target(%dma_start3A_36 : memref<128xi32, #tpu.memory_space<vmem>>) target_semaphore(%arg10 : memref<!tpu.dma_semaphore, #tpu.memory_space<semaphore_mem>>)
    %scan3A_39 = arith.constant 0 : i32
    %scan3A_40 = arith.constant 0 : i32
    %scan3A_41 = arith.constant 78 : i32
    %scan3A_42 = arith.addi %scan3A_40, %scan3A_41 : i32
    %scan3A_43 = arith.constant 1 : i32
    %scan3A_44 = scf.for %scan3A_53 = %scan3A_40 to %scan3A_42 step %scan3A_43 iter_args(%scan3A_54 = %scan3A_39) -> (i32)  : i32 {
      %mul3A_55 = arith.constant 2 : i32
      %mul3A_56 = arith.muli %scan3A_53, %mul3A_55 : i32
      %add3A_57 = arith.constant 0 : i32
      %add3A_58 = arith.addi %mul3A_56, %add3A_57 : i32
      %dma_wait3A = arith.constant 0 : i32
      %dma_wait3A_59 = arith.constant 0 : i32
      %dma_wait3A_60 = arith.constant 0 : i32
      %dma_wait3A_61 = tpu.memref_slice %arg5[%dma_wait3A_59, %dma_wait3A_60] : memref<2x128xi32, #tpu.memory_space<vmem>> -> memref<1x128xi32, #tpu.memory_space<vmem>>
      %dma_wait3A_62 = tpu.memref_squeeze %dma_wait3A_61 : memref<1x128xi32, #tpu.memory_space<vmem>> -> memref<128xi32, #tpu.memory_space<vmem>>
      %dma_wait3A_63 = arith.constant 0 : i32
      %dma_wait3A_64 = tpu.memref_slice %arg3[%dma_wait3A, %dma_wait3A_63] : memref<2x320000xi32, #tpu.memory_space<hbm>> -> memref<1x128xi32, #tpu.memory_space<hbm>>
      %dma_wait3A_65 = tpu.memref_squeeze %dma_wait3A_64 : memref<1x128xi32, #tpu.memory_space<hbm>> -> memref<128xi32, #tpu.memory_space<hbm>>
      %dma_wait3A_66 = arith.constant 0 : i32
      %dma_wait3A_67 = tpu.memref_slice %arg5[%dma_wait3A_59, %dma_wait3A_66] : memref<2x128xi32, #tpu.memory_space<vmem>> -> memref<1x128xi32, #tpu.memory_space<vmem>>
      %dma_wait3A_68 = tpu.memref_squeeze %dma_wait3A_67 : memref<1x128xi32, #tpu.memory_space<vmem>> -> memref<128xi32, #tpu.memory_space<vmem>>
      %dma_wait3A_69 = arith.constant 0 : i32
      %dma_wait3A_70 = tpu.memref_slice %arg3[%dma_wait3A, %dma_wait3A_69] : memref<2x320000xi32, #tpu.memory_space<hbm>> -> memref<1x128xi32, #tpu.memory_space<hbm>>
      %dma_wait3A_71 = tpu.memref_squeeze %dma_wait3A_70 : memref<1x128xi32, #tpu.memory_space<hbm>> -> memref<128xi32, #tpu.memory_space<hbm>>
      tpu.wait_dma2 semaphore(%arg10 : memref<!tpu.dma_semaphore, #tpu.memory_space<semaphore_mem>>) src(%dma_wait3A_71 : memref<128xi32, #tpu.memory_space<hbm>>) dst(%dma_wait3A_68 : memref<128xi32, #tpu.memory_space<vmem>>)
      %dma_start3A_72 = arith.constant 0 : i32
      %dma_start3A_73 = arith.constant 0 : i32
      %dma_start3A_74 = tpu.memref_slice %arg5[%dma_start3A_72, %dma_start3A_73] : memref<2x128xi32, #tpu.memory_space<vmem>> -> memref<1x128xi32, #tpu.memory_space<vmem>>
      %dma_start3A_75 = tpu.memref_squeeze %dma_start3A_74 : memref<1x128xi32, #tpu.memory_space<vmem>> -> memref<128xi32, #tpu.memory_space<vmem>>
      %dma_start3A_76 = arith.constant 0 : i32
      %dma_start3A_77 = arith.constant 0 : i32
      %dma_start3A_78 = tpu.memref_slice %arg2[%arg0, %dma_start3A_76, %dma_start3A_77] : memref<2x10240x128xf32, #tpu.memory_space<hbm>> -> memref<1x10240x128xf32, #tpu.memory_space<hbm>>
      %dma_start3A_79 = tpu.memref_squeeze %dma_start3A_78 : memref<1x10240x128xf32, #tpu.memory_space<hbm>> -> memref<10240x128xf32, #tpu.memory_space<hbm>>
      %dma_start3A_80 = arith.constant 0 : i32
      %dma_start3A_81 = arith.constant 0 : i32
      %dma_start3A_82 = tpu.memref_slice %dma_start3A_79[%dma_start3A_80, %dma_start3A_81] : memref<10240x128xf32, #tpu.memory_space<hbm>> -> memref<10240x128xf32, #tpu.memory_space<hbm>>
      tpu.enqueue_indirect_dma source(%dma_start3A_82 : memref<10240x128xf32, #tpu.memory_space<hbm>>) target(%arg7 : memref<128x128xf32, #tpu.memory_space<vmem>>) offsets(%dma_start3A_75 : memref<128xi32, #tpu.memory_space<vmem>>) semaphore(%arg9 : memref<!tpu.dma_semaphore, #tpu.memory_space<semaphore_mem>>)
      %mul3A_83 = arith.constant 16 : i32
      %mul3A_84 = arith.muli %add3A_58, %mul3A_83 : i32
      %add3A_85 = arith.addi %mul3A_84, %arg1 : i32
      %mul3A_86 = arith.constant 128 : i32
      %mul3A_87 = arith.muli %add3A_85, %mul3A_86 : i32
      %run_scoped3A = arith.constant 1 : i32
      "tpu.region"() ({
        %run_scoped3A_166 = tpu.sem_alloc : memref<!tpu.dma_semaphore, #tpu.memory_space<semaphore_mem>>
        %dma_start3A_167 = tpu.memref_slice %arg3[%run_scoped3A, %mul3A_87] : memref<2x320000xi32, #tpu.memory_space<hbm>> -> memref<1x128xi32, #tpu.memory_space<hbm>>
        %dma_start3A_168 = tpu.memref_squeeze %dma_start3A_167 : memref<1x128xi32, #tpu.memory_space<hbm>> -> memref<128xi32, #tpu.memory_space<hbm>>
        %dma_start3A_169 = tpu.memref_slice %arg3[%run_scoped3A, %mul3A_87] : memref<2x320000xi32, #tpu.memory_space<hbm>> -> memref<1x128xi32, #tpu.memory_space<hbm>>
        %dma_start3A_170 = tpu.memref_squeeze %dma_start3A_169 : memref<1x128xi32, #tpu.memory_space<hbm>> -> memref<128xi32, #tpu.memory_space<hbm>>
        tpu.enqueue_dma source(%dma_start3A_170 : memref<128xi32, #tpu.memory_space<hbm>>) target(%arg6 : memref<128xi32, #tpu.memory_space<vmem>>) target_semaphore(%run_scoped3A_166 : memref<!tpu.dma_semaphore, #tpu.memory_space<semaphore_mem>>)
        %dma_wait3A_171 = tpu.memref_slice %arg3[%run_scoped3A, %mul3A_87] : memref<2x320000xi32, #tpu.memory_space<hbm>> -> memref<1x128xi32, #tpu.memory_space<hbm>>
        %dma_wait3A_172 = tpu.memref_squeeze %dma_wait3A_171 : memref<1x128xi32, #tpu.memory_space<hbm>> -> memref<128xi32, #tpu.memory_space<hbm>>
        %dma_wait3A_173 = tpu.memref_slice %arg3[%run_scoped3A, %mul3A_87] : memref<2x320000xi32, #tpu.memory_space<hbm>> -> memref<1x128xi32, #tpu.memory_space<hbm>>
        %dma_wait3A_174 = tpu.memref_squeeze %dma_wait3A_173 : memref<1x128xi32, #tpu.memory_space<hbm>> -> memref<128xi32, #tpu.memory_space<hbm>>
        tpu.wait_dma2 semaphore(%run_scoped3A_166 : memref<!tpu.dma_semaphore, #tpu.memory_space<semaphore_mem>>) src(%dma_wait3A_174 : memref<128xi32, #tpu.memory_space<hbm>>) dst(%arg6 : memref<128xi32, #tpu.memory_space<vmem>>)
        tpu.yield
      }) : () -> ()
      %add3A_88 = arith.constant 1 : i32
      %add3A_89 = arith.addi %add3A_58, %add3A_88 : i32
      %lt3A_90 = arith.constant 156 : i32
      %lt3A_91 = arith.cmpi slt, %add3A_89, %lt3A_90 : i32
      %convert_element_type3A_92 = arith.extui %lt3A_91 : i1 to i32
      %cond3A_93 = arith.constant 0 : i32
      %cond3A_94 = arith.cmpi ne, %convert_element_type3A_92, %cond3A_93 : i32
      scf.if %cond3A_94 {
        %add3A_166 = arith.constant 1 : i32
        %add3A_167 = arith.addi %add3A_58, %add3A_166 : i32
        %mul3A_168 = arith.constant 16 : i32
        %mul3A_169 = arith.muli %add3A_167, %mul3A_168 : i32
        %add3A_170 = arith.addi %mul3A_169, %arg1 : i32
        %mul3A_171 = arith.constant 128 : i32
        %mul3A_172 = arith.muli %add3A_170, %mul3A_171 : i32
        %dma_start3A_173 = arith.constant 0 : i32
        %dma_start3A_174 = arith.constant 1 : i32
        %dma_start3A_175 = arith.constant 0 : i32
        %dma_start3A_176 = tpu.memref_slice %arg5[%dma_start3A_174, %dma_start3A_175] : memref<2x128xi32, #tpu.memory_space<vmem>> -> memref<1x128xi32, #tpu.memory_space<vmem>>
        %dma_start3A_177 = tpu.memref_squeeze %dma_start3A_176 : memref<1x128xi32, #tpu.memory_space<vmem>> -> memref<128xi32, #tpu.memory_space<vmem>>
        %dma_start3A_178 = tpu.memref_slice %arg3[%dma_start3A_173, %mul3A_172] : memref<2x320000xi32, #tpu.memory_space<hbm>> -> memref<1x128xi32, #tpu.memory_space<hbm>>
        %dma_start3A_179 = tpu.memref_squeeze %dma_start3A_178 : memref<1x128xi32, #tpu.memory_space<hbm>> -> memref<128xi32, #tpu.memory_space<hbm>>
        %dma_start3A_180 = arith.constant 0 : i32
        %dma_start3A_181 = tpu.memref_slice %arg5[%dma_start3A_174, %dma_start3A_180] : memref<2x128xi32, #tpu.memory_space<vmem>> -> memref<1x128xi32, #tpu.memory_space<vmem>>
        %dma_start3A_182 = tpu.memref_squeeze %dma_start3A_181 : memref<1x128xi32, #tpu.memory_space<vmem>> -> memref<128xi32, #tpu.memory_space<vmem>>
        %dma_start3A_183 = tpu.memref_slice %arg3[%dma_start3A_173, %mul3A_172] : memref<2x320000xi32, #tpu.memory_space<hbm>> -> memref<1x128xi32, #tpu.memory_space<hbm>>
        %dma_start3A_184 = tpu.memref_squeeze %dma_start3A_183 : memref<1x128xi32, #tpu.memory_space<hbm>> -> memref<128xi32, #tpu.memory_space<hbm>>
        tpu.enqueue_dma source(%dma_start3A_184 : memref<128xi32, #tpu.memory_space<hbm>>) target(%dma_start3A_182 : memref<128xi32, #tpu.memory_space<vmem>>) target_semaphore(%arg10 : memref<!tpu.dma_semaphore, #tpu.memory_space<semaphore_mem>>)
      } else {
      }
      %dma_wait3A_95 = arith.constant 0 : i32
      %dma_wait3A_96 = arith.constant 0 : i32
      %dma_wait3A_97 = tpu.memref_slice %arg2[%arg0, %dma_wait3A_95, %dma_wait3A_96] : memref<2x10240x128xf32, #tpu.memory_space<hbm>> -> memref<1x10240x128xf32, #tpu.memory_space<hbm>>
      %dma_wait3A_98 = tpu.memref_squeeze %dma_wait3A_97 : memref<1x10240x128xf32, #tpu.memory_space<hbm>> -> memref<10240x128xf32, #tpu.memory_space<hbm>>
      %dma_wait3A_99 = arith.constant 0 : i32
      %dma_wait3A_100 = arith.constant 0 : i32
      %dma_wait3A_101 = tpu.memref_slice %dma_wait3A_98[%dma_wait3A_99, %dma_wait3A_100] : memref<10240x128xf32, #tpu.memory_space<hbm>> -> memref<128x128xf32, #tpu.memory_space<hbm>>
      %dma_wait3A_102 = arith.constant 0 : i32
      %dma_wait3A_103 = arith.constant 0 : i32
      %dma_wait3A_104 = tpu.memref_slice %arg2[%arg0, %dma_wait3A_102, %dma_wait3A_103] : memref<2x10240x128xf32, #tpu.memory_space<hbm>> -> memref<1x10240x128xf32, #tpu.memory_space<hbm>>
      %dma_wait3A_105 = tpu.memref_squeeze %dma_wait3A_104 : memref<1x10240x128xf32, #tpu.memory_space<hbm>> -> memref<10240x128xf32, #tpu.memory_space<hbm>>
      %dma_wait3A_106 = arith.constant 0 : i32
      %dma_wait3A_107 = arith.constant 0 : i32
      %dma_wait3A_108 = tpu.memref_slice %dma_wait3A_105[%dma_wait3A_106, %dma_wait3A_107] : memref<10240x128xf32, #tpu.memory_space<hbm>> -> memref<128x128xf32, #tpu.memory_space<hbm>>
      tpu.wait_dma2 semaphore(%arg9 : memref<!tpu.dma_semaphore, #tpu.memory_space<semaphore_mem>>) src(%dma_wait3A_108 : memref<128x128xf32, #tpu.memory_space<hbm>>) dst(%arg7 : memref<128x128xf32, #tpu.memory_space<vmem>>)
      "tpu.region"() ({
        %run_scoped3A_166 = tpu.sem_alloc : memref<!tpu.dma_semaphore, #tpu.memory_space<semaphore_mem>>
        %dma_start3A_167 = arith.constant 0 : i32
        %dma_start3A_168 = arith.constant 0 : i32
        %dma_start3A_169 = tpu.memref_slice %arg8[%dma_start3A_167, %dma_start3A_168] : memref<10240x128xf32, #tpu.memory_space<vmem_shared>> -> memref<10240x128xf32, #tpu.memory_space<vmem_shared>>
        tpu.enqueue_indirect_dma source(%arg7 : memref<128x128xf32, #tpu.memory_space<vmem>>) target(%dma_start3A_169 : memref<10240x128xf32, #tpu.memory_space<vmem_shared>>) offsets(%arg6 : memref<128xi32, #tpu.memory_space<vmem>>) semaphore(%run_scoped3A_166 : memref<!tpu.dma_semaphore, #tpu.memory_space<semaphore_mem>>) {add = true}
        %dma_wait3A_170 = arith.constant 0 : i32
        %dma_wait3A_171 = arith.constant 0 : i32
        %dma_wait3A_172 = tpu.memref_slice %arg8[%dma_wait3A_170, %dma_wait3A_171] : memref<10240x128xf32, #tpu.memory_space<vmem_shared>> -> memref<10240x128xf32, #tpu.memory_space<vmem_shared>>
        tpu.wait_indirect_dma semaphore(%run_scoped3A_166 : memref<!tpu.dma_semaphore, #tpu.memory_space<semaphore_mem>>) src(%arg7 : memref<128x128xf32, #tpu.memory_space<vmem>>) dst(%dma_wait3A_172 : memref<10240x128xf32, #tpu.memory_space<vmem_shared>>)
        tpu.yield
      }) : () -> ()
      %mul3A_109 = arith.constant 2 : i32
      %mul3A_110 = arith.muli %scan3A_53, %mul3A_109 : i32
      %add3A_111 = arith.constant 1 : i32
      %add3A_112 = arith.addi %mul3A_110, %add3A_111 : i32
      %dma_wait3A_113 = arith.constant 0 : i32
      %dma_wait3A_114 = arith.constant 1 : i32
      %dma_wait3A_115 = arith.constant 0 : i32
      %dma_wait3A_116 = tpu.memref_slice %arg5[%dma_wait3A_114, %dma_wait3A_115] : memref<2x128xi32, #tpu.memory_space<vmem>> -> memref<1x128xi32, #tpu.memory_space<vmem>>
      %dma_wait3A_117 = tpu.memref_squeeze %dma_wait3A_116 : memref<1x128xi32, #tpu.memory_space<vmem>> -> memref<128xi32, #tpu.memory_space<vmem>>
      %dma_wait3A_118 = arith.constant 0 : i32
      %dma_wait3A_119 = tpu.memref_slice %arg3[%dma_wait3A_113, %dma_wait3A_118] : memref<2x320000xi32, #tpu.memory_space<hbm>> -> memref<1x128xi32, #tpu.memory_space<hbm>>
      %dma_wait3A_120 = tpu.memref_squeeze %dma_wait3A_119 : memref<1x128xi32, #tpu.memory_space<hbm>> -> memref<128xi32, #tpu.memory_space<hbm>>
      %dma_wait3A_121 = arith.constant 0 : i32
      %dma_wait3A_122 = tpu.memref_slice %arg5[%dma_wait3A_114, %dma_wait3A_121] : memref<2x128xi32, #tpu.memory_space<vmem>> -> memref<1x128xi32, #tpu.memory_space<vmem>>
      %dma_wait3A_123 = tpu.memref_squeeze %dma_wait3A_122 : memref<1x128xi32, #tpu.memory_space<vmem>> -> memref<128xi32, #tpu.memory_space<vmem>>
      %dma_wait3A_124 = arith.constant 0 : i32
      %dma_wait3A_125 = tpu.memref_slice %arg3[%dma_wait3A_113, %dma_wait3A_124] : memref<2x320000xi32, #tpu.memory_space<hbm>> -> memref<1x128xi32, #tpu.memory_space<hbm>>
      %dma_wait3A_126 = tpu.memref_squeeze %dma_wait3A_125 : memref<1x128xi32, #tpu.memory_space<hbm>> -> memref<128xi32, #tpu.memory_space<hbm>>
      tpu.wait_dma2 semaphore(%arg10 : memref<!tpu.dma_semaphore, #tpu.memory_space<semaphore_mem>>) src(%dma_wait3A_126 : memref<128xi32, #tpu.memory_space<hbm>>) dst(%dma_wait3A_123 : memref<128xi32, #tpu.memory_space<vmem>>)
      %dma_start3A_127 = arith.constant 1 : i32
      %dma_start3A_128 = arith.constant 0 : i32
      %dma_start3A_129 = tpu.memref_slice %arg5[%dma_start3A_127, %dma_start3A_128] : memref<2x128xi32, #tpu.memory_space<vmem>> -> memref<1x128xi32, #tpu.memory_space<vmem>>
      %dma_start3A_130 = tpu.memref_squeeze %dma_start3A_129 : memref<1x128xi32, #tpu.memory_space<vmem>> -> memref<128xi32, #tpu.memory_space<vmem>>
      %dma_start3A_131 = arith.constant 0 : i32
      %dma_start3A_132 = arith.constant 0 : i32
      %dma_start3A_133 = tpu.memref_slice %arg2[%arg0, %dma_start3A_131, %dma_start3A_132] : memref<2x10240x128xf32, #tpu.memory_space<hbm>> -> memref<1x10240x128xf32, #tpu.memory_space<hbm>>
      %dma_start3A_134 = tpu.memref_squeeze %dma_start3A_133 : memref<1x10240x128xf32, #tpu.memory_space<hbm>> -> memref<10240x128xf32, #tpu.memory_space<hbm>>
      %dma_start3A_135 = arith.constant 0 : i32
      %dma_start3A_136 = arith.constant 0 : i32
      %dma_start3A_137 = tpu.memref_slice %dma_start3A_134[%dma_start3A_135, %dma_start3A_136] : memref<10240x128xf32, #tpu.memory_space<hbm>> -> memref<10240x128xf32, #tpu.memory_space<hbm>>
      tpu.enqueue_indirect_dma source(%dma_start3A_137 : memref<10240x128xf32, #tpu.memory_space<hbm>>) target(%arg7 : memref<128x128xf32, #tpu.memory_space<vmem>>) offsets(%dma_start3A_130 : memref<128xi32, #tpu.memory_space<vmem>>) semaphore(%arg9 : memref<!tpu.dma_semaphore, #tpu.memory_space<semaphore_mem>>)
      %mul3A_138 = arith.constant 16 : i32
      %mul3A_139 = arith.muli %add3A_112, %mul3A_138 : i32
      %add3A_140 = arith.addi %mul3A_139, %arg1 : i32
      %mul3A_141 = arith.constant 128 : i32
      %mul3A_142 = arith.muli %add3A_140, %mul3A_141 : i32
      %run_scoped3A_143 = arith.constant 1 : i32
      "tpu.region"() ({
        %run_scoped3A_166 = tpu.sem_alloc : memref<!tpu.dma_semaphore, #tpu.memory_space<semaphore_mem>>
        %dma_start3A_167 = tpu.memref_slice %arg3[%run_scoped3A_143, %mul3A_142] : memref<2x320000xi32, #tpu.memory_space<hbm>> -> memref<1x128xi32, #tpu.memory_space<hbm>>
        %dma_start3A_168 = tpu.memref_squeeze %dma_start3A_167 : memref<1x128xi32, #tpu.memory_space<hbm>> -> memref<128xi32, #tpu.memory_space<hbm>>
        %dma_start3A_169 = tpu.memref_slice %arg3[%run_scoped3A_143, %mul3A_142] : memref<2x320000xi32, #tpu.memory_space<hbm>> -> memref<1x128xi32, #tpu.memory_space<hbm>>
        %dma_start3A_170 = tpu.memref_squeeze %dma_start3A_169 : memref<1x128xi32, #tpu.memory_space<hbm>> -> memref<128xi32, #tpu.memory_space<hbm>>
        tpu.enqueue_dma source(%dma_start3A_170 : memref<128xi32, #tpu.memory_space<hbm>>) target(%arg6 : memref<128xi32, #tpu.memory_space<vmem>>) target_semaphore(%run_scoped3A_166 : memref<!tpu.dma_semaphore, #tpu.memory_space<semaphore_mem>>)
        %dma_wait3A_171 = tpu.memref_slice %arg3[%run_scoped3A_143, %mul3A_142] : memref<2x320000xi32, #tpu.memory_space<hbm>> -> memref<1x128xi32, #tpu.memory_space<hbm>>
        %dma_wait3A_172 = tpu.memref_squeeze %dma_wait3A_171 : memref<1x128xi32, #tpu.memory_space<hbm>> -> memref<128xi32, #tpu.memory_space<hbm>>
        %dma_wait3A_173 = tpu.memref_slice %arg3[%run_scoped3A_143, %mul3A_142] : memref<2x320000xi32, #tpu.memory_space<hbm>> -> memref<1x128xi32, #tpu.memory_space<hbm>>
        %dma_wait3A_174 = tpu.memref_squeeze %dma_wait3A_173 : memref<1x128xi32, #tpu.memory_space<hbm>> -> memref<128xi32, #tpu.memory_space<hbm>>
        tpu.wait_dma2 semaphore(%run_scoped3A_166 : memref<!tpu.dma_semaphore, #tpu.memory_space<semaphore_mem>>) src(%dma_wait3A_174 : memref<128xi32, #tpu.memory_space<hbm>>) dst(%arg6 : memref<128xi32, #tpu.memory_space<vmem>>)
        tpu.yield
      }) : () -> ()
      %add3A_144 = arith.constant 1 : i32
      %add3A_145 = arith.addi %add3A_112, %add3A_144 : i32
      %lt3A_146 = arith.constant 156 : i32
      %lt3A_147 = arith.cmpi slt, %add3A_145, %lt3A_146 : i32
      %convert_element_type3A_148 = arith.extui %lt3A_147 : i1 to i32
      %cond3A_149 = arith.constant 0 : i32
      %cond3A_150 = arith.cmpi ne, %convert_element_type3A_148, %cond3A_149 : i32
      scf.if %cond3A_150 {
        %add3A_166 = arith.constant 1 : i32
        %add3A_167 = arith.addi %add3A_112, %add3A_166 : i32
        %mul3A_168 = arith.constant 16 : i32
        %mul3A_169 = arith.muli %add3A_167, %mul3A_168 : i32
        %add3A_170 = arith.addi %mul3A_169, %arg1 : i32
        %mul3A_171 = arith.constant 128 : i32
        %mul3A_172 = arith.muli %add3A_170, %mul3A_171 : i32
        %dma_start3A_173 = arith.constant 0 : i32
        %dma_start3A_174 = arith.constant 0 : i32
        %dma_start3A_175 = arith.constant 0 : i32
        %dma_start3A_176 = tpu.memref_slice %arg5[%dma_start3A_174, %dma_start3A_175] : memref<2x128xi32, #tpu.memory_space<vmem>> -> memref<1x128xi32, #tpu.memory_space<vmem>>
        %dma_start3A_177 = tpu.memref_squeeze %dma_start3A_176 : memref<1x128xi32, #tpu.memory_space<vmem>> -> memref<128xi32, #tpu.memory_space<vmem>>
        %dma_start3A_178 = tpu.memref_slice %arg3[%dma_start3A_173, %mul3A_172] : memref<2x320000xi32, #tpu.memory_space<hbm>> -> memref<1x128xi32, #tpu.memory_space<hbm>>
        %dma_start3A_179 = tpu.memref_squeeze %dma_start3A_178 : memref<1x128xi32, #tpu.memory_space<hbm>> -> memref<128xi32, #tpu.memory_space<hbm>>
        %dma_start3A_180 = arith.constant 0 : i32
        %dma_start3A_181 = tpu.memref_slice %arg5[%dma_start3A_174, %dma_start3A_180] : memref<2x128xi32, #tpu.memory_space<vmem>> -> memref<1x128xi32, #tpu.memory_space<vmem>>
        %dma_start3A_182 = tpu.memref_squeeze %dma_start3A_181 : memref<1x128xi32, #tpu.memory_space<vmem>> -> memref<128xi32, #tpu.memory_space<vmem>>
        %dma_start3A_183 = tpu.memref_slice %arg3[%dma_start3A_173, %mul3A_172] : memref<2x320000xi32, #tpu.memory_space<hbm>> -> memref<1x128xi32, #tpu.memory_space<hbm>>
        %dma_start3A_184 = tpu.memref_squeeze %dma_start3A_183 : memref<1x128xi32, #tpu.memory_space<hbm>> -> memref<128xi32, #tpu.memory_space<hbm>>
        tpu.enqueue_dma source(%dma_start3A_184 : memref<128xi32, #tpu.memory_space<hbm>>) target(%dma_start3A_182 : memref<128xi32, #tpu.memory_space<vmem>>) target_semaphore(%arg10 : memref<!tpu.dma_semaphore, #tpu.memory_space<semaphore_mem>>)
      } else {
      }
      %dma_wait3A_151 = arith.constant 0 : i32
      %dma_wait3A_152 = arith.constant 0 : i32
      %dma_wait3A_153 = tpu.memref_slice %arg2[%arg0, %dma_wait3A_151, %dma_wait3A_152] : memref<2x10240x128xf32, #tpu.memory_space<hbm>> -> memref<1x10240x128xf32, #tpu.memory_space<hbm>>
      %dma_wait3A_154 = tpu.memref_squeeze %dma_wait3A_153 : memref<1x10240x128xf32, #tpu.memory_space<hbm>> -> memref<10240x128xf32, #tpu.memory_space<hbm>>
      %dma_wait3A_155 = arith.constant 0 : i32
      %dma_wait3A_156 = arith.constant 0 : i32
      %dma_wait3A_157 = tpu.memref_slice %dma_wait3A_154[%dma_wait3A_155, %dma_wait3A_156] : memref<10240x128xf32, #tpu.memory_space<hbm>> -> memref<128x128xf32, #tpu.memory_space<hbm>>
      %dma_wait3A_158 = arith.constant 0 : i32
      %dma_wait3A_159 = arith.constant 0 : i32
      %dma_wait3A_160 = tpu.memref_slice %arg2[%arg0, %dma_wait3A_158, %dma_wait3A_159] : memref<2x10240x128xf32, #tpu.memory_space<hbm>> -> memref<1x10240x128xf32, #tpu.memory_space<hbm>>
      %dma_wait3A_161 = tpu.memref_squeeze %dma_wait3A_160 : memref<1x10240x128xf32, #tpu.memory_space<hbm>> -> memref<10240x128xf32, #tpu.memory_space<hbm>>
      %dma_wait3A_162 = arith.constant 0 : i32
      %dma_wait3A_163 = arith.constant 0 : i32
      %dma_wait3A_164 = tpu.memref_slice %dma_wait3A_161[%dma_wait3A_162, %dma_wait3A_163] : memref<10240x128xf32, #tpu.memory_space<hbm>> -> memref<128x128xf32, #tpu.memory_space<hbm>>
      tpu.wait_dma2 semaphore(%arg9 : memref<!tpu.dma_semaphore, #tpu.memory_space<semaphore_mem>>) src(%dma_wait3A_164 : memref<128x128xf32, #tpu.memory_space<hbm>>) dst(%arg7 : memref<128x128xf32, #tpu.memory_space<vmem>>)
      "tpu.region"() ({
        %run_scoped3A_166 = tpu.sem_alloc : memref<!tpu.dma_semaphore, #tpu.memory_space<semaphore_mem>>
        %dma_start3A_167 = arith.constant 0 : i32
        %dma_start3A_168 = arith.constant 0 : i32
        %dma_start3A_169 = tpu.memref_slice %arg8[%dma_start3A_167, %dma_start3A_168] : memref<10240x128xf32, #tpu.memory_space<vmem_shared>> -> memref<10240x128xf32, #tpu.memory_space<vmem_shared>>
        tpu.enqueue_indirect_dma source(%arg7 : memref<128x128xf32, #tpu.memory_space<vmem>>) target(%dma_start3A_169 : memref<10240x128xf32, #tpu.memory_space<vmem_shared>>) offsets(%arg6 : memref<128xi32, #tpu.memory_space<vmem>>) semaphore(%run_scoped3A_166 : memref<!tpu.dma_semaphore, #tpu.memory_space<semaphore_mem>>) {add = true}
        %dma_wait3A_170 = arith.constant 0 : i32
        %dma_wait3A_171 = arith.constant 0 : i32
        %dma_wait3A_172 = tpu.memref_slice %arg8[%dma_wait3A_170, %dma_wait3A_171] : memref<10240x128xf32, #tpu.memory_space<vmem_shared>> -> memref<10240x128xf32, #tpu.memory_space<vmem_shared>>
        tpu.wait_indirect_dma semaphore(%run_scoped3A_166 : memref<!tpu.dma_semaphore, #tpu.memory_space<semaphore_mem>>) src(%arg7 : memref<128x128xf32, #tpu.memory_space<vmem>>) dst(%dma_wait3A_172 : memref<10240x128xf32, #tpu.memory_space<vmem_shared>>)
        tpu.yield
      }) : () -> ()
      %scan3A_165 = arith.constant 0 : i32
      scf.yield %scan3A_165 : i32
    }
    %scan3A_45 = arith.constant 78 : i32
    %lt3A = arith.constant 4 : i32
    %lt3A_46 = arith.cmpi slt, %arg1, %lt3A : i32
    %convert_element_type3A = arith.extui %lt3A_46 : i1 to i32
    %cond3A = arith.constant 0 : i32
    %cond3A_47 = arith.cmpi ne, %convert_element_type3A, %cond3A : i32
    scf.if %cond3A_47 {
      %add3A_53 = arith.constant 2496 : i32
      %add3A_54 = arith.addi %add3A_53, %arg1 : i32
      %mul3A_55 = arith.constant 128 : i32
      %mul3A_56 = arith.muli %add3A_54, %mul3A_55 : i32
      %run_scoped3A = arith.constant 0 : i32
      %run_scoped3A_57 = arith.constant 0 : i32
      "tpu.region"() ({
        %run_scoped3A_83 = tpu.sem_alloc : memref<!tpu.dma_semaphore, #tpu.memory_space<semaphore_mem>>
        %dma_start3A_84 = arith.constant 0 : i32
        %dma_start3A_85 = tpu.memref_slice %arg5[%run_scoped3A_57, %dma_start3A_84] : memref<2x128xi32, #tpu.memory_space<vmem>> -> memref<1x128xi32, #tpu.memory_space<vmem>>
        %dma_start3A_86 = tpu.memref_squeeze %dma_start3A_85 : memref<1x128xi32, #tpu.memory_space<vmem>> -> memref<128xi32, #tpu.memory_space<vmem>>
        %dma_start3A_87 = tpu.memref_slice %arg3[%run_scoped3A, %mul3A_56] : memref<2x320000xi32, #tpu.memory_space<hbm>> -> memref<1x128xi32, #tpu.memory_space<hbm>>
        %dma_start3A_88 = tpu.memref_squeeze %dma_start3A_87 : memref<1x128xi32, #tpu.memory_space<hbm>> -> memref<128xi32, #tpu.memory_space<hbm>>
        %dma_start3A_89 = arith.constant 0 : i32
        %dma_start3A_90 = tpu.memref_slice %arg5[%run_scoped3A_57, %dma_start3A_89] : memref<2x128xi32, #tpu.memory_space<vmem>> -> memref<1x128xi32, #tpu.memory_space<vmem>>
        %dma_start3A_91 = tpu.memref_squeeze %dma_start3A_90 : memref<1x128xi32, #tpu.memory_space<vmem>> -> memref<128xi32, #tpu.memory_space<vmem>>
        %dma_start3A_92 = tpu.memref_slice %arg3[%run_scoped3A, %mul3A_56] : memref<2x320000xi32, #tpu.memory_space<hbm>> -> memref<1x128xi32, #tpu.memory_space<hbm>>
        %dma_start3A_93 = tpu.memref_squeeze %dma_start3A_92 : memref<1x128xi32, #tpu.memory_space<hbm>> -> memref<128xi32, #tpu.memory_space<hbm>>
        tpu.enqueue_dma source(%dma_start3A_93 : memref<128xi32, #tpu.memory_space<hbm>>) target(%dma_start3A_91 : memref<128xi32, #tpu.memory_space<vmem>>) target_semaphore(%run_scoped3A_83 : memref<!tpu.dma_semaphore, #tpu.memory_space<semaphore_mem>>)
        %dma_wait3A_94 = arith.constant 0 : i32
        %dma_wait3A_95 = tpu.memref_slice %arg5[%run_scoped3A_57, %dma_wait3A_94] : memref<2x128xi32, #tpu.memory_space<vmem>> -> memref<1x128xi32, #tpu.memory_space<vmem>>
        %dma_wait3A_96 = tpu.memref_squeeze %dma_wait3A_95 : memref<1x128xi32, #tpu.memory_space<vmem>> -> memref<128xi32, #tpu.memory_space<vmem>>
        %dma_wait3A_97 = tpu.memref_slice %arg3[%run_scoped3A, %mul3A_56] : memref<2x320000xi32, #tpu.memory_space<hbm>> -> memref<1x128xi32, #tpu.memory_space<hbm>>
        %dma_wait3A_98 = tpu.memref_squeeze %dma_wait3A_97 : memref<1x128xi32, #tpu.memory_space<hbm>> -> memref<128xi32, #tpu.memory_space<hbm>>
        %dma_wait3A_99 = arith.constant 0 : i32
        %dma_wait3A_100 = tpu.memref_slice %arg5[%run_scoped3A_57, %dma_wait3A_99] : memref<2x128xi32, #tpu.memory_space<vmem>> -> memref<1x128xi32, #tpu.memory_space<vmem>>
        %dma_wait3A_101 = tpu.memref_squeeze %dma_wait3A_100 : memref<1x128xi32, #tpu.memory_space<vmem>> -> memref<128xi32, #tpu.memory_space<vmem>>
        %dma_wait3A_102 = tpu.memref_slice %arg3[%run_scoped3A, %mul3A_56] : memref<2x320000xi32, #tpu.memory_space<hbm>> -> memref<1x128xi32, #tpu.memory_space<hbm>>
        %dma_wait3A_103 = tpu.memref_squeeze %dma_wait3A_102 : memref<1x128xi32, #tpu.memory_space<hbm>> -> memref<128xi32, #tpu.memory_space<hbm>>
        tpu.wait_dma2 semaphore(%run_scoped3A_83 : memref<!tpu.dma_semaphore, #tpu.memory_space<semaphore_mem>>) src(%dma_wait3A_103 : memref<128xi32, #tpu.memory_space<hbm>>) dst(%dma_wait3A_101 : memref<128xi32, #tpu.memory_space<vmem>>)
        tpu.yield
      }) : () -> ()
      %dma_start3A_58 = arith.constant 0 : i32
      %dma_start3A_59 = arith.constant 0 : i32
      %dma_start3A_60 = tpu.memref_slice %arg5[%dma_start3A_58, %dma_start3A_59] : memref<2x128xi32, #tpu.memory_space<vmem>> -> memref<1x128xi32, #tpu.memory_space<vmem>>
      %dma_start3A_61 = tpu.memref_squeeze %dma_start3A_60 : memref<1x128xi32, #tpu.memory_space<vmem>> -> memref<128xi32, #tpu.memory_space<vmem>>
      %dma_start3A_62 = arith.constant 0 : i32
      %dma_start3A_63 = arith.constant 0 : i32
      %dma_start3A_64 = tpu.memref_slice %arg2[%arg0, %dma_start3A_62, %dma_start3A_63] : memref<2x10240x128xf32, #tpu.memory_space<hbm>> -> memref<1x10240x128xf32, #tpu.memory_space<hbm>>
      %dma_start3A_65 = tpu.memref_squeeze %dma_start3A_64 : memref<1x10240x128xf32, #tpu.memory_space<hbm>> -> memref<10240x128xf32, #tpu.memory_space<hbm>>
      %dma_start3A_66 = arith.constant 0 : i32
      %dma_start3A_67 = arith.constant 0 : i32
      %dma_start3A_68 = tpu.memref_slice %dma_start3A_65[%dma_start3A_66, %dma_start3A_67] : memref<10240x128xf32, #tpu.memory_space<hbm>> -> memref<10240x128xf32, #tpu.memory_space<hbm>>
      tpu.enqueue_indirect_dma source(%dma_start3A_68 : memref<10240x128xf32, #tpu.memory_space<hbm>>) target(%arg7 : memref<128x128xf32, #tpu.memory_space<vmem>>) offsets(%dma_start3A_61 : memref<128xi32, #tpu.memory_space<vmem>>) semaphore(%arg9 : memref<!tpu.dma_semaphore, #tpu.memory_space<semaphore_mem>>)
      %run_scoped3A_69 = arith.constant 1 : i32
      "tpu.region"() ({
        %run_scoped3A_83 = tpu.sem_alloc : memref<!tpu.dma_semaphore, #tpu.memory_space<semaphore_mem>>
        %dma_start3A_84 = tpu.memref_slice %arg3[%run_scoped3A_69, %mul3A_56] : memref<2x320000xi32, #tpu.memory_space<hbm>> -> memref<1x128xi32, #tpu.memory_space<hbm>>
        %dma_start3A_85 = tpu.memref_squeeze %dma_start3A_84 : memref<1x128xi32, #tpu.memory_space<hbm>> -> memref<128xi32, #tpu.memory_space<hbm>>
        %dma_start3A_86 = tpu.memref_slice %arg3[%run_scoped3A_69, %mul3A_56] : memref<2x320000xi32, #tpu.memory_space<hbm>> -> memref<1x128xi32, #tpu.memory_space<hbm>>
        %dma_start3A_87 = tpu.memref_squeeze %dma_start3A_86 : memref<1x128xi32, #tpu.memory_space<hbm>> -> memref<128xi32, #tpu.memory_space<hbm>>
        tpu.enqueue_dma source(%dma_start3A_87 : memref<128xi32, #tpu.memory_space<hbm>>) target(%arg6 : memref<128xi32, #tpu.memory_space<vmem>>) target_semaphore(%run_scoped3A_83 : memref<!tpu.dma_semaphore, #tpu.memory_space<semaphore_mem>>)
        %dma_wait3A_88 = tpu.memref_slice %arg3[%run_scoped3A_69, %mul3A_56] : memref<2x320000xi32, #tpu.memory_space<hbm>> -> memref<1x128xi32, #tpu.memory_space<hbm>>
        %dma_wait3A_89 = tpu.memref_squeeze %dma_wait3A_88 : memref<1x128xi32, #tpu.memory_space<hbm>> -> memref<128xi32, #tpu.memory_space<hbm>>
        %dma_wait3A_90 = tpu.memref_slice %arg3[%run_scoped3A_69, %mul3A_56] : memref<2x320000xi32, #tpu.memory_space<hbm>> -> memref<1x128xi32, #tpu.memory_space<hbm>>
        %dma_wait3A_91 = tpu.memref_squeeze %dma_wait3A_90 : memref<1x128xi32, #tpu.memory_space<hbm>> -> memref<128xi32, #tpu.memory_space<hbm>>
        tpu.wait_dma2 semaphore(%run_scoped3A_83 : memref<!tpu.dma_semaphore, #tpu.memory_space<semaphore_mem>>) src(%dma_wait3A_91 : memref<128xi32, #tpu.memory_space<hbm>>) dst(%arg6 : memref<128xi32, #tpu.memory_space<vmem>>)
        tpu.yield
      }) : () -> ()
      %dma_wait3A = arith.constant 0 : i32
      %dma_wait3A_70 = arith.constant 0 : i32
      %dma_wait3A_71 = tpu.memref_slice %arg2[%arg0, %dma_wait3A, %dma_wait3A_70] : memref<2x10240x128xf32, #tpu.memory_space<hbm>> -> memref<1x10240x128xf32, #tpu.memory_space<hbm>>
      %dma_wait3A_72 = tpu.memref_squeeze %dma_wait3A_71 : memref<1x10240x128xf32, #tpu.memory_space<hbm>> -> memref<10240x128xf32, #tpu.memory_space<hbm>>
      %dma_wait3A_73 = arith.constant 0 : i32
      %dma_wait3A_74 = arith.constant 0 : i32
      %dma_wait3A_75 = tpu.memref_slice %dma_wait3A_72[%dma_wait3A_73, %dma_wait3A_74] : memref<10240x128xf32, #tpu.memory_space<hbm>> -> memref<128x128xf32, #tpu.memory_space<hbm>>
      %dma_wait3A_76 = arith.constant 0 : i32
      %dma_wait3A_77 = arith.constant 0 : i32
      %dma_wait3A_78 = tpu.memref_slice %arg2[%arg0, %dma_wait3A_76, %dma_wait3A_77] : memref<2x10240x128xf32, #tpu.memory_space<hbm>> -> memref<1x10240x128xf32, #tpu.memory_space<hbm>>
      %dma_wait3A_79 = tpu.memref_squeeze %dma_wait3A_78 : memref<1x10240x128xf32, #tpu.memory_space<hbm>> -> memref<10240x128xf32, #tpu.memory_space<hbm>>
      %dma_wait3A_80 = arith.constant 0 : i32
      %dma_wait3A_81 = arith.constant 0 : i32
      %dma_wait3A_82 = tpu.memref_slice %dma_wait3A_79[%dma_wait3A_80, %dma_wait3A_81] : memref<10240x128xf32, #tpu.memory_space<hbm>> -> memref<128x128xf32, #tpu.memory_space<hbm>>
      tpu.wait_dma2 semaphore(%arg9 : memref<!tpu.dma_semaphore, #tpu.memory_space<semaphore_mem>>) src(%dma_wait3A_82 : memref<128x128xf32, #tpu.memory_space<hbm>>) dst(%arg7 : memref<128x128xf32, #tpu.memory_space<vmem>>)
      "tpu.region"() ({
        %run_scoped3A_83 = tpu.sem_alloc : memref<!tpu.dma_semaphore, #tpu.memory_space<semaphore_mem>>
        %dma_start3A_84 = arith.constant 0 : i32
        %dma_start3A_85 = arith.constant 0 : i32
        %dma_start3A_86 = tpu.memref_slice %arg8[%dma_start3A_84, %dma_start3A_85] : memref<10240x128xf32, #tpu.memory_space<vmem_shared>> -> memref<10240x128xf32, #tpu.memory_space<vmem_shared>>
        tpu.enqueue_indirect_dma source(%arg7 : memref<128x128xf32, #tpu.memory_space<vmem>>) target(%dma_start3A_86 : memref<10240x128xf32, #tpu.memory_space<vmem_shared>>) offsets(%arg6 : memref<128xi32, #tpu.memory_space<vmem>>) semaphore(%run_scoped3A_83 : memref<!tpu.dma_semaphore, #tpu.memory_space<semaphore_mem>>) {add = true}
        %dma_wait3A_87 = arith.constant 0 : i32
        %dma_wait3A_88 = arith.constant 0 : i32
        %dma_wait3A_89 = tpu.memref_slice %arg8[%dma_wait3A_87, %dma_wait3A_88] : memref<10240x128xf32, #tpu.memory_space<vmem_shared>> -> memref<10240x128xf32, #tpu.memory_space<vmem_shared>>
        tpu.wait_indirect_dma semaphore(%run_scoped3A_83 : memref<!tpu.dma_semaphore, #tpu.memory_space<semaphore_mem>>) src(%arg7 : memref<128x128xf32, #tpu.memory_space<vmem>>) dst(%dma_wait3A_89 : memref<10240x128xf32, #tpu.memory_space<vmem_shared>>)
        tpu.yield
      }) : () -> ()
    } else {
    }
    %barrier3A_48 = arith.constant 0 : index
    tpu.barrier barrier_id(%barrier3A_48)
    %mul3A_49 = arith.constant 640 : i32
    %mul3A_50 = arith.muli %arg1, %mul3A_49 : i32
    %mul3A_51 = arith.constant 640 : i32
    %mul3A_52 = arith.muli %arg1, %mul3A_51 : i32
    "tpu.region"() ({
      %run_scoped3A = tpu.sem_alloc : memref<!tpu.dma_semaphore, #tpu.memory_space<semaphore_mem>>
      %dma_start3A_53 = arith.constant 0 : i32
      %dma_start3A_54 = tpu.memref_slice %arg4[%arg0, %mul3A_52, %dma_start3A_53] : memref<2x10240x128xf32, #tpu.memory_space<hbm>> -> memref<1x640x128xf32, #tpu.memory_space<hbm>>
      %dma_start3A_55 = tpu.memref_squeeze %dma_start3A_54 : memref<1x640x128xf32, #tpu.memory_space<hbm>> -> memref<640x128xf32, #tpu.memory_space<hbm>>
      %dma_start3A_56 = arith.constant 0 : i32
      %dma_start3A_57 = tpu.memref_slice %arg8[%mul3A_50, %dma_start3A_56] : memref<10240x128xf32, #tpu.memory_space<vmem_shared>> -> memref<640x128xf32, #tpu.memory_space<vmem_shared>>
      tpu.enqueue_dma source(%dma_start3A_57 : memref<640x128xf32, #tpu.memory_space<vmem_shared>>) target(%dma_start3A_55 : memref<640x128xf32, #tpu.memory_space<hbm>>) target_semaphore(%run_scoped3A : memref<!tpu.dma_semaphore, #tpu.memory_space<semaphore_mem>>)
      %dma_wait3A = arith.constant 0 : i32
      %dma_wait3A_58 = tpu.memref_slice %arg4[%arg0, %mul3A_52, %dma_wait3A] : memref<2x10240x128xf32, #tpu.memory_space<hbm>> -> memref<1x640x128xf32, #tpu.memory_space<hbm>>
      %dma_wait3A_59 = tpu.memref_squeeze %dma_wait3A_58 : memref<1x640x128xf32, #tpu.memory_space<hbm>> -> memref<640x128xf32, #tpu.memory_space<hbm>>
      %dma_wait3A_60 = arith.constant 0 : i32
      %dma_wait3A_61 = tpu.memref_slice %arg8[%mul3A_50, %dma_wait3A_60] : memref<10240x128xf32, #tpu.memory_space<vmem_shared>> -> memref<640x128xf32, #tpu.memory_space<vmem_shared>>
      tpu.wait_dma2 semaphore(%run_scoped3A : memref<!tpu.dma_semaphore, #tpu.memory_space<semaphore_mem>>) src(%dma_wait3A_61 : memref<640x128xf32, #tpu.memory_space<vmem_shared>>) dst(%dma_wait3A_59 : memref<640x128xf32, #tpu.memory_space<hbm>>)
      tpu.yield
    }) : () -> ()
    return
  }
}

#map = affine_map<(d0, d1) -> (0)>
#map1 = affine_map<(d0, d1) -> (0, 0, 0)>
#map2 = affine_map<(d0, d1) -> (0, 0)>
module attributes {stable_mosaic.version = 14 : i64} {
  func.func @_degrees_body(%arg0: i32, %arg1: i32, %arg2: memref<640000xi32, #tpu.memory_space<hbm>>, %arg3: memref<2x2500x128xi32, #tpu.memory_space<hbm>>, %arg4: memref<2x10240xf32, #tpu.memory_space<hbm>>, %arg5: memref<160x128xi32, #tpu.memory_space<vmem>>, %arg6: memref<128xi32, #tpu.memory_space<vmem>>, %arg7: memref<128xf32, #tpu.memory_space<vmem>>, %arg8: memref<640xf32, #tpu.memory_space<vmem>>, %arg9: memref<10240xf32, #tpu.memory_space<vmem_shared>>, %arg10: memref<!tpu.dma_semaphore, #tpu.memory_space<semaphore_mem>>, %arg11: memref<!tpu.dma_semaphore, #tpu.memory_space<semaphore_mem>>, %arg12: memref<!tpu.dma_semaphore, #tpu.memory_space<semaphore_mem>>, %arg13: memref<!tpu.dma_semaphore, #tpu.memory_space<semaphore_mem>>, %arg14: memref<!tpu.dma_semaphore, #tpu.memory_space<semaphore_mem>>) attributes {dimension_semantics = [#tpu.dimension_semantics<core_parallel>, #tpu.dimension_semantics<subcore_parallel>], iteration_bounds = array<i64: 2, 16>, scalar_prefetch = 0 : i64, scratch_operands = 10 : i64, tpu.core_type = #tpu.core_type<sc_vector_subcore>, window_params = [{transform_indices = #map}, {transform_indices = #map1}, {transform_indices = #map2}]} {
    %lt3A = arith.constant 8 : i32
    %lt3A_0 = arith.cmpi slt, %arg1, %lt3A : i32
    %jit3A = arith.constant 1 : i32
    %jit3A_1 = arith.constant 0 : i32
    %select_n3A = arith.select %lt3A_0, %jit3A, %jit3A_1 : i32
    %add3A = arith.constant 19 : i32
    %add3A_2 = arith.addi %add3A, %select_n3A : i32
    %while3A = arith.constant 0 : i32
    %while3A_3 = arith.constant 0 : i32
    %while3A_4 = arith.subi %add3A_2, %while3A : i32
    %while3A_5 = arith.addi %while3A, %while3A_4 : i32
    %while3A_6 = arith.constant 1 : i32
    %while3A_7 = arith.divsi %while3A_4, %while3A_6 : i32
    %while3A_8 = arith.muli %while3A_7, %while3A_6 : i32
    %while3A_9 = arith.addi %while3A, %while3A_8 : i32
    %while3A_10 = arith.constant 1 : i32
    %while3A_11 = scf.for %while3A_93 = %while3A to %while3A_9 step %while3A_10 iter_args(%while3A_94 = %while3A_3) -> (i32)  : i32 {
      %mul3A_95 = arith.constant 16 : i32
      %mul3A_96 = arith.muli %while3A_93, %mul3A_95 : i32
      %add3A_97 = arith.addi %arg1, %mul3A_96 : i32
      %mul3A_98 = arith.constant 8 : i32
      %mul3A_99 = arith.muli %add3A_97, %mul3A_98 : i32
      %mul3A_100 = arith.constant 8 : i32
      %mul3A_101 = arith.muli %while3A_93, %mul3A_100 : i32
      %dma_start3A = arith.constant 0 : i32
      %dma_start3A_102 = tpu.memref_slice %arg5[%mul3A_101, %dma_start3A] : memref<160x128xi32, #tpu.memory_space<vmem>> -> memref<8x128xi32, #tpu.memory_space<vmem>>
      %dma_start3A_103 = arith.constant 0 : i32
      %dma_start3A_104 = tpu.memref_slice %arg3[%arg0, %mul3A_99, %dma_start3A_103] : memref<2x2500x128xi32, #tpu.memory_space<hbm>> -> memref<1x8x128xi32, #tpu.memory_space<hbm>>
      %dma_start3A_105 = tpu.memref_squeeze %dma_start3A_104 : memref<1x8x128xi32, #tpu.memory_space<hbm>> -> memref<8x128xi32, #tpu.memory_space<hbm>>
      %dma_start3A_106 = arith.constant 0 : i32
      %dma_start3A_107 = tpu.memref_slice %arg5[%mul3A_101, %dma_start3A_106] : memref<160x128xi32, #tpu.memory_space<vmem>> -> memref<8x128xi32, #tpu.memory_space<vmem>>
      %dma_start3A_108 = arith.constant 0 : i32
      %dma_start3A_109 = tpu.memref_slice %arg3[%arg0, %mul3A_99, %dma_start3A_108] : memref<2x2500x128xi32, #tpu.memory_space<hbm>> -> memref<1x8x128xi32, #tpu.memory_space<hbm>>
      %dma_start3A_110 = tpu.memref_squeeze %dma_start3A_109 : memref<1x8x128xi32, #tpu.memory_space<hbm>> -> memref<8x128xi32, #tpu.memory_space<hbm>>
      tpu.enqueue_dma source(%dma_start3A_110 : memref<8x128xi32, #tpu.memory_space<hbm>>) target(%dma_start3A_107 : memref<8x128xi32, #tpu.memory_space<vmem>>) target_semaphore(%arg10 : memref<!tpu.dma_semaphore, #tpu.memory_space<semaphore_mem>>)
      %while3A_111 = arith.constant 0 : i32
      scf.yield %while3A_111 : i32
    }
    %while3A_12 = arith.constant 1 : i32
    %while3A_13 = scf.for %while3A_93 = %while3A_9 to %while3A_5 step %while3A_12 iter_args(%while3A_94 = %while3A_11) -> (i32)  : i32 {
      %mul3A_95 = arith.constant 16 : i32
      %mul3A_96 = arith.muli %while3A_93, %mul3A_95 : i32
      %add3A_97 = arith.addi %arg1, %mul3A_96 : i32
      %mul3A_98 = arith.constant 8 : i32
      %mul3A_99 = arith.muli %add3A_97, %mul3A_98 : i32
      %mul3A_100 = arith.constant 8 : i32
      %mul3A_101 = arith.muli %while3A_93, %mul3A_100 : i32
      %dma_start3A = arith.constant 0 : i32
      %dma_start3A_102 = tpu.memref_slice %arg5[%mul3A_101, %dma_start3A] : memref<160x128xi32, #tpu.memory_space<vmem>> -> memref<8x128xi32, #tpu.memory_space<vmem>>
      %dma_start3A_103 = arith.constant 0 : i32
      %dma_start3A_104 = tpu.memref_slice %arg3[%arg0, %mul3A_99, %dma_start3A_103] : memref<2x2500x128xi32, #tpu.memory_space<hbm>> -> memref<1x8x128xi32, #tpu.memory_space<hbm>>
      %dma_start3A_105 = tpu.memref_squeeze %dma_start3A_104 : memref<1x8x128xi32, #tpu.memory_space<hbm>> -> memref<8x128xi32, #tpu.memory_space<hbm>>
      %dma_start3A_106 = arith.constant 0 : i32
      %dma_start3A_107 = tpu.memref_slice %arg5[%mul3A_101, %dma_start3A_106] : memref<160x128xi32, #tpu.memory_space<vmem>> -> memref<8x128xi32, #tpu.memory_space<vmem>>
      %dma_start3A_108 = arith.constant 0 : i32
      %dma_start3A_109 = tpu.memref_slice %arg3[%arg0, %mul3A_99, %dma_start3A_108] : memref<2x2500x128xi32, #tpu.memory_space<hbm>> -> memref<1x8x128xi32, #tpu.memory_space<hbm>>
      %dma_start3A_110 = tpu.memref_squeeze %dma_start3A_109 : memref<1x8x128xi32, #tpu.memory_space<hbm>> -> memref<8x128xi32, #tpu.memory_space<hbm>>
      tpu.enqueue_dma source(%dma_start3A_110 : memref<8x128xi32, #tpu.memory_space<hbm>>) target(%dma_start3A_107 : memref<8x128xi32, #tpu.memory_space<vmem>>) target_semaphore(%arg10 : memref<!tpu.dma_semaphore, #tpu.memory_space<semaphore_mem>>)
      %while3A_111 = arith.constant 0 : i32
      scf.yield %while3A_111 : i32
    }
    %scan3A = arith.constant 0 : i32
    %scan3A_14 = arith.constant 0 : i32
    %scan3A_15 = arith.constant 8 : i32
    %scan3A_16 = arith.addi %scan3A_14, %scan3A_15 : i32
    %scan3A_17 = arith.constant 1 : i32
    %scan3A_18 = scf.for %scan3A_93 = %scan3A_14 to %scan3A_16 step %scan3A_17 iter_args(%scan3A_94 = %scan3A) -> (i32)  : i32 {
      %broadcast_in_dim3A = arith.constant 1.000000e+00 : f32
      %broadcast_in_dim3A_95 = vector.broadcast %broadcast_in_dim3A : f32 to vector<16xf32>
      %mul3A_96 = arith.constant 16 : i32
      %mul3A_97 = arith.muli %scan3A_93, %mul3A_96 : i32
      %swap3A = arith.index_cast %mul3A_97 : i32 to index
      %swap3A_98 = tpu.vector_load %arg7[%swap3A] {strides = array<i32>} : memref<128xf32, #tpu.memory_space<vmem>>, vector<16xf32>,
      %swap3A_99 = vector.shape_cast %swap3A_98 : vector<16xf32> to vector<16xf32>
      %swap3A_100 = vector.shape_cast %broadcast_in_dim3A_95 : vector<16xf32> to vector<16xf32>
      tpu.vector_store %arg7[%swap3A], %swap3A_100 {strides = array<i32>} : memref<128xf32, #tpu.memory_space<vmem>>, vector<16xf32>,
      %scan3A_101 = arith.constant 0 : i32
      scf.yield %scan3A_101 : i32
    }
    %scan3A_19 = arith.constant 8 : i32
    %scan3A_20 = arith.constant 0 : i32
    %scan3A_21 = arith.constant 0 : i32
    %scan3A_22 = arith.constant 40 : i32
    %scan3A_23 = arith.addi %scan3A_21, %scan3A_22 : i32
    %scan3A_24 = arith.constant 1 : i32
    %scan3A_25 = scf.for %scan3A_93 = %scan3A_21 to %scan3A_23 step %scan3A_24 iter_args(%scan3A_94 = %scan3A_20) -> (i32)  : i32 {
      %broadcast_in_dim3A = arith.constant 0.000000e+00 : f32
      %broadcast_in_dim3A_95 = vector.broadcast %broadcast_in_dim3A : f32 to vector<16xf32>
      %mul3A_96 = arith.constant 16 : i32
      %mul3A_97 = arith.muli %scan3A_93, %mul3A_96 : i32
      %swap3A = arith.index_cast %mul3A_97 : i32 to index
      %swap3A_98 = tpu.vector_load %arg8[%swap3A] {strides = array<i32>} : memref<640xf32, #tpu.memory_space<vmem>>, vector<16xf32>,
      %swap3A_99 = vector.shape_cast %swap3A_98 : vector<16xf32> to vector<16xf32>
      %swap3A_100 = vector.shape_cast %broadcast_in_dim3A_95 : vector<16xf32> to vector<16xf32>
      tpu.vector_store %arg8[%swap3A], %swap3A_100 {strides = array<i32>} : memref<640xf32, #tpu.memory_space<vmem>>, vector<16xf32>,
      %scan3A_101 = arith.constant 0 : i32
      scf.yield %scan3A_101 : i32
    }
    %scan3A_26 = arith.constant 40 : i32
    %mul3A = arith.constant 640 : i32
    %mul3A_27 = arith.muli %arg1, %mul3A : i32
    "tpu.region"() ({
      %run_scoped3A = tpu.sem_alloc : memref<!tpu.dma_semaphore, #tpu.memory_space<semaphore_mem>>
      %dma_start3A = tpu.memref_slice %arg9[%mul3A_27] : memref<10240xf32, #tpu.memory_space<vmem_shared>> -> memref<640xf32, #tpu.memory_space<vmem_shared>>
      %dma_start3A_93 = tpu.memref_slice %arg9[%mul3A_27] : memref<10240xf32, #tpu.memory_space<vmem_shared>> -> memref<640xf32, #tpu.memory_space<vmem_shared>>
      tpu.enqueue_dma source(%arg8 : memref<640xf32, #tpu.memory_space<vmem>>) target(%dma_start3A_93 : memref<640xf32, #tpu.memory_space<vmem_shared>>) target_semaphore(%run_scoped3A : memref<!tpu.dma_semaphore, #tpu.memory_space<semaphore_mem>>)
      %dma_wait3A_94 = tpu.memref_slice %arg9[%mul3A_27] : memref<10240xf32, #tpu.memory_space<vmem_shared>> -> memref<640xf32, #tpu.memory_space<vmem_shared>>
      %dma_wait3A_95 = tpu.memref_slice %arg9[%mul3A_27] : memref<10240xf32, #tpu.memory_space<vmem_shared>> -> memref<640xf32, #tpu.memory_space<vmem_shared>>
      tpu.wait_dma2 semaphore(%run_scoped3A : memref<!tpu.dma_semaphore, #tpu.memory_space<semaphore_mem>>) src(%arg8 : memref<640xf32, #tpu.memory_space<vmem>>) dst(%dma_wait3A_95 : memref<640xf32, #tpu.memory_space<vmem_shared>>)
      tpu.yield
    }) : () -> ()
    %while3A_28 = arith.constant 0 : i32
    %while3A_29 = arith.constant 0 : i32
    %while3A_30 = arith.subi %add3A_2, %while3A_28 : i32
    %while3A_31 = arith.addi %while3A_28, %while3A_30 : i32
    %while3A_32 = arith.constant 1 : i32
    %while3A_33 = arith.divsi %while3A_30, %while3A_32 : i32
    %while3A_34 = arith.muli %while3A_33, %while3A_32 : i32
    %while3A_35 = arith.addi %while3A_28, %while3A_34 : i32
    %while3A_36 = arith.constant 1 : i32
    %while3A_37 = scf.for %while3A_93 = %while3A_28 to %while3A_35 step %while3A_36 iter_args(%while3A_94 = %while3A_29) -> (i32)  : i32 {
      %dma_wait3A_95 = arith.constant 0 : i32
      %dma_wait3A_96 = arith.constant 0 : i32
      %dma_wait3A_97 = arith.constant 0 : i32
      %dma_wait3A_98 = tpu.memref_slice %arg5[%dma_wait3A_96, %dma_wait3A_97] : memref<160x128xi32, #tpu.memory_space<vmem>> -> memref<8x128xi32, #tpu.memory_space<vmem>>
      %dma_wait3A_99 = arith.constant 0 : i32
      %dma_wait3A_100 = arith.constant 0 : i32
      %dma_wait3A_101 = tpu.memref_slice %arg3[%dma_wait3A_95, %dma_wait3A_99, %dma_wait3A_100] : memref<2x2500x128xi32, #tpu.memory_space<hbm>> -> memref<1x8x128xi32, #tpu.memory_space<hbm>>
      %dma_wait3A_102 = tpu.memref_squeeze %dma_wait3A_101 : memref<1x8x128xi32, #tpu.memory_space<hbm>> -> memref<8x128xi32, #tpu.memory_space<hbm>>
      %dma_wait3A_103 = arith.constant 0 : i32
      %dma_wait3A_104 = arith.constant 0 : i32
      %dma_wait3A_105 = tpu.memref_slice %arg5[%dma_wait3A_103, %dma_wait3A_104] : memref<160x128xi32, #tpu.memory_space<vmem>> -> memref<8x128xi32, #tpu.memory_space<vmem>>
      %dma_wait3A_106 = arith.constant 0 : i32
      %dma_wait3A_107 = arith.constant 0 : i32
      %dma_wait3A_108 = tpu.memref_slice %arg3[%dma_wait3A_95, %dma_wait3A_106, %dma_wait3A_107] : memref<2x2500x128xi32, #tpu.memory_space<hbm>> -> memref<1x8x128xi32, #tpu.memory_space<hbm>>
      %dma_wait3A_109 = tpu.memref_squeeze %dma_wait3A_108 : memref<1x8x128xi32, #tpu.memory_space<hbm>> -> memref<8x128xi32, #tpu.memory_space<hbm>>
      tpu.wait_dma2 semaphore(%arg10 : memref<!tpu.dma_semaphore, #tpu.memory_space<semaphore_mem>>) src(%dma_wait3A_109 : memref<8x128xi32, #tpu.memory_space<hbm>>) dst(%dma_wait3A_105 : memref<8x128xi32, #tpu.memory_space<vmem>>)
      %while3A_110 = arith.constant 0 : i32
      scf.yield %while3A_110 : i32
    }
    %while3A_38 = arith.constant 1 : i32
    %while3A_39 = scf.for %while3A_93 = %while3A_35 to %while3A_31 step %while3A_38 iter_args(%while3A_94 = %while3A_37) -> (i32)  : i32 {
      %dma_wait3A_95 = arith.constant 0 : i32
      %dma_wait3A_96 = arith.constant 0 : i32
      %dma_wait3A_97 = arith.constant 0 : i32
      %dma_wait3A_98 = tpu.memref_slice %arg5[%dma_wait3A_96, %dma_wait3A_97] : memref<160x128xi32, #tpu.memory_space<vmem>> -> memref<8x128xi32, #tpu.memory_space<vmem>>
      %dma_wait3A_99 = arith.constant 0 : i32
      %dma_wait3A_100 = arith.constant 0 : i32
      %dma_wait3A_101 = tpu.memref_slice %arg3[%dma_wait3A_95, %dma_wait3A_99, %dma_wait3A_100] : memref<2x2500x128xi32, #tpu.memory_space<hbm>> -> memref<1x8x128xi32, #tpu.memory_space<hbm>>
      %dma_wait3A_102 = tpu.memref_squeeze %dma_wait3A_101 : memref<1x8x128xi32, #tpu.memory_space<hbm>> -> memref<8x128xi32, #tpu.memory_space<hbm>>
      %dma_wait3A_103 = arith.constant 0 : i32
      %dma_wait3A_104 = arith.constant 0 : i32
      %dma_wait3A_105 = tpu.memref_slice %arg5[%dma_wait3A_103, %dma_wait3A_104] : memref<160x128xi32, #tpu.memory_space<vmem>> -> memref<8x128xi32, #tpu.memory_space<vmem>>
      %dma_wait3A_106 = arith.constant 0 : i32
      %dma_wait3A_107 = arith.constant 0 : i32
      %dma_wait3A_108 = tpu.memref_slice %arg3[%dma_wait3A_95, %dma_wait3A_106, %dma_wait3A_107] : memref<2x2500x128xi32, #tpu.memory_space<hbm>> -> memref<1x8x128xi32, #tpu.memory_space<hbm>>
      %dma_wait3A_109 = tpu.memref_squeeze %dma_wait3A_108 : memref<1x8x128xi32, #tpu.memory_space<hbm>> -> memref<8x128xi32, #tpu.memory_space<hbm>>
      tpu.wait_dma2 semaphore(%arg10 : memref<!tpu.dma_semaphore, #tpu.memory_space<semaphore_mem>>) src(%dma_wait3A_109 : memref<8x128xi32, #tpu.memory_space<hbm>>) dst(%dma_wait3A_105 : memref<8x128xi32, #tpu.memory_space<vmem>>)
      %while3A_110 = arith.constant 0 : i32
      scf.yield %while3A_110 : i32
    }
    %barrier3A = arith.constant 0 : index
    tpu.barrier barrier_id(%barrier3A)
    %mul3A_40 = arith.constant 2 : i32
    %mul3A_41 = arith.muli %add3A_2, %mul3A_40 : i32
    %while3A_42 = arith.constant 0 : i32
    %while3A_43 = arith.constant 0 : i32
    %while3A_44 = arith.subi %mul3A_41, %while3A_42 : i32
    %while3A_45 = arith.addi %while3A_42, %while3A_44 : i32
    %while3A_46 = arith.constant 1 : i32
    %while3A_47 = arith.divsi %while3A_44, %while3A_46 : i32
    %while3A_48 = arith.muli %while3A_47, %while3A_46 : i32
    %while3A_49 = arith.addi %while3A_42, %while3A_48 : i32
    %while3A_50 = arith.constant 1 : i32
    %while3A_51 = scf.for %while3A_93 = %while3A_42 to %while3A_49 step %while3A_50 iter_args(%while3A_94 = %while3A_43) -> (i32)  : i32 {
      %mul3A_95 = arith.constant 4 : i32
      %mul3A_96 = arith.muli %while3A_93, %mul3A_95 : i32
      %add3A_97 = arith.constant 0 : i32
      %add3A_98 = arith.addi %mul3A_96, %add3A_97 : i32
      %ge3A = arith.constant 4 : i32
      %ge3A_99 = arith.cmpi sge, %add3A_98, %ge3A : i32
      %convert_element_type3A_100 = arith.extui %ge3A_99 : i1 to i32
      %cond3A_101 = arith.constant 0 : i32
      %cond3A_102 = arith.cmpi ne, %convert_element_type3A_100, %cond3A_101 : i32
      scf.if %cond3A_102 {
        %dma_wait3A_150 = arith.constant 0 : i32
        %dma_wait3A_151 = arith.constant 0 : i32
        %dma_wait3A_152 = arith.constant 0 : i32
        %dma_wait3A_153 = tpu.memref_slice %arg3[%dma_wait3A_150, %dma_wait3A_151, %dma_wait3A_152] : memref<2x2500x128xi32, #tpu.memory_space<hbm>> -> memref<1x1x128xi32, #tpu.memory_space<hbm>>
        %dma_wait3A_154 = tpu.memref_squeeze %dma_wait3A_153 : memref<1x1x128xi32, #tpu.memory_space<hbm>> -> memref<128xi32, #tpu.memory_space<hbm>>
        %dma_wait3A_155 = arith.constant 0 : i32
        %dma_wait3A_156 = tpu.memref_slice %arg3[%dma_wait3A_150, %dma_wait3A_151, %dma_wait3A_155] : memref<2x2500x128xi32, #tpu.memory_space<hbm>> -> memref<1x1x128xi32, #tpu.memory_space<hbm>>
        %dma_wait3A_157 = tpu.memref_squeeze %dma_wait3A_156 : memref<1x1x128xi32, #tpu.memory_space<hbm>> -> memref<128xi32, #tpu.memory_space<hbm>>
        tpu.wait_dma2 semaphore(%arg11 : memref<!tpu.dma_semaphore, #tpu.memory_space<semaphore_mem>>) src(%dma_wait3A_157 : memref<128xi32, #tpu.memory_space<hbm>>) dst(%arg6 : memref<128xi32, #tpu.memory_space<vmem>>)
      } else {
      }
      %dma_start3A = arith.constant 0 : i32
      %dma_start3A_103 = tpu.memref_slice %arg5[%add3A_98, %dma_start3A] : memref<160x128xi32, #tpu.memory_space<vmem>> -> memref<1x128xi32, #tpu.memory_space<vmem>>
      %dma_start3A_104 = tpu.memref_squeeze %dma_start3A_103 : memref<1x128xi32, #tpu.memory_space<vmem>> -> memref<128xi32, #tpu.memory_space<vmem>>
      %dma_start3A_105 = arith.constant 0 : i32
      %dma_start3A_106 = tpu.memref_slice %arg9[%dma_start3A_105] : memref<10240xf32, #tpu.memory_space<vmem_shared>> -> memref<10240xf32, #tpu.memory_space<vmem_shared>>
      tpu.enqueue_indirect_dma source(%arg7 : memref<128xf32, #tpu.memory_space<vmem>>) target(%dma_start3A_106 : memref<10240xf32, #tpu.memory_space<vmem_shared>>) offsets(%dma_start3A_104 : memref<128xi32, #tpu.memory_space<vmem>>) semaphore(%arg11 : memref<!tpu.dma_semaphore, #tpu.memory_space<semaphore_mem>>) {add = true}
      %mul3A_107 = arith.constant 4 : i32
      %mul3A_108 = arith.muli %while3A_93, %mul3A_107 : i32
      %add3A_109 = arith.constant 1 : i32
      %add3A_110 = arith.addi %mul3A_108, %add3A_109 : i32
      %ge3A_111 = arith.constant 4 : i32
      %ge3A_112 = arith.cmpi sge, %add3A_110, %ge3A_111 : i32
      %convert_element_type3A_113 = arith.extui %ge3A_112 : i1 to i32
      %cond3A_114 = arith.constant 0 : i32
      %cond3A_115 = arith.cmpi ne, %convert_element_type3A_113, %cond3A_114 : i32
      scf.if %cond3A_115 {
        %dma_wait3A_150 = arith.constant 0 : i32
        %dma_wait3A_151 = arith.constant 0 : i32
        %dma_wait3A_152 = arith.constant 0 : i32
        %dma_wait3A_153 = tpu.memref_slice %arg3[%dma_wait3A_150, %dma_wait3A_151, %dma_wait3A_152] : memref<2x2500x128xi32, #tpu.memory_space<hbm>> -> memref<1x1x128xi32, #tpu.memory_space<hbm>>
        %dma_wait3A_154 = tpu.memref_squeeze %dma_wait3A_153 : memref<1x1x128xi32, #tpu.memory_space<hbm>> -> memref<128xi32, #tpu.memory_space<hbm>>
        %dma_wait3A_155 = arith.constant 0 : i32
        %dma_wait3A_156 = tpu.memref_slice %arg3[%dma_wait3A_150, %dma_wait3A_151, %dma_wait3A_155] : memref<2x2500x128xi32, #tpu.memory_space<hbm>> -> memref<1x1x128xi32, #tpu.memory_space<hbm>>
        %dma_wait3A_157 = tpu.memref_squeeze %dma_wait3A_156 : memref<1x1x128xi32, #tpu.memory_space<hbm>> -> memref<128xi32, #tpu.memory_space<hbm>>
        tpu.wait_dma2 semaphore(%arg12 : memref<!tpu.dma_semaphore, #tpu.memory_space<semaphore_mem>>) src(%dma_wait3A_157 : memref<128xi32, #tpu.memory_space<hbm>>) dst(%arg6 : memref<128xi32, #tpu.memory_space<vmem>>)
      } else {
      }
      %dma_start3A_116 = arith.constant 0 : i32
      %dma_start3A_117 = tpu.memref_slice %arg5[%add3A_110, %dma_start3A_116] : memref<160x128xi32, #tpu.memory_space<vmem>> -> memref<1x128xi32, #tpu.memory_space<vmem>>
      %dma_start3A_118 = tpu.memref_squeeze %dma_start3A_117 : memref<1x128xi32, #tpu.memory_space<vmem>> -> memref<128xi32, #tpu.memory_space<vmem>>
      %dma_start3A_119 = arith.constant 0 : i32
      %dma_start3A_120 = tpu.memref_slice %arg9[%dma_start3A_119] : memref<10240xf32, #tpu.memory_space<vmem_shared>> -> memref<10240xf32, #tpu.memory_space<vmem_shared>>
      tpu.enqueue_indirect_dma source(%arg7 : memref<128xf32, #tpu.memory_space<vmem>>) target(%dma_start3A_120 : memref<10240xf32, #tpu.memory_space<vmem_shared>>) offsets(%dma_start3A_118 : memref<128xi32, #tpu.memory_space<vmem>>) semaphore(%arg12 : memref<!tpu.dma_semaphore, #tpu.memory_space<semaphore_mem>>) {add = true}
      %mul3A_121 = arith.constant 4 : i32
      %mul3A_122 = arith.muli %while3A_93, %mul3A_121 : i32
      %add3A_123 = arith.constant 2 : i32
      %add3A_124 = arith.addi %mul3A_122, %add3A_123 : i32
      %ge3A_125 = arith.constant 4 : i32
      %ge3A_126 = arith.cmpi sge, %add3A_124, %ge3A_125 : i32
      %convert_element_type3A_127 = arith.extui %ge3A_126 : i1 to i32
      %cond3A_128 = arith.constant 0 : i32
      %cond3A_129 = arith.cmpi ne, %convert_element_type3A_127, %cond3A_128 : i32
      scf.if %cond3A_129 {
        %dma_wait3A_150 = arith.constant 0 : i32
        %dma_wait3A_151 = arith.constant 0 : i32
        %dma_wait3A_152 = arith.constant 0 : i32
        %dma_wait3A_153 = tpu.memref_slice %arg3[%dma_wait3A_150, %dma_wait3A_151, %dma_wait3A_152] : memref<2x2500x128xi32, #tpu.memory_space<hbm>> -> memref<1x1x128xi32, #tpu.memory_space<hbm>>
        %dma_wait3A_154 = tpu.memref_squeeze %dma_wait3A_153 : memref<1x1x128xi32, #tpu.memory_space<hbm>> -> memref<128xi32, #tpu.memory_space<hbm>>
        %dma_wait3A_155 = arith.constant 0 : i32
        %dma_wait3A_156 = tpu.memref_slice %arg3[%dma_wait3A_150, %dma_wait3A_151, %dma_wait3A_155] : memref<2x2500x128xi32, #tpu.memory_space<hbm>> -> memref<1x1x128xi32, #tpu.memory_space<hbm>>
        %dma_wait3A_157 = tpu.memref_squeeze %dma_wait3A_156 : memref<1x1x128xi32, #tpu.memory_space<hbm>> -> memref<128xi32, #tpu.memory_space<hbm>>
        tpu.wait_dma2 semaphore(%arg13 : memref<!tpu.dma_semaphore, #tpu.memory_space<semaphore_mem>>) src(%dma_wait3A_157 : memref<128xi32, #tpu.memory_space<hbm>>) dst(%arg6 : memref<128xi32, #tpu.memory_space<vmem>>)
      } else {
      }
      %dma_start3A_130 = arith.constant 0 : i32
      %dma_start3A_131 = tpu.memref_slice %arg5[%add3A_124, %dma_start3A_130] : memref<160x128xi32, #tpu.memory_space<vmem>> -> memref<1x128xi32, #tpu.memory_space<vmem>>
      %dma_start3A_132 = tpu.memref_squeeze %dma_start3A_131 : memref<1x128xi32, #tpu.memory_space<vmem>> -> memref<128xi32, #tpu.memory_space<vmem>>
      %dma_start3A_133 = arith.constant 0 : i32
      %dma_start3A_134 = tpu.memref_slice %arg9[%dma_start3A_133] : memref<10240xf32, #tpu.memory_space<vmem_shared>> -> memref<10240xf32, #tpu.memory_space<vmem_shared>>
      tpu.enqueue_indirect_dma source(%arg7 : memref<128xf32, #tpu.memory_space<vmem>>) target(%dma_start3A_134 : memref<10240xf32, #tpu.memory_space<vmem_shared>>) offsets(%dma_start3A_132 : memref<128xi32, #tpu.memory_space<vmem>>) semaphore(%arg13 : memref<!tpu.dma_semaphore, #tpu.memory_space<semaphore_mem>>) {add = true}
      %mul3A_135 = arith.constant 4 : i32
      %mul3A_136 = arith.muli %while3A_93, %mul3A_135 : i32
      %add3A_137 = arith.constant 3 : i32
      %add3A_138 = arith.addi %mul3A_136, %add3A_137 : i32
      %ge3A_139 = arith.constant 4 : i32
      %ge3A_140 = arith.cmpi sge, %add3A_138, %ge3A_139 : i32
      %convert_element_type3A_141 = arith.extui %ge3A_140 : i1 to i32
      %cond3A_142 = arith.constant 0 : i32
      %cond3A_143 = arith.cmpi ne, %convert_element_type3A_141, %cond3A_142 : i32
      scf.if %cond3A_143 {
        %dma_wait3A_150 = arith.constant 0 : i32
        %dma_wait3A_151 = arith.constant 0 : i32
        %dma_wait3A_152 = arith.constant 0 : i32
        %dma_wait3A_153 = tpu.memref_slice %arg3[%dma_wait3A_150, %dma_wait3A_151, %dma_wait3A_152] : memref<2x2500x128xi32, #tpu.memory_space<hbm>> -> memref<1x1x128xi32, #tpu.memory_space<hbm>>
        %dma_wait3A_154 = tpu.memref_squeeze %dma_wait3A_153 : memref<1x1x128xi32, #tpu.memory_space<hbm>> -> memref<128xi32, #tpu.memory_space<hbm>>
        %dma_wait3A_155 = arith.constant 0 : i32
        %dma_wait3A_156 = tpu.memref_slice %arg3[%dma_wait3A_150, %dma_wait3A_151, %dma_wait3A_155] : memref<2x2500x128xi32, #tpu.memory_space<hbm>> -> memref<1x1x128xi32, #tpu.memory_space<hbm>>
        %dma_wait3A_157 = tpu.memref_squeeze %dma_wait3A_156 : memref<1x1x128xi32, #tpu.memory_space<hbm>> -> memref<128xi32, #tpu.memory_space<hbm>>
        tpu.wait_dma2 semaphore(%arg14 : memref<!tpu.dma_semaphore, #tpu.memory_space<semaphore_mem>>) src(%dma_wait3A_157 : memref<128xi32, #tpu.memory_space<hbm>>) dst(%arg6 : memref<128xi32, #tpu.memory_space<vmem>>)
      } else {
      }
      %dma_start3A_144 = arith.constant 0 : i32
      %dma_start3A_145 = tpu.memref_slice %arg5[%add3A_138, %dma_start3A_144] : memref<160x128xi32, #tpu.memory_space<vmem>> -> memref<1x128xi32, #tpu.memory_space<vmem>>
      %dma_start3A_146 = tpu.memref_squeeze %dma_start3A_145 : memref<1x128xi32, #tpu.memory_space<vmem>> -> memref<128xi32, #tpu.memory_space<vmem>>
      %dma_start3A_147 = arith.constant 0 : i32
      %dma_start3A_148 = tpu.memref_slice %arg9[%dma_start3A_147] : memref<10240xf32, #tpu.memory_space<vmem_shared>> -> memref<10240xf32, #tpu.memory_space<vmem_shared>>
      tpu.enqueue_indirect_dma source(%arg7 : memref<128xf32, #tpu.memory_space<vmem>>) target(%dma_start3A_148 : memref<10240xf32, #tpu.memory_space<vmem_shared>>) offsets(%dma_start3A_146 : memref<128xi32, #tpu.memory_space<vmem>>) semaphore(%arg14 : memref<!tpu.dma_semaphore, #tpu.memory_space<semaphore_mem>>) {add = true}
      %while3A_149 = arith.constant 0 : i32
      scf.yield %while3A_149 : i32
    }
    %while3A_52 = arith.constant 1 : i32
    %while3A_53 = scf.for %while3A_93 = %while3A_49 to %while3A_45 step %while3A_52 iter_args(%while3A_94 = %while3A_51) -> (i32)  : i32 {
      %mul3A_95 = arith.constant 4 : i32
      %mul3A_96 = arith.muli %while3A_93, %mul3A_95 : i32
      %add3A_97 = arith.constant 0 : i32
      %add3A_98 = arith.addi %mul3A_96, %add3A_97 : i32
      %ge3A = arith.constant 4 : i32
      %ge3A_99 = arith.cmpi sge, %add3A_98, %ge3A : i32
      %convert_element_type3A_100 = arith.extui %ge3A_99 : i1 to i32
      %cond3A_101 = arith.constant 0 : i32
      %cond3A_102 = arith.cmpi ne, %convert_element_type3A_100, %cond3A_101 : i32
      scf.if %cond3A_102 {
        %dma_wait3A_150 = arith.constant 0 : i32
        %dma_wait3A_151 = arith.constant 0 : i32
        %dma_wait3A_152 = arith.constant 0 : i32
        %dma_wait3A_153 = tpu.memref_slice %arg3[%dma_wait3A_150, %dma_wait3A_151, %dma_wait3A_152] : memref<2x2500x128xi32, #tpu.memory_space<hbm>> -> memref<1x1x128xi32, #tpu.memory_space<hbm>>
        %dma_wait3A_154 = tpu.memref_squeeze %dma_wait3A_153 : memref<1x1x128xi32, #tpu.memory_space<hbm>> -> memref<128xi32, #tpu.memory_space<hbm>>
        %dma_wait3A_155 = arith.constant 0 : i32
        %dma_wait3A_156 = tpu.memref_slice %arg3[%dma_wait3A_150, %dma_wait3A_151, %dma_wait3A_155] : memref<2x2500x128xi32, #tpu.memory_space<hbm>> -> memref<1x1x128xi32, #tpu.memory_space<hbm>>
        %dma_wait3A_157 = tpu.memref_squeeze %dma_wait3A_156 : memref<1x1x128xi32, #tpu.memory_space<hbm>> -> memref<128xi32, #tpu.memory_space<hbm>>
        tpu.wait_dma2 semaphore(%arg11 : memref<!tpu.dma_semaphore, #tpu.memory_space<semaphore_mem>>) src(%dma_wait3A_157 : memref<128xi32, #tpu.memory_space<hbm>>) dst(%arg6 : memref<128xi32, #tpu.memory_space<vmem>>)
      } else {
      }
      %dma_start3A = arith.constant 0 : i32
      %dma_start3A_103 = tpu.memref_slice %arg5[%add3A_98, %dma_start3A] : memref<160x128xi32, #tpu.memory_space<vmem>> -> memref<1x128xi32, #tpu.memory_space<vmem>>
      %dma_start3A_104 = tpu.memref_squeeze %dma_start3A_103 : memref<1x128xi32, #tpu.memory_space<vmem>> -> memref<128xi32, #tpu.memory_space<vmem>>
      %dma_start3A_105 = arith.constant 0 : i32
      %dma_start3A_106 = tpu.memref_slice %arg9[%dma_start3A_105] : memref<10240xf32, #tpu.memory_space<vmem_shared>> -> memref<10240xf32, #tpu.memory_space<vmem_shared>>
      tpu.enqueue_indirect_dma source(%arg7 : memref<128xf32, #tpu.memory_space<vmem>>) target(%dma_start3A_106 : memref<10240xf32, #tpu.memory_space<vmem_shared>>) offsets(%dma_start3A_104 : memref<128xi32, #tpu.memory_space<vmem>>) semaphore(%arg11 : memref<!tpu.dma_semaphore, #tpu.memory_space<semaphore_mem>>) {add = true}
      %mul3A_107 = arith.constant 4 : i32
      %mul3A_108 = arith.muli %while3A_93, %mul3A_107 : i32
      %add3A_109 = arith.constant 1 : i32
      %add3A_110 = arith.addi %mul3A_108, %add3A_109 : i32
      %ge3A_111 = arith.constant 4 : i32
      %ge3A_112 = arith.cmpi sge, %add3A_110, %ge3A_111 : i32
      %convert_element_type3A_113 = arith.extui %ge3A_112 : i1 to i32
      %cond3A_114 = arith.constant 0 : i32
      %cond3A_115 = arith.cmpi ne, %convert_element_type3A_113, %cond3A_114 : i32
      scf.if %cond3A_115 {
        %dma_wait3A_150 = arith.constant 0 : i32
        %dma_wait3A_151 = arith.constant 0 : i32
        %dma_wait3A_152 = arith.constant 0 : i32
        %dma_wait3A_153 = tpu.memref_slice %arg3[%dma_wait3A_150, %dma_wait3A_151, %dma_wait3A_152] : memref<2x2500x128xi32, #tpu.memory_space<hbm>> -> memref<1x1x128xi32, #tpu.memory_space<hbm>>
        %dma_wait3A_154 = tpu.memref_squeeze %dma_wait3A_153 : memref<1x1x128xi32, #tpu.memory_space<hbm>> -> memref<128xi32, #tpu.memory_space<hbm>>
        %dma_wait3A_155 = arith.constant 0 : i32
        %dma_wait3A_156 = tpu.memref_slice %arg3[%dma_wait3A_150, %dma_wait3A_151, %dma_wait3A_155] : memref<2x2500x128xi32, #tpu.memory_space<hbm>> -> memref<1x1x128xi32, #tpu.memory_space<hbm>>
        %dma_wait3A_157 = tpu.memref_squeeze %dma_wait3A_156 : memref<1x1x128xi32, #tpu.memory_space<hbm>> -> memref<128xi32, #tpu.memory_space<hbm>>
        tpu.wait_dma2 semaphore(%arg12 : memref<!tpu.dma_semaphore, #tpu.memory_space<semaphore_mem>>) src(%dma_wait3A_157 : memref<128xi32, #tpu.memory_space<hbm>>) dst(%arg6 : memref<128xi32, #tpu.memory_space<vmem>>)
      } else {
      }
      %dma_start3A_116 = arith.constant 0 : i32
      %dma_start3A_117 = tpu.memref_slice %arg5[%add3A_110, %dma_start3A_116] : memref<160x128xi32, #tpu.memory_space<vmem>> -> memref<1x128xi32, #tpu.memory_space<vmem>>
      %dma_start3A_118 = tpu.memref_squeeze %dma_start3A_117 : memref<1x128xi32, #tpu.memory_space<vmem>> -> memref<128xi32, #tpu.memory_space<vmem>>
      %dma_start3A_119 = arith.constant 0 : i32
      %dma_start3A_120 = tpu.memref_slice %arg9[%dma_start3A_119] : memref<10240xf32, #tpu.memory_space<vmem_shared>> -> memref<10240xf32, #tpu.memory_space<vmem_shared>>
      tpu.enqueue_indirect_dma source(%arg7 : memref<128xf32, #tpu.memory_space<vmem>>) target(%dma_start3A_120 : memref<10240xf32, #tpu.memory_space<vmem_shared>>) offsets(%dma_start3A_118 : memref<128xi32, #tpu.memory_space<vmem>>) semaphore(%arg12 : memref<!tpu.dma_semaphore, #tpu.memory_space<semaphore_mem>>) {add = true}
      %mul3A_121 = arith.constant 4 : i32
      %mul3A_122 = arith.muli %while3A_93, %mul3A_121 : i32
      %add3A_123 = arith.constant 2 : i32
      %add3A_124 = arith.addi %mul3A_122, %add3A_123 : i32
      %ge3A_125 = arith.constant 4 : i32
      %ge3A_126 = arith.cmpi sge, %add3A_124, %ge3A_125 : i32
      %convert_element_type3A_127 = arith.extui %ge3A_126 : i1 to i32
      %cond3A_128 = arith.constant 0 : i32
      %cond3A_129 = arith.cmpi ne, %convert_element_type3A_127, %cond3A_128 : i32
      scf.if %cond3A_129 {
        %dma_wait3A_150 = arith.constant 0 : i32
        %dma_wait3A_151 = arith.constant 0 : i32
        %dma_wait3A_152 = arith.constant 0 : i32
        %dma_wait3A_153 = tpu.memref_slice %arg3[%dma_wait3A_150, %dma_wait3A_151, %dma_wait3A_152] : memref<2x2500x128xi32, #tpu.memory_space<hbm>> -> memref<1x1x128xi32, #tpu.memory_space<hbm>>
        %dma_wait3A_154 = tpu.memref_squeeze %dma_wait3A_153 : memref<1x1x128xi32, #tpu.memory_space<hbm>> -> memref<128xi32, #tpu.memory_space<hbm>>
        %dma_wait3A_155 = arith.constant 0 : i32
        %dma_wait3A_156 = tpu.memref_slice %arg3[%dma_wait3A_150, %dma_wait3A_151, %dma_wait3A_155] : memref<2x2500x128xi32, #tpu.memory_space<hbm>> -> memref<1x1x128xi32, #tpu.memory_space<hbm>>
        %dma_wait3A_157 = tpu.memref_squeeze %dma_wait3A_156 : memref<1x1x128xi32, #tpu.memory_space<hbm>> -> memref<128xi32, #tpu.memory_space<hbm>>
        tpu.wait_dma2 semaphore(%arg13 : memref<!tpu.dma_semaphore, #tpu.memory_space<semaphore_mem>>) src(%dma_wait3A_157 : memref<128xi32, #tpu.memory_space<hbm>>) dst(%arg6 : memref<128xi32, #tpu.memory_space<vmem>>)
      } else {
      }
      %dma_start3A_130 = arith.constant 0 : i32
      %dma_start3A_131 = tpu.memref_slice %arg5[%add3A_124, %dma_start3A_130] : memref<160x128xi32, #tpu.memory_space<vmem>> -> memref<1x128xi32, #tpu.memory_space<vmem>>
      %dma_start3A_132 = tpu.memref_squeeze %dma_start3A_131 : memref<1x128xi32, #tpu.memory_space<vmem>> -> memref<128xi32, #tpu.memory_space<vmem>>
      %dma_start3A_133 = arith.constant 0 : i32
      %dma_start3A_134 = tpu.memref_slice %arg9[%dma_start3A_133] : memref<10240xf32, #tpu.memory_space<vmem_shared>> -> memref<10240xf32, #tpu.memory_space<vmem_shared>>
      tpu.enqueue_indirect_dma source(%arg7 : memref<128xf32, #tpu.memory_space<vmem>>) target(%dma_start3A_134 : memref<10240xf32, #tpu.memory_space<vmem_shared>>) offsets(%dma_start3A_132 : memref<128xi32, #tpu.memory_space<vmem>>) semaphore(%arg13 : memref<!tpu.dma_semaphore, #tpu.memory_space<semaphore_mem>>) {add = true}
      %mul3A_135 = arith.constant 4 : i32
      %mul3A_136 = arith.muli %while3A_93, %mul3A_135 : i32
      %add3A_137 = arith.constant 3 : i32
      %add3A_138 = arith.addi %mul3A_136, %add3A_137 : i32
      %ge3A_139 = arith.constant 4 : i32
      %ge3A_140 = arith.cmpi sge, %add3A_138, %ge3A_139 : i32
      %convert_element_type3A_141 = arith.extui %ge3A_140 : i1 to i32
      %cond3A_142 = arith.constant 0 : i32
      %cond3A_143 = arith.cmpi ne, %convert_element_type3A_141, %cond3A_142 : i32
      scf.if %cond3A_143 {
        %dma_wait3A_150 = arith.constant 0 : i32
        %dma_wait3A_151 = arith.constant 0 : i32
        %dma_wait3A_152 = arith.constant 0 : i32
        %dma_wait3A_153 = tpu.memref_slice %arg3[%dma_wait3A_150, %dma_wait3A_151, %dma_wait3A_152] : memref<2x2500x128xi32, #tpu.memory_space<hbm>> -> memref<1x1x128xi32, #tpu.memory_space<hbm>>
        %dma_wait3A_154 = tpu.memref_squeeze %dma_wait3A_153 : memref<1x1x128xi32, #tpu.memory_space<hbm>> -> memref<128xi32, #tpu.memory_space<hbm>>
        %dma_wait3A_155 = arith.constant 0 : i32
        %dma_wait3A_156 = tpu.memref_slice %arg3[%dma_wait3A_150, %dma_wait3A_151, %dma_wait3A_155] : memref<2x2500x128xi32, #tpu.memory_space<hbm>> -> memref<1x1x128xi32, #tpu.memory_space<hbm>>
        %dma_wait3A_157 = tpu.memref_squeeze %dma_wait3A_156 : memref<1x1x128xi32, #tpu.memory_space<hbm>> -> memref<128xi32, #tpu.memory_space<hbm>>
        tpu.wait_dma2 semaphore(%arg14 : memref<!tpu.dma_semaphore, #tpu.memory_space<semaphore_mem>>) src(%dma_wait3A_157 : memref<128xi32, #tpu.memory_space<hbm>>) dst(%arg6 : memref<128xi32, #tpu.memory_space<vmem>>)
      } else {
      }
      %dma_start3A_144 = arith.constant 0 : i32
      %dma_start3A_145 = tpu.memref_slice %arg5[%add3A_138, %dma_start3A_144] : memref<160x128xi32, #tpu.memory_space<vmem>> -> memref<1x128xi32, #tpu.memory_space<vmem>>
      %dma_start3A_146 = tpu.memref_squeeze %dma_start3A_145 : memref<1x128xi32, #tpu.memory_space<vmem>> -> memref<128xi32, #tpu.memory_space<vmem>>
      %dma_start3A_147 = arith.constant 0 : i32
      %dma_start3A_148 = tpu.memref_slice %arg9[%dma_start3A_147] : memref<10240xf32, #tpu.memory_space<vmem_shared>> -> memref<10240xf32, #tpu.memory_space<vmem_shared>>
      tpu.enqueue_indirect_dma source(%arg7 : memref<128xf32, #tpu.memory_space<vmem>>) target(%dma_start3A_148 : memref<10240xf32, #tpu.memory_space<vmem_shared>>) offsets(%dma_start3A_146 : memref<128xi32, #tpu.memory_space<vmem>>) semaphore(%arg14 : memref<!tpu.dma_semaphore, #tpu.memory_space<semaphore_mem>>) {add = true}
      %while3A_149 = arith.constant 0 : i32
      scf.yield %while3A_149 : i32
    }
    %dma_wait3A = arith.constant 0 : i32
    %dma_wait3A_54 = arith.constant 0 : i32
    %dma_wait3A_55 = arith.constant 0 : i32
    %dma_wait3A_56 = tpu.memref_slice %arg3[%dma_wait3A, %dma_wait3A_54, %dma_wait3A_55] : memref<2x2500x128xi32, #tpu.memory_space<hbm>> -> memref<1x1x128xi32, #tpu.memory_space<hbm>>
    %dma_wait3A_57 = tpu.memref_squeeze %dma_wait3A_56 : memref<1x1x128xi32, #tpu.memory_space<hbm>> -> memref<128xi32, #tpu.memory_space<hbm>>
    %dma_wait3A_58 = arith.constant 0 : i32
    %dma_wait3A_59 = tpu.memref_slice %arg3[%dma_wait3A, %dma_wait3A_54, %dma_wait3A_58] : memref<2x2500x128xi32, #tpu.memory_space<hbm>> -> memref<1x1x128xi32, #tpu.memory_space<hbm>>
    %dma_wait3A_60 = tpu.memref_squeeze %dma_wait3A_59 : memref<1x1x128xi32, #tpu.memory_space<hbm>> -> memref<128xi32, #tpu.memory_space<hbm>>
    tpu.wait_dma2 semaphore(%arg11 : memref<!tpu.dma_semaphore, #tpu.memory_space<semaphore_mem>>) src(%dma_wait3A_60 : memref<128xi32, #tpu.memory_space<hbm>>) dst(%arg6 : memref<128xi32, #tpu.memory_space<vmem>>)
    %dma_wait3A_61 = arith.constant 0 : i32
    %dma_wait3A_62 = arith.constant 0 : i32
    %dma_wait3A_63 = arith.constant 0 : i32
    %dma_wait3A_64 = tpu.memref_slice %arg3[%dma_wait3A_61, %dma_wait3A_62, %dma_wait3A_63] : memref<2x2500x128xi32, #tpu.memory_space<hbm>> -> memref<1x1x128xi32, #tpu.memory_space<hbm>>
    %dma_wait3A_65 = tpu.memref_squeeze %dma_wait3A_64 : memref<1x1x128xi32, #tpu.memory_space<hbm>> -> memref<128xi32, #tpu.memory_space<hbm>>
    %dma_wait3A_66 = arith.constant 0 : i32
    %dma_wait3A_67 = tpu.memref_slice %arg3[%dma_wait3A_61, %dma_wait3A_62, %dma_wait3A_66] : memref<2x2500x128xi32, #tpu.memory_space<hbm>> -> memref<1x1x128xi32, #tpu.memory_space<hbm>>
    %dma_wait3A_68 = tpu.memref_squeeze %dma_wait3A_67 : memref<1x1x128xi32, #tpu.memory_space<hbm>> -> memref<128xi32, #tpu.memory_space<hbm>>
    tpu.wait_dma2 semaphore(%arg12 : memref<!tpu.dma_semaphore, #tpu.memory_space<semaphore_mem>>) src(%dma_wait3A_68 : memref<128xi32, #tpu.memory_space<hbm>>) dst(%arg6 : memref<128xi32, #tpu.memory_space<vmem>>)
    %dma_wait3A_69 = arith.constant 0 : i32
    %dma_wait3A_70 = arith.constant 0 : i32
    %dma_wait3A_71 = arith.constant 0 : i32
    %dma_wait3A_72 = tpu.memref_slice %arg3[%dma_wait3A_69, %dma_wait3A_70, %dma_wait3A_71] : memref<2x2500x128xi32, #tpu.memory_space<hbm>> -> memref<1x1x128xi32, #tpu.memory_space<hbm>>
    %dma_wait3A_73 = tpu.memref_squeeze %dma_wait3A_72 : memref<1x1x128xi32, #tpu.memory_space<hbm>> -> memref<128xi32, #tpu.memory_space<hbm>>
    %dma_wait3A_74 = arith.constant 0 : i32
    %dma_wait3A_75 = tpu.memref_slice %arg3[%dma_wait3A_69, %dma_wait3A_70, %dma_wait3A_74] : memref<2x2500x128xi32, #tpu.memory_space<hbm>> -> memref<1x1x128xi32, #tpu.memory_space<hbm>>
    %dma_wait3A_76 = tpu.memref_squeeze %dma_wait3A_75 : memref<1x1x128xi32, #tpu.memory_space<hbm>> -> memref<128xi32, #tpu.memory_space<hbm>>
    tpu.wait_dma2 semaphore(%arg13 : memref<!tpu.dma_semaphore, #tpu.memory_space<semaphore_mem>>) src(%dma_wait3A_76 : memref<128xi32, #tpu.memory_space<hbm>>) dst(%arg6 : memref<128xi32, #tpu.memory_space<vmem>>)
    %dma_wait3A_77 = arith.constant 0 : i32
    %dma_wait3A_78 = arith.constant 0 : i32
    %dma_wait3A_79 = arith.constant 0 : i32
    %dma_wait3A_80 = tpu.memref_slice %arg3[%dma_wait3A_77, %dma_wait3A_78, %dma_wait3A_79] : memref<2x2500x128xi32, #tpu.memory_space<hbm>> -> memref<1x1x128xi32, #tpu.memory_space<hbm>>
    %dma_wait3A_81 = tpu.memref_squeeze %dma_wait3A_80 : memref<1x1x128xi32, #tpu.memory_space<hbm>> -> memref<128xi32, #tpu.memory_space<hbm>>
    %dma_wait3A_82 = arith.constant 0 : i32
    %dma_wait3A_83 = tpu.memref_slice %arg3[%dma_wait3A_77, %dma_wait3A_78, %dma_wait3A_82] : memref<2x2500x128xi32, #tpu.memory_space<hbm>> -> memref<1x1x128xi32, #tpu.memory_space<hbm>>
    %dma_wait3A_84 = tpu.memref_squeeze %dma_wait3A_83 : memref<1x1x128xi32, #tpu.memory_space<hbm>> -> memref<128xi32, #tpu.memory_space<hbm>>
    tpu.wait_dma2 semaphore(%arg14 : memref<!tpu.dma_semaphore, #tpu.memory_space<semaphore_mem>>) src(%dma_wait3A_84 : memref<128xi32, #tpu.memory_space<hbm>>) dst(%arg6 : memref<128xi32, #tpu.memory_space<vmem>>)
    %lt3A_85 = arith.constant 68 : i32
    %lt3A_86 = arith.cmpi slt, %arg1, %lt3A_85 : i32
    %convert_element_type3A = arith.extui %lt3A_86 : i1 to i32
    %cond3A = arith.constant 0 : i32
    %cond3A_87 = arith.cmpi ne, %convert_element_type3A, %cond3A : i32
    scf.if %cond3A_87 {
      %mul3A_93 = arith.constant 320000 : i32
      %mul3A_94 = arith.muli %arg0, %mul3A_93 : i32
      %add3A_95 = arith.constant 2432 : i32
      %add3A_96 = arith.addi %add3A_95, %arg1 : i32
      %mul3A_97 = arith.constant 128 : i32
      %mul3A_98 = arith.muli %add3A_96, %mul3A_97 : i32
      %add3A_99 = arith.addi %mul3A_94, %mul3A_98 : i32
      "tpu.region"() ({
        %run_scoped3A = tpu.sem_alloc : memref<!tpu.dma_semaphore, #tpu.memory_space<semaphore_mem>>
        %dma_start3A = tpu.memref_slice %arg2[%add3A_99] : memref<640000xi32, #tpu.memory_space<hbm>> -> memref<128xi32, #tpu.memory_space<hbm>>
        %dma_start3A_100 = tpu.memref_slice %arg2[%add3A_99] : memref<640000xi32, #tpu.memory_space<hbm>> -> memref<128xi32, #tpu.memory_space<hbm>>
        tpu.enqueue_dma source(%dma_start3A_100 : memref<128xi32, #tpu.memory_space<hbm>>) target(%arg6 : memref<128xi32, #tpu.memory_space<vmem>>) target_semaphore(%run_scoped3A : memref<!tpu.dma_semaphore, #tpu.memory_space<semaphore_mem>>)
        %dma_wait3A_101 = tpu.memref_slice %arg2[%add3A_99] : memref<640000xi32, #tpu.memory_space<hbm>> -> memref<128xi32, #tpu.memory_space<hbm>>
        %dma_wait3A_102 = tpu.memref_slice %arg2[%add3A_99] : memref<640000xi32, #tpu.memory_space<hbm>> -> memref<128xi32, #tpu.memory_space<hbm>>
        tpu.wait_dma2 semaphore(%run_scoped3A : memref<!tpu.dma_semaphore, #tpu.memory_space<semaphore_mem>>) src(%dma_wait3A_102 : memref<128xi32, #tpu.memory_space<hbm>>) dst(%arg6 : memref<128xi32, #tpu.memory_space<vmem>>)
        tpu.yield
      }) : () -> ()
      "tpu.region"() ({
        %run_scoped3A = tpu.sem_alloc : memref<!tpu.dma_semaphore, #tpu.memory_space<semaphore_mem>>
        %dma_start3A = arith.constant 0 : i32
        %dma_start3A_100 = tpu.memref_slice %arg9[%dma_start3A] : memref<10240xf32, #tpu.memory_space<vmem_shared>> -> memref<10240xf32, #tpu.memory_space<vmem_shared>>
        tpu.enqueue_indirect_dma source(%arg7 : memref<128xf32, #tpu.memory_space<vmem>>) target(%dma_start3A_100 : memref<10240xf32, #tpu.memory_space<vmem_shared>>) offsets(%arg6 : memref<128xi32, #tpu.memory_space<vmem>>) semaphore(%run_scoped3A : memref<!tpu.dma_semaphore, #tpu.memory_space<semaphore_mem>>) {add = true}
        %dma_wait3A_101 = arith.constant 0 : i32
        %dma_wait3A_102 = tpu.memref_slice %arg9[%dma_wait3A_101] : memref<10240xf32, #tpu.memory_space<vmem_shared>> -> memref<10240xf32, #tpu.memory_space<vmem_shared>>
        tpu.wait_indirect_dma semaphore(%run_scoped3A : memref<!tpu.dma_semaphore, #tpu.memory_space<semaphore_mem>>) src(%arg7 : memref<128xf32, #tpu.memory_space<vmem>>) dst(%dma_wait3A_102 : memref<10240xf32, #tpu.memory_space<vmem_shared>>)
        tpu.yield
      }) : () -> ()
    } else {
    }
    %barrier3A_88 = arith.constant 0 : index
    tpu.barrier barrier_id(%barrier3A_88)
    %mul3A_89 = arith.constant 640 : i32
    %mul3A_90 = arith.muli %arg1, %mul3A_89 : i32
    %mul3A_91 = arith.constant 640 : i32
    %mul3A_92 = arith.muli %arg1, %mul3A_91 : i32
    "tpu.region"() ({
      %run_scoped3A = tpu.sem_alloc : memref<!tpu.dma_semaphore, #tpu.memory_space<semaphore_mem>>
      %dma_start3A = tpu.memref_slice %arg4[%arg0, %mul3A_92] : memref<2x10240xf32, #tpu.memory_space<hbm>> -> memref<1x640xf32, #tpu.memory_space<hbm>>
      %dma_start3A_93 = tpu.memref_squeeze %dma_start3A : memref<1x640xf32, #tpu.memory_space<hbm>> -> memref<640xf32, #tpu.memory_space<hbm>>
      %dma_start3A_94 = tpu.memref_slice %arg9[%mul3A_90] : memref<10240xf32, #tpu.memory_space<vmem_shared>> -> memref<640xf32, #tpu.memory_space<vmem_shared>>
      tpu.enqueue_dma source(%dma_start3A_94 : memref<640xf32, #tpu.memory_space<vmem_shared>>) target(%dma_start3A_93 : memref<640xf32, #tpu.memory_space<hbm>>) target_semaphore(%run_scoped3A : memref<!tpu.dma_semaphore, #tpu.memory_space<semaphore_mem>>)
      %dma_wait3A_95 = tpu.memref_slice %arg4[%arg0, %mul3A_92] : memref<2x10240xf32, #tpu.memory_space<hbm>> -> memref<1x640xf32, #tpu.memory_space<hbm>>
      %dma_wait3A_96 = tpu.memref_squeeze %dma_wait3A_95 : memref<1x640xf32, #tpu.memory_space<hbm>> -> memref<640xf32, #tpu.memory_space<hbm>>
      %dma_wait3A_97 = tpu.memref_slice %arg9[%mul3A_90] : memref<10240xf32, #tpu.memory_space<vmem_shared>> -> memref<640xf32, #tpu.memory_space<vmem_shared>>
      tpu.wait_dma2 semaphore(%run_scoped3A : memref<!tpu.dma_semaphore, #tpu.memory_space<semaphore_mem>>) src(%dma_wait3A_97 : memref<640xf32, #tpu.memory_space<vmem_shared>>) dst(%dma_wait3A_96 : memref<640xf32, #tpu.memory_space<hbm>>)
      tpu.yield
    }) : () -> ()
    return
  }
}

module attributes {stable_mosaic.version = 14 : i64} {
  func.func @_mm_scale_body(%arg0: i32, %arg1: memref<1000x128xf32, #tpu.memory_space<vmem>>, %arg2: memref<128x128xf32, #tpu.memory_space<vmem>>, %arg3: memref<2x1000x1xf32, #tpu.memory_space<vmem>>, %arg4: memref<1000x128xf32, #tpu.memory_space<vmem>>) attributes {dimension_semantics = [#tpu.dimension_semantics<arbitrary>], iteration_bounds = array<i64: 10>, scalar_prefetch = 0 : i64, scratch_operands = 0 : i64, tpu.core_type = #tpu.core_type<tc>, window_params = [{transform_indices = @transform_0, window_bounds = array<i64: 1000, 128>}, {pipeline_mode = #tpu.pipeline_mode<synchronous>, transform_indices = @transform_1, window_bounds = array<i64: 128, 128>}, {transform_indices = @transform_2, window_bounds = array<i64: 2, 1000, 1>}, {transform_indices = @transform_3, window_bounds = array<i64: 1000, 128>}]} {
    %get3A = arith.constant 0 : index
    %get3A_0 = arith.constant 0 : index
    %get3A_1 = arith.constant 0 : index
    %get3A_2 = vector.load %arg3[%get3A, %get3A_0, %get3A_1] : memref<2x1000x1xf32, #tpu.memory_space<vmem>>, vector<1x1000x1xf32>
    %get3A_3 = vector.shape_cast %get3A_2 : vector<1x1000x1xf32> to vector<1000x1xf32>
    %max3A = arith.constant 1.000000e+00 : f32
    %max3A_4 = vector.broadcast %max3A : f32 to vector<1000x1xf32>
    %max3A_5 = arith.maximumf %get3A_3, %max3A_4 : vector<1000x1xf32>
    %rsqrt3A = math.rsqrt %max3A_5 : vector<1000x1xf32>
    %get3A_6 = arith.constant 0 : index
    %get3A_7 = arith.constant 0 : index
    %get3A_8 = vector.load %arg1[%get3A_6, %get3A_7] : memref<1000x128xf32, #tpu.memory_space<vmem>>, vector<1000x128xf32>
    %get3A_9 = arith.constant 0 : index
    %get3A_10 = arith.constant 0 : index
    %get3A_11 = vector.load %arg2[%get3A_9, %get3A_10] : memref<128x128xf32, #tpu.memory_space<vmem>>, vector<128x128xf32>
    %dot_general3A = arith.constant dense<0.000000e+00> : vector<1000x128xf32>
    %dot_general3A_12 = tpu.matmul %get3A_8, %get3A_11, %dot_general3A {dimension_numbers = #tpu.dot_dimension_numbers<[1], [0], [0], [1], [0, 0, 1, 1], [], []>, transpose_lhs_hint = false} : vector<1000x128xf32>, vector<128x128xf32>, vector<1000x128xf32> -> vector<1000x128xf32>
    %mul3A = vector.broadcast %rsqrt3A : vector<1000x1xf32> to vector<1000x128xf32>
    %mul3A_13 = arith.mulf %dot_general3A_12, %mul3A : vector<1000x128xf32>
    %swap3A = arith.constant 0 : index
    %swap3A_14 = arith.constant 0 : index
    %swap3A_15 = vector.load %arg4[%swap3A, %swap3A_14] : memref<1000x128xf32, #tpu.memory_space<vmem>>, vector<1000x128xf32>
    tpu.vector_store %arg4[%swap3A, %swap3A_14], %mul3A_13 {strides = array<i32>} : memref<1000x128xf32, #tpu.memory_space<vmem>>, vector<1000x128xf32>,
    return
  }
  func.func @transform_0(%arg0: i32) -> (i32, i32) {
    %c0_i32 = arith.constant 0 : i32
    %c0_i32_0 = arith.constant 0 : i32
    return %arg0, %c0_i32 : i32, i32
  }
  func.func @transform_1(%arg0: i32) -> (i32, i32) {
    %c0_i32 = arith.constant 0 : i32
    %c0_i32_0 = arith.constant 0 : i32
    %c0_i32_1 = arith.constant 0 : i32
    return %c0_i32, %c0_i32_0 : i32, i32
  }
  func.func @transform_2(%arg0: i32) -> (i32, i32, i32) {
    %c0_i32 = arith.constant 0 : i32
    %c0_i32_0 = arith.constant 0 : i32
    %c0_i32_1 = arith.constant 0 : i32
    return %c0_i32, %arg0, %c0_i32_0 : i32, i32, i32
  }
  func.func @transform_3(%arg0: i32) -> (i32, i32) {
    %c0_i32 = arith.constant 0 : i32
    %c0_i32_0 = arith.constant 0 : i32
    return %arg0, %c0_i32 : i32, i32
  }
}

module attributes {stable_mosaic.version = 14 : i64} {
  func.func @_mid_body(%arg0: i32, %arg1: memref<2x1000x128xf32, #tpu.memory_space<vmem>>, %arg2: memref<2x1000x1xf32, #tpu.memory_space<vmem>>, %arg3: memref<1x128xf32, #tpu.memory_space<vmem>>, %arg4: memref<128x256xf32, #tpu.memory_space<vmem>>, %arg5: memref<2x1000x128xf32, #tpu.memory_space<vmem>>) attributes {dimension_semantics = [#tpu.dimension_semantics<arbitrary>], iteration_bounds = array<i64: 10>, scalar_prefetch = 0 : i64, scratch_operands = 0 : i64, tpu.core_type = #tpu.core_type<tc>, window_params = [{transform_indices = @transform_0, window_bounds = array<i64: 2, 1000, 128>}, {transform_indices = @transform_1, window_bounds = array<i64: 2, 1000, 1>}, {pipeline_mode = #tpu.pipeline_mode<synchronous>, transform_indices = @transform_2, window_bounds = array<i64: 1, 128>}, {pipeline_mode = #tpu.pipeline_mode<synchronous>, transform_indices = @transform_3, window_bounds = array<i64: 128, 256>}, {transform_indices = @transform_4, window_bounds = array<i64: 2, 1000, 128>}]} {
    %get3A = arith.constant 0 : index
    %get3A_0 = arith.constant 0 : index
    %get3A_1 = arith.constant 0 : index
    %get3A_2 = vector.load %arg2[%get3A, %get3A_0, %get3A_1] : memref<2x1000x1xf32, #tpu.memory_space<vmem>>, vector<1x1000x1xf32>
    %get3A_3 = vector.shape_cast %get3A_2 : vector<1x1000x1xf32> to vector<1000x1xf32>
    %max3A = arith.constant 1.000000e+00 : f32
    %max3A_4 = vector.broadcast %max3A : f32 to vector<1000x1xf32>
    %max3A_5 = arith.maximumf %get3A_3, %max3A_4 : vector<1000x1xf32>
    %rsqrt3A = math.rsqrt %max3A_5 : vector<1000x1xf32>
    %get3A_6 = arith.constant 1 : index
    %get3A_7 = arith.constant 0 : index
    %get3A_8 = arith.constant 0 : index
    %get3A_9 = vector.load %arg2[%get3A_6, %get3A_7, %get3A_8] : memref<2x1000x1xf32, #tpu.memory_space<vmem>>, vector<1x1000x1xf32>
    %get3A_10 = vector.shape_cast %get3A_9 : vector<1x1000x1xf32> to vector<1000x1xf32>
    %max3A_11 = arith.constant 1.000000e+00 : f32
    %max3A_12 = vector.broadcast %max3A_11 : f32 to vector<1000x1xf32>
    %max3A_13 = arith.maximumf %get3A_10, %max3A_12 : vector<1000x1xf32>
    %rsqrt3A_14 = math.rsqrt %max3A_13 : vector<1000x1xf32>
    %get3A_15 = arith.constant 0 : index
    %get3A_16 = arith.constant 0 : index
    %get3A_17 = arith.constant 0 : index
    %get3A_18 = vector.load %arg1[%get3A_15, %get3A_16, %get3A_17] : memref<2x1000x128xf32, #tpu.memory_space<vmem>>, vector<1x1000x128xf32>
    %get3A_19 = vector.shape_cast %get3A_18 : vector<1x1000x128xf32> to vector<1000x128xf32>
    %get3A_20 = arith.constant 1 : index
    %get3A_21 = arith.constant 0 : index
    %get3A_22 = arith.constant 0 : index
    %get3A_23 = vector.load %arg1[%get3A_20, %get3A_21, %get3A_22] : memref<2x1000x128xf32, #tpu.memory_space<vmem>>, vector<1x1000x128xf32>
    %get3A_24 = vector.shape_cast %get3A_23 : vector<1x1000x128xf32> to vector<1000x128xf32>
    %add3A = arith.addf %get3A_19, %get3A_24 : vector<1000x128xf32>
    %mul3A = vector.broadcast %rsqrt3A_14 : vector<1000x1xf32> to vector<1000x128xf32>
    %mul3A_25 = arith.mulf %add3A, %mul3A : vector<1000x128xf32>
    %get3A_26 = arith.constant 0 : index
    %get3A_27 = arith.constant 0 : index
    %get3A_28 = vector.load %arg3[%get3A_26, %get3A_27] : memref<1x128xf32, #tpu.memory_space<vmem>>, vector<1x128xf32>
    %add3A_29 = vector.broadcast %get3A_28 : vector<1x128xf32> to vector<1000x128xf32>
    %add3A_30 = arith.addf %mul3A_25, %add3A_29 : vector<1000x128xf32>
    %max3A_31 = arith.constant 0.000000e+00 : f32
    %max3A_32 = vector.broadcast %max3A_31 : f32 to vector<1000x128xf32>
    %max3A_33 = arith.maximumf %add3A_30, %max3A_32 : vector<1000x128xf32>
    %mul3A_34 = vector.broadcast %rsqrt3A : vector<1000x1xf32> to vector<1000x128xf32>
    %mul3A_35 = arith.mulf %max3A_33, %mul3A_34 : vector<1000x128xf32>
    %get3A_36 = arith.constant 0 : index
    %get3A_37 = arith.constant 0 : index
    %get3A_38 = vector.load %arg4[%get3A_36, %get3A_37] : memref<128x256xf32, #tpu.memory_space<vmem>>, vector<128x128xf32>
    %dot_general3A = arith.constant dense<0.000000e+00> : vector<1000x128xf32>
    %dot_general3A_39 = tpu.matmul %mul3A_35, %get3A_38, %dot_general3A {dimension_numbers = #tpu.dot_dimension_numbers<[1], [0], [0], [1], [0, 0, 1, 1], [], []>, transpose_lhs_hint = false} : vector<1000x128xf32>, vector<128x128xf32>, vector<1000x128xf32> -> vector<1000x128xf32>
    %swap3A = arith.constant 0 : index
    %swap3A_40 = arith.constant 0 : index
    %swap3A_41 = arith.constant 0 : index
    %swap3A_42 = vector.load %arg5[%swap3A, %swap3A_40, %swap3A_41] : memref<2x1000x128xf32, #tpu.memory_space<vmem>>, vector<1x1000x128xf32>
    %swap3A_43 = vector.shape_cast %swap3A_42 : vector<1x1000x128xf32> to vector<1000x128xf32>
    %swap3A_44 = vector.shape_cast %dot_general3A_39 : vector<1000x128xf32> to vector<1x1000x128xf32>
    tpu.vector_store %arg5[%swap3A, %swap3A_40, %swap3A_41], %swap3A_44 {strides = array<i32>} : memref<2x1000x128xf32, #tpu.memory_space<vmem>>, vector<1x1000x128xf32>,
    %get3A_45 = arith.constant 0 : index
    %get3A_46 = arith.constant 128 : index
    %get3A_47 = vector.load %arg4[%get3A_45, %get3A_46] : memref<128x256xf32, #tpu.memory_space<vmem>>, vector<128x128xf32>
    %dot_general3A_48 = arith.constant dense<0.000000e+00> : vector<1000x128xf32>
    %dot_general3A_49 = tpu.matmul %mul3A_35, %get3A_47, %dot_general3A_48 {dimension_numbers = #tpu.dot_dimension_numbers<[1], [0], [0], [1], [0, 0, 1, 1], [], []>, transpose_lhs_hint = false} : vector<1000x128xf32>, vector<128x128xf32>, vector<1000x128xf32> -> vector<1000x128xf32>
    %swap3A_50 = arith.constant 1 : index
    %swap3A_51 = arith.constant 0 : index
    %swap3A_52 = arith.constant 0 : index
    %swap3A_53 = vector.load %arg5[%swap3A_50, %swap3A_51, %swap3A_52] : memref<2x1000x128xf32, #tpu.memory_space<vmem>>, vector<1x1000x128xf32>
    %swap3A_54 = vector.shape_cast %swap3A_53 : vector<1x1000x128xf32> to vector<1000x128xf32>
    %swap3A_55 = vector.shape_cast %dot_general3A_49 : vector<1000x128xf32> to vector<1x1000x128xf32>
    tpu.vector_store %arg5[%swap3A_50, %swap3A_51, %swap3A_52], %swap3A_55 {strides = array<i32>} : memref<2x1000x128xf32, #tpu.memory_space<vmem>>, vector<1x1000x128xf32>,
    return
  }
  func.func @transform_0(%arg0: i32) -> (i32, i32, i32) {
    %c0_i32 = arith.constant 0 : i32
    %c0_i32_0 = arith.constant 0 : i32
    %c0_i32_1 = arith.constant 0 : i32
    return %c0_i32, %arg0, %c0_i32_0 : i32, i32, i32
  }
  func.func @transform_1(%arg0: i32) -> (i32, i32, i32) {
    %c0_i32 = arith.constant 0 : i32
    %c0_i32_0 = arith.constant 0 : i32
    %c0_i32_1 = arith.constant 0 : i32
    return %c0_i32, %arg0, %c0_i32_0 : i32, i32, i32
  }
  func.func @transform_2(%arg0: i32) -> (i32, i32) {
    %c0_i32 = arith.constant 0 : i32
    %c0_i32_0 = arith.constant 0 : i32
    %c0_i32_1 = arith.constant 0 : i32
    return %c0_i32, %c0_i32_0 : i32, i32
  }
  func.func @transform_3(%arg0: i32) -> (i32, i32) {
    %c0_i32 = arith.constant 0 : i32
    %c0_i32_0 = arith.constant 0 : i32
    %c0_i32_1 = arith.constant 0 : i32
    return %c0_i32, %c0_i32_0 : i32, i32
  }
  func.func @transform_4(%arg0: i32) -> (i32, i32, i32) {
    %c0_i32 = arith.constant 0 : i32
    %c0_i32_0 = arith.constant 0 : i32
    %c0_i32_1 = arith.constant 0 : i32
    return %c0_i32, %arg0, %c0_i32_0 : i32, i32, i32
  }
}

module attributes {stable_mosaic.version = 14 : i64} {
  func.func @_tail_body(%arg0: i32, %arg1: memref<2x1000x128xf32, #tpu.memory_space<vmem>>, %arg2: memref<2x1000x1xf32, #tpu.memory_space<vmem>>, %arg3: memref<2x1x128xf32, #tpu.memory_space<vmem>>, %arg4: memref<1000x128xf32, #tpu.memory_space<vmem>>, %arg5: memref<1000x128xf32, #tpu.memory_space<vmem>>, %arg6: memref<128x128xf32, #tpu.memory_space<vmem>>, %arg7: memref<128x128xf32, #tpu.memory_space<vmem>>, %arg8: memref<1x128xf32, #tpu.memory_space<vmem>>, %arg9: memref<128x128xf32, #tpu.memory_space<vmem>>, %arg10: memref<1x128xf32, #tpu.memory_space<vmem>>, %arg11: memref<1x2xf32, #tpu.memory_space<smem>>, %arg12: memref<2xf32, #tpu.memory_space<smem>>) attributes {dimension_semantics = [#tpu.dimension_semantics<arbitrary>], iteration_bounds = array<i64: 10>, scalar_prefetch = 0 : i64, scratch_operands = 1 : i64, tpu.core_type = #tpu.core_type<tc>, window_params = [{transform_indices = @transform_0, window_bounds = array<i64: 2, 1000, 128>}, {transform_indices = @transform_1, window_bounds = array<i64: 2, 1000, 1>}, {pipeline_mode = #tpu.pipeline_mode<synchronous>, transform_indices = @transform_2, window_bounds = array<i64: 2, 1, 128>}, {transform_indices = @transform_3, window_bounds = array<i64: 1000, 128>}, {transform_indices = @transform_4, window_bounds = array<i64: 1000, 128>}, {pipeline_mode = #tpu.pipeline_mode<synchronous>, transform_indices = @transform_5, window_bounds = array<i64: 128, 128>}, {pipeline_mode = #tpu.pipeline_mode<synchronous>, transform_indices = @transform_6, window_bounds = array<i64: 128, 128>}, {pipeline_mode = #tpu.pipeline_mode<synchronous>, transform_indices = @transform_7, window_bounds = array<i64: 1, 128>}, {pipeline_mode = #tpu.pipeline_mode<synchronous>, transform_indices = @transform_8, window_bounds = array<i64: 128, 128>}, {pipeline_mode = #tpu.pipeline_mode<synchronous>, transform_indices = @transform_9, window_bounds = array<i64: 1, 128>}, {transform_indices = @transform_10, window_bounds = array<i64: 1, 2>}]} {
    %eq3A = arith.constant 0 : i32
    %eq3A_0 = arith.cmpi eq, %arg0, %eq3A : i32
    %convert_element_type3A = arith.extui %eq3A_0 : i1 to i32
    %cond3A = arith.constant 0 : i32
    %cond3A_1 = arith.cmpi ne, %convert_element_type3A, %cond3A : i32
    scf.if %cond3A_1 {
      %swap3A_120 = arith.constant 0.000000e+00 : f32
      %swap3A_121 = arith.constant 0 : index
      %swap3A_122 = memref.load %arg12[%swap3A_121] : memref<2xf32, #tpu.memory_space<smem>>
      memref.store %swap3A_120, %arg12[%swap3A_121] : memref<2xf32, #tpu.memory_space<smem>>
      %swap3A_123 = arith.constant 0.000000e+00 : f32
      %swap3A_124 = arith.constant 1 : index
      %swap3A_125 = memref.load %arg12[%swap3A_124] : memref<2xf32, #tpu.memory_space<smem>>
      memref.store %swap3A_123, %arg12[%swap3A_124] : memref<2xf32, #tpu.memory_space<smem>>
    } else {
    }
    %get3A = arith.constant 1 : index
    %get3A_2 = arith.constant 0 : index
    %get3A_3 = arith.constant 0 : index
    %get3A_4 = vector.load %arg2[%get3A, %get3A_2, %get3A_3] : memref<2x1000x1xf32, #tpu.memory_space<vmem>>, vector<1x1000x1xf32>
    %get3A_5 = vector.shape_cast %get3A_4 : vector<1x1000x1xf32> to vector<1000x1xf32>
    %max3A = arith.constant 1.000000e+00 : f32
    %max3A_6 = vector.broadcast %max3A : f32 to vector<1000x1xf32>
    %max3A_7 = arith.maximumf %get3A_5, %max3A_6 : vector<1000x1xf32>
    %rsqrt3A = math.rsqrt %max3A_7 : vector<1000x1xf32>
    %get3A_8 = arith.constant 0 : index
    %get3A_9 = arith.constant 0 : index
    %get3A_10 = arith.constant 0 : index
    %get3A_11 = vector.load %arg1[%get3A_8, %get3A_9, %get3A_10] : memref<2x1000x128xf32, #tpu.memory_space<vmem>>, vector<1x1000x128xf32>
    %get3A_12 = vector.shape_cast %get3A_11 : vector<1x1000x128xf32> to vector<1000x128xf32>
    %mul3A = vector.broadcast %rsqrt3A : vector<1000x1xf32> to vector<1000x128xf32>
    %mul3A_13 = arith.mulf %get3A_12, %mul3A : vector<1000x128xf32>
    %get3A_14 = arith.constant 0 : index
    %get3A_15 = arith.constant 0 : index
    %get3A_16 = arith.constant 0 : index
    %get3A_17 = vector.load %arg3[%get3A_14, %get3A_15, %get3A_16] : memref<2x1x128xf32, #tpu.memory_space<vmem>>, vector<1x1x128xf32>
    %get3A_18 = vector.shape_cast %get3A_17 : vector<1x1x128xf32> to vector<1x128xf32>
    %add3A = vector.broadcast %get3A_18 : vector<1x128xf32> to vector<1000x128xf32>
    %add3A_19 = arith.addf %mul3A_13, %add3A : vector<1000x128xf32>
    %get3A_20 = arith.constant 1 : index
    %get3A_21 = arith.constant 0 : index
    %get3A_22 = arith.constant 0 : index
    %get3A_23 = vector.load %arg1[%get3A_20, %get3A_21, %get3A_22] : memref<2x1000x128xf32, #tpu.memory_space<vmem>>, vector<1x1000x128xf32>
    %get3A_24 = vector.shape_cast %get3A_23 : vector<1x1000x128xf32> to vector<1000x128xf32>
    %mul3A_25 = vector.broadcast %rsqrt3A : vector<1000x1xf32> to vector<1000x128xf32>
    %mul3A_26 = arith.mulf %get3A_24, %mul3A_25 : vector<1000x128xf32>
    %get3A_27 = arith.constant 1 : index
    %get3A_28 = arith.constant 0 : index
    %get3A_29 = arith.constant 0 : index
    %get3A_30 = vector.load %arg3[%get3A_27, %get3A_28, %get3A_29] : memref<2x1x128xf32, #tpu.memory_space<vmem>>, vector<1x1x128xf32>
    %get3A_31 = vector.shape_cast %get3A_30 : vector<1x1x128xf32> to vector<1x128xf32>
    %add3A_32 = vector.broadcast %get3A_31 : vector<1x128xf32> to vector<1000x128xf32>
    %add3A_33 = arith.addf %mul3A_26, %add3A_32 : vector<1000x128xf32>
    %get3A_34 = arith.constant 0 : index
    %get3A_35 = arith.constant 0 : index
    %get3A_36 = vector.load %arg4[%get3A_34, %get3A_35] : memref<1000x128xf32, #tpu.memory_space<vmem>>, vector<1000x128xf32>
    %mul3A_37 = arith.constant 5.000000e-01 : f32
    %mul3A_38 = vector.broadcast %mul3A_37 : f32 to vector<1000x128xf32>
    %mul3A_39 = arith.mulf %mul3A_38, %add3A_33 : vector<1000x128xf32>
    %exp3A = math.exp %mul3A_39 : vector<1000x128xf32>
    %mul3A_40 = arith.mulf %get3A_36, %exp3A : vector<1000x128xf32>
    %add3A_41 = arith.addf %add3A_19, %mul3A_40 : vector<1000x128xf32>
    %get3A_42 = arith.constant 0 : index
    %get3A_43 = arith.constant 0 : index
    %get3A_44 = vector.load %arg6[%get3A_42, %get3A_43] : memref<128x128xf32, #tpu.memory_space<vmem>>, vector<128x128xf32>
    %dot_general3A = arith.constant dense<0.000000e+00> : vector<1000x128xf32>
    %dot_general3A_45 = tpu.matmul %add3A_41, %get3A_44, %dot_general3A {dimension_numbers = #tpu.dot_dimension_numbers<[1], [0], [0], [1], [0, 0, 1, 1], [], []>, transpose_lhs_hint = false} : vector<1000x128xf32>, vector<128x128xf32>, vector<1000x128xf32> -> vector<1000x128xf32>
    %get3A_46 = arith.constant 0 : index
    %get3A_47 = arith.constant 0 : index
    %get3A_48 = vector.load %arg7[%get3A_46, %get3A_47] : memref<128x128xf32, #tpu.memory_space<vmem>>, vector<128x128xf32>
    %dot_general3A_49 = arith.constant dense<0.000000e+00> : vector<1000x128xf32>
    %dot_general3A_50 = tpu.matmul %dot_general3A_45, %get3A_48, %dot_general3A_49 {dimension_numbers = #tpu.dot_dimension_numbers<[1], [0], [0], [1], [0, 0, 1, 1], [], []>, transpose_lhs_hint = false} : vector<1000x128xf32>, vector<128x128xf32>, vector<1000x128xf32> -> vector<1000x128xf32>
    %get3A_51 = arith.constant 0 : index
    %get3A_52 = arith.constant 0 : index
    %get3A_53 = vector.load %arg8[%get3A_51, %get3A_52] : memref<1x128xf32, #tpu.memory_space<vmem>>, vector<1x128xf32>
    %add3A_54 = vector.broadcast %get3A_53 : vector<1x128xf32> to vector<1000x128xf32>
    %add3A_55 = arith.addf %dot_general3A_50, %add3A_54 : vector<1000x128xf32>
    %max3A_56 = arith.constant 0.000000e+00 : f32
    %max3A_57 = vector.broadcast %max3A_56 : f32 to vector<1000x128xf32>
    %max3A_58 = arith.maximumf %add3A_55, %max3A_57 : vector<1000x128xf32>
    %get3A_59 = arith.constant 0 : index
    %get3A_60 = arith.constant 0 : index
    %get3A_61 = vector.load %arg9[%get3A_59, %get3A_60] : memref<128x128xf32, #tpu.memory_space<vmem>>, vector<128x128xf32>
    %dot_general3A_62 = arith.constant dense<0.000000e+00> : vector<1000x128xf32>
    %dot_general3A_63 = tpu.matmul %max3A_58, %get3A_61, %dot_general3A_62 {dimension_numbers = #tpu.dot_dimension_numbers<[1], [0], [0], [1], [0, 0, 1, 1], [], []>, transpose_lhs_hint = false} : vector<1000x128xf32>, vector<128x128xf32>, vector<1000x128xf32> -> vector<1000x128xf32>
    %get3A_64 = arith.constant 0 : index
    %get3A_65 = arith.constant 0 : index
    %get3A_66 = vector.load %arg10[%get3A_64, %get3A_65] : memref<1x128xf32, #tpu.memory_space<vmem>>, vector<1x128xf32>
    %add3A_67 = vector.broadcast %get3A_66 : vector<1x128xf32> to vector<1000x128xf32>
    %add3A_68 = arith.addf %dot_general3A_63, %add3A_67 : vector<1000x128xf32>
    %logistic3A = arith.negf %add3A_68 : vector<1000x128xf32>
    %logistic3A_69 = math.exp %logistic3A : vector<1000x128xf32>
    %logistic3A_70 = arith.constant 1.000000e+00 : f32
    %logistic3A_71 = vector.broadcast %logistic3A_70 : f32 to vector<1000x128xf32>
    %logistic3A_72 = arith.addf %logistic3A_71, %logistic3A_69 : vector<1000x128xf32>
    %logistic3A_73 = arith.divf %logistic3A_71, %logistic3A_72 : vector<1000x128xf32>
    %jit3A = arith.constant 1.000000e-07 : f32
    %jit3A_74 = arith.constant 0.99999988 : f32
    %max3A_75 = vector.broadcast %jit3A : f32 to vector<1000x128xf32>
    %max3A_76 = arith.maximumf %max3A_75, %logistic3A_73 : vector<1000x128xf32>
    %min3A = vector.broadcast %jit3A_74 : f32 to vector<1000x128xf32>
    %min3A_77 = arith.minimumf %min3A, %max3A_76 : vector<1000x128xf32>
    %get3A_78 = arith.constant 0 : index
    %get3A_79 = arith.constant 0 : index
    %get3A_80 = vector.load %arg5[%get3A_78, %get3A_79] : memref<1000x128xf32, #tpu.memory_space<vmem>>, vector<1000x128xf32>
    %log3A = math.log %min3A_77 : vector<1000x128xf32>
    %mul3A_81 = arith.mulf %get3A_80, %log3A : vector<1000x128xf32>
    %sub3A = arith.constant 1.000000e+00 : f32
    %sub3A_82 = vector.broadcast %sub3A : f32 to vector<1000x128xf32>
    %sub3A_83 = arith.subf %sub3A_82, %get3A_80 : vector<1000x128xf32>
    %neg3A = arith.constant 0.000000e+00 : f32
    %neg3A_84 = vector.broadcast %neg3A : f32 to vector<1000x128xf32>
    %neg3A_85 = arith.subf %neg3A_84, %min3A_77 : vector<1000x128xf32>
    %log1p3A = math.log1p %neg3A_85 : vector<1000x128xf32>
    %mul3A_86 = arith.mulf %sub3A_83, %log1p3A : vector<1000x128xf32>
    %add3A_87 = arith.addf %mul3A_81, %mul3A_86 : vector<1000x128xf32>
    %reduce_sum3A = vector.shape_cast %add3A_87 : vector<1000x128xf32> to vector<1x1000x128xf32>
    %reduce_sum3A_88 = arith.constant dense<0.000000e+00> : vector<1xf32>
    %reduce_sum3A_89 = vector.multi_reduction <add>, %reduce_sum3A, %reduce_sum3A_88 [1, 2] : vector<1x1000x128xf32> to vector<1xf32>
    %reduce_sum3A_90 = vector.shape_cast %reduce_sum3A_89 : vector<1xf32> to vector<1x1x1xf32>
    %reduce_sum3A_91 = vector.extract %reduce_sum3A_90[0, 0, 0] : f32 from vector<1x1x1xf32>
    %neg3A_92 = arith.constant 0.000000e+00 : f32
    %neg3A_93 = arith.subf %neg3A_92, %reduce_sum3A_91 : f32
    %add3A_94 = arith.constant 1.000000e+00 : f32
    %add3A_95 = vector.broadcast %add3A_94 : f32 to vector<1000x128xf32>
    %add3A_96 = arith.addf %add3A_95, %add3A_33 : vector<1000x128xf32>
    %mul3A_97 = arith.mulf %add3A_19, %add3A_19 : vector<1000x128xf32>
    %sub3A_98 = arith.subf %add3A_96, %mul3A_97 : vector<1000x128xf32>
    %exp3A_99 = math.exp %add3A_33 : vector<1000x128xf32>
    %sub3A_100 = arith.subf %sub3A_98, %exp3A_99 : vector<1000x128xf32>
    %reduce_sum3A_101 = vector.shape_cast %sub3A_100 : vector<1000x128xf32> to vector<1x1000x128xf32>
    %reduce_sum3A_102 = arith.constant dense<0.000000e+00> : vector<1xf32>
    %reduce_sum3A_103 = vector.multi_reduction <add>, %reduce_sum3A_101, %reduce_sum3A_102 [1, 2] : vector<1x1000x128xf32> to vector<1xf32>
    %reduce_sum3A_104 = vector.shape_cast %reduce_sum3A_103 : vector<1xf32> to vector<1x1x1xf32>
    %reduce_sum3A_105 = vector.extract %reduce_sum3A_104[0, 0, 0] : f32 from vector<1x1x1xf32>
    %get3A_106 = arith.constant 0 : index
    %get3A_107 = memref.load %arg12[%get3A_106] : memref<2xf32, #tpu.memory_space<smem>>
    %add3A_108 = arith.addf %get3A_107, %neg3A_93 : f32
    %swap3A = arith.constant 0 : index
    %swap3A_109 = memref.load %arg12[%swap3A] : memref<2xf32, #tpu.memory_space<smem>>
    memref.store %add3A_108, %arg12[%swap3A] : memref<2xf32, #tpu.memory_space<smem>>
    %get3A_110 = arith.constant 1 : index
    %get3A_111 = memref.load %arg12[%get3A_110] : memref<2xf32, #tpu.memory_space<smem>>
    %add3A_112 = arith.addf %get3A_111, %reduce_sum3A_105 : f32
    %swap3A_113 = arith.constant 1 : index
    %swap3A_114 = memref.load %arg12[%swap3A_113] : memref<2xf32, #tpu.memory_space<smem>>
    memref.store %add3A_112, %arg12[%swap3A_113] : memref<2xf32, #tpu.memory_space<smem>>
    %eq3A_115 = arith.constant 9 : i32
    %eq3A_116 = arith.cmpi eq, %arg0, %eq3A_115 : i32
    %convert_element_type3A_117 = arith.extui %eq3A_116 : i1 to i32
    %cond3A_118 = arith.constant 0 : i32
    %cond3A_119 = arith.cmpi ne, %convert_element_type3A_117, %cond3A_118 : i32
    scf.if %cond3A_119 {
      %get3A_120 = arith.constant 0 : index
      %get3A_121 = memref.load %arg12[%get3A_120] : memref<2xf32, #tpu.memory_space<smem>>
      %swap3A_122 = arith.constant 0 : index
      %swap3A_123 = arith.constant 0 : index
      %swap3A_124 = memref.load %arg11[%swap3A_122, %swap3A_123] : memref<1x2xf32, #tpu.memory_space<smem>>
      memref.store %get3A_121, %arg11[%swap3A_122, %swap3A_123] : memref<1x2xf32, #tpu.memory_space<smem>>
      %get3A_125 = arith.constant 1 : index
      %get3A_126 = memref.load %arg12[%get3A_125] : memref<2xf32, #tpu.memory_space<smem>>
      %swap3A_127 = arith.constant 0 : index
      %swap3A_128 = arith.constant 1 : index
      %swap3A_129 = memref.load %arg11[%swap3A_127, %swap3A_128] : memref<1x2xf32, #tpu.memory_space<smem>>
      memref.store %get3A_126, %arg11[%swap3A_127, %swap3A_128] : memref<1x2xf32, #tpu.memory_space<smem>>
    } else {
    }
    return
  }
  func.func @transform_0(%arg0: i32) -> (i32, i32, i32) {
    %c0_i32 = arith.constant 0 : i32
    %c0_i32_0 = arith.constant 0 : i32
    %c0_i32_1 = arith.constant 0 : i32
    return %c0_i32, %arg0, %c0_i32_0 : i32, i32, i32
  }
  func.func @transform_1(%arg0: i32) -> (i32, i32, i32) {
    %c0_i32 = arith.constant 0 : i32
    %c0_i32_0 = arith.constant 0 : i32
    %c0_i32_1 = arith.constant 0 : i32
    return %c0_i32, %arg0, %c0_i32_0 : i32, i32, i32
  }
  func.func @transform_2(%arg0: i32) -> (i32, i32, i32) {
    %c0_i32 = arith.constant 0 : i32
    %c0_i32_0 = arith.constant 0 : i32
    %c0_i32_1 = arith.constant 0 : i32
    %c0_i32_2 = arith.constant 0 : i32
    return %c0_i32, %c0_i32_0, %c0_i32_1 : i32, i32, i32
  }
  func.func @transform_3(%arg0: i32) -> (i32, i32) {
    %c0_i32 = arith.constant 0 : i32
    %c0_i32_0 = arith.constant 0 : i32
    return %arg0, %c0_i32 : i32, i32
  }
  func.func @transform_4(%arg0: i32) -> (i32, i32) {
    %c0_i32 = arith.constant 0 : i32
    %c0_i32_0 = arith.constant 0 : i32
    return %arg0, %c0_i32 : i32, i32
  }
  func.func @transform_5(%arg0: i32) -> (i32, i32) {
    %c0_i32 = arith.constant 0 : i32
    %c0_i32_0 = arith.constant 0 : i32
    %c0_i32_1 = arith.constant 0 : i32
    return %c0_i32, %c0_i32_0 : i32, i32
  }
  func.func @transform_6(%arg0: i32) -> (i32, i32) {
    %c0_i32 = arith.constant 0 : i32
    %c0_i32_0 = arith.constant 0 : i32
    %c0_i32_1 = arith.constant 0 : i32
    return %c0_i32, %c0_i32_0 : i32, i32
  }
  func.func @transform_7(%arg0: i32) -> (i32, i32) {
    %c0_i32 = arith.constant 0 : i32
    %c0_i32_0 = arith.constant 0 : i32
    %c0_i32_1 = arith.constant 0 : i32
    return %c0_i32, %c0_i32_0 : i32, i32
  }
  func.func @transform_8(%arg0: i32) -> (i32, i32) {
    %c0_i32 = arith.constant 0 : i32
    %c0_i32_0 = arith.constant 0 : i32
    %c0_i32_1 = arith.constant 0 : i32
    return %c0_i32, %c0_i32_0 : i32, i32
  }
  func.func @transform_9(%arg0: i32) -> (i32, i32) {
    %c0_i32 = arith.constant 0 : i32
    %c0_i32_0 = arith.constant 0 : i32
    %c0_i32_1 = arith.constant 0 : i32
    return %c0_i32, %c0_i32_0 : i32, i32
  }
  func.func @transform_10(%arg0: i32) -> (i32, i32) {
    %c0_i32 = arith.constant 0 : i32
    %c0_i32_0 = arith.constant 0 : i32
    %c0_i32_1 = arith.constant 0 : i32
    return %c0_i32, %c0_i32_0 : i32, i32
  }
}

</mosaic_0001>

<sc_bundles>
// kernel: kernel.11.cloned.1.call-start
scs
__scs_entry_jumppad:
0x0: {  	(pc) =	sbr.rel $0x88, $3  }
0x1: {  	(tag) =	ssettag $0x0;
	lr =	simm.s32 $0x1  }
0x2: {  	[smem:$0x3F96] =	sst lr;
	_ =	strace $0xD0000000  }
0x3: {  	_ = 	snop  }
0x4: {  	_ = 	snop  }
0x5: {  	_ = 	snop  }
0x6: {  	_ = 	snop  }
0x7: {  	_ = 	snop  }
__scs_overlays_trampoline_lowered:
0x8: {  	[smem:$0x3FA5] =	sst s0  }
0x9: {  	[smem:$0x3FA6] =	sst s1  }
0xa: {  	[smem:$0x3FA7] =	sst s2  }
0xb: {  	[smem:$0x3FA8] =	sst s3  }
0xc: {  	[smem:$0x3FA9] =	sst s4  }
0xd: {  	[smem:$0x3FAA] =	sst s5  }
0xe: {  	[smem:$0x3FAB] =	sst s6  }
0xf: {  	[smem:$0x3FAC] =	sst s7  }
0x10: {  	[smem:$0x3FAD] =	sst s8  }
0x11: {  	[smem:$0x3FAE] =	sst s9;
	s0 =	simm.s32 @!p0 $0x0  }
0x12: {  	s1 =	sld [smem:$0x3F94];
	s0 =	simm.s32 @p0 $0x1  }
0x13: {  	[smem:$0x3FAF] =	sst s0;
	s0 =	simm.s32 @!p1 $0x0  }
0x14: {  	s2 =	sld [smem:$0x3F93];
	s0 =	simm.s32 @p1 $0x1  }
0x15: {  	[smem:$0x3FB0] =	sst s0;
	s0 =	simm.s32 @!p2 $0x0  }
0x16: {  	s3 =	sld [smem:$0x3FDB];
	s0 =	simm.s32 @p2 $0x1  }
0x17: {  	s4 =	simm.s32 $0x1BF5;
	[smem:$0x3FB2] =	sst s0  }
0x18: {  	s0 =	sld [smem:$0x3F95];
	_ =	swait.ge [sflag:s4], $0x0  }
0x19: {  	s7 =	sld [smem:$0x3F96]  }
0x1a: {  	s8 =	sadd.s32 $0xFFFFE003, lr  }
0x1b: {  	s9 =	sadd.s32 $0xFFFFFEF7, lr;
	s5 =	simm.s32 $0xFFFFFFFF;
	p2 =	slt.u32 s8, $0xFFFFF086  }
0x1c: {  	p1 =	slt.u32 s9, $0xF7A;
	s5 =	simm.s32 @!p2 $0x0  }
0x1d: {  	s5 =	simm.s32 @p1 $0x1;
	p0 =	seq.s32 s7, s2  }
0x1e: {  	s7 =	smul.u32 @!p0 $0xF7A, s2;
	p2 =	seq.s32 @!p0 s5, $0x0  }
0x1f: {  	s9 =	smul.u32 $0xF7A, s1;
	s8 =	simm.s32 @!p0 $0x1BF5;
	p2 =	por !p2, p0  }
0x20: {  	[sflag:s8] =	ssyncset.s32 @!p0 $0xFFFFF086;
	s6 =	sadd.s32 @!p0 s3, s7;
	s7 =	simm.s32 @!p0 $0x108  }
0x21: {  	s3 =	sadd.s32 s3, s9;
	s6 =	sadd.s32 @!p0 $0x88, s6;
	s7 =	simm.s32 @p2 $0x1082  }
0x22: {  	[simem:s7], [sflag:s8] =	dma.local @!p0 [hbm:s6], $0xF7A  }
0x23: {  	s9 =	sor.u32 $0xD0000000, s2;
	s6 =	simm.s32 $0x108;
	_ =	swait.ge @!p0 [sflag:s8], $0x0  }
0x24: {  	s3 =	sadd.s32 $0x88, s3;
	s6 =	simm.s32 @!p1 $0x1082;
	[sflag:s4] =	ssyncset.s32 $0xFFFFF086  }
0x25: {  	[simem:s6], [sflag:s4] =	dma.local [hbm:s3], $0xF7A  }
0x26: {  	[smem:$0x3F96] =	sst s1;
	(tag) =	ssettag s2;
	_ =	strace s9  }
0x27: {  	s1 =	sld [smem:$0x3FA6]  }
0x28: {  	s2 =	sld [smem:$0x3FA7]  }
0x29: {  	s4 =	sld [smem:$0x3FA9]  }
0x2a: {  	p0 =	seq.s32 s5, $0x0;
	s5 =	sld [smem:$0x3FAA]  }
0x2b: {  	s6 =	sld [smem:$0x3FAB]  }
0x2c: {  	s7 =	sld [smem:$0x3FAC]  }
0x2d: {  	s3 =	simm.s32 $0x108;
	s8 =	sld [smem:$0x3FAD]  }
0x2e: {  	s3 =	simm.s32 @!p0 $0x1082;
	s9 =	sld [smem:$0x3FAE]  }
0x2f: {  	lr =	sadd.s32 s0, s3;
	s0 =	sld [smem:$0x3FA5]  }
0x30: {  	s3 =	sld [smem:$0x3FA8]  }
0x31: {  	[smem:$0x3FB1] =	sst s10  }
0x32: {  	s10 =	sld [smem:$0x3FAF];
	_ =	sdelay $0x3  }
0x33: {  	p0 =	seq.s32 s10, $0x1;
	s10 =	sld [smem:$0x3FB1];
	_ =	sdelay $0x3  }
0x34: {  	[smem:$0x3FB1] =	sst s10  }
0x35: {  	s10 =	sld [smem:$0x3FB0];
	_ =	sdelay $0x3  }
0x36: {  	p1 =	seq.s32 s10, $0x1;
	s10 =	sld [smem:$0x3FB1];
	_ =	sdelay $0x3  }
0x37: {  	[smem:$0x3FB1] =	sst s10  }
0x38: {  	s10 =	sld [smem:$0x3FB2]  }
0x39: {  	_ = 	snop;
	(pc) =	sbr.ind lr, $3  }
0x3a: {  	_ = 	snop  }
0x3b: {  	_ = 	snop  }
0x3c: {  	p2 =	seq.s32 s10, $0x1;
	s10 =	sld [smem:$0x3FB1]  }
0x3d: {  	_ =	shalt  }
0x3e: {  	_ =	shalt  }
0x3f: {  	_ =	shalt  }
0x40: {  	_ =	shalt  }
0x41: {  	_ =	shalt  }
0x42: {  	_ =	shalt  }
0x43: {  	_ =	shalt  }
0x44: {  	_ =	shalt  }
0x45: {  	_ =	shalt  }
0x46: {  	_ =	shalt  }
0x47: {  	_ =	shalt  }
0x48: {  	_ =	shalt  }
0x49: {  	_ =	shalt  }
0x4a: {  	_ =	shalt  }
0x4b: {  	_ =	shalt  }
0x4c: {  	_ =	shalt  }
0x4d: {  	_ =	shalt  }
0x4e: {  	_ =	shalt  }
0x4f: {  	_ =	shalt  }
0x50: {  	_ =	shalt  }
0x51: {  	_ =	shalt  }
0x52: {  	_ =	shalt  }
0x53: {  	_ =	shalt  }
0x54: {  	_ =	shalt  }
0x55: {  	_ =	shalt  }
0x56: {  	_ =	shalt  }
0x57: {  	_ =	shalt  }
0x58: {  	_ =	shalt  }
0x59: {  	_ =	shalt  }
0x5a: {  	_ =	shalt  }
0x5b: {  	_ =	shalt  }
0x5c: {  	_ =	shalt  }
0x5d: {  	_ =	shalt  }
0x5e: {  	_ =	shalt  }
0x5f: {  	_ =	shalt  }
0x60: {  	_ =	shalt  }
0x61: {  	_ =	shalt  }
0x62: {  	_ =	shalt  }
0x63: {  	_ =	shalt  }
0x64: {  	_ =	shalt  }
0x65: {  	_ =	shalt  }
0x66: {  	_ =	shalt  }
0x67: {  	_ =	shalt  }
0x68: {  	_ =	shalt  }
0x69: {  	_ =	shalt  }
0x6a: {  	_ =	shalt  }
0x6b: {  	_ =	shalt  }
0x6c: {  	_ =	shalt  }
0x6d: {  	_ =	shalt  }
0x6e: {  	_ =	shalt  }
0x6f: {  	_ =	shalt  }
0x70: {  	_ =	shalt  }
0x71: {  	_ =	shalt  }
0x72: {  	_ =	shalt  }
0x73: {  	_ =	shalt  }
0x74: {  	_ =	shalt  }
0x75: {  	_ =	shalt  }
0x76: {  	_ =	shalt  }
0x77: {  	_ =	shalt  }
0x78: {  	_ =	shalt  }
0x79: {  	_ =	shalt  }
0x7a: {  	_ =	shalt  }
0x7b: {  	_ =	shalt  }
0x7c: {  	_ =	shalt  }
0x7d: {  	_ =	shalt  }
0x7e: {  	_ =	shalt  }
0x7f: {  	_ =	shalt  }
0x80: {  	_ =	shalt  }
0x81: {  	_ =	shalt  }
0x82: {  	_ =	shalt  }
0x83: {  	_ =	shalt  }
0x84: {  	_ =	shalt  }
0x85: {  	_ =	shalt  }
0x86: {  	_ =	shalt  }
0x87: {  	_ =	shalt  }
.Lfunc_end0:
.L_simem_size_0:
called_computation.1_lowered:
.L_overlay_start_0:
0x88: {  	s2 =	sld [smem:$0x3FD9]  }
0x89: {  	s3 =	sld [smem:$0x3FFE];
	_ =	sdelay $0x1  }
0x8a: {  	s1 =	srdreg.scid  }
0x8b: {  	s0 =	sand.u32 $0x1, s1  }
0x8c: {  	s17 =	sshll.u32 s0, $0xA;
	s2 =	sadd.s32 s3, s2  }
0x8d: {  	s2 =	sadd.s32 s2, s17  }
0x8e: {  	[smem:$0x3FBD] =	sst s2  }
0x8f: {  	_ = 	snop  }
0x90: {  	s2 =	sld [smem:$0x3FC8];
	(tm) =	ssettm $0x1  }
0x91: {  	s18 =	sld [smem:$0x3FFB];
	_ =	sdelay $0x3  }
0x92: {  	_ =	strace s18  }
0x93: {  	s3 =	sld [smem:$0x3FFC];
	_ =	sdelay $0x3  }
0x94: {  	_ =	strace s3  }
0x95: {  	s3 =	sld [smem:$0x3FFD];
	_ =	sdelay $0x3  }
0x96: {  	_ =	strace s3  }
0x97: {  	_ =	strace $0x8FFFFFFF  }
0x98: {  	s19 =	sld [smem:$0x3FDB];
	_ =	sdelay $0x1  }
0x99: {  	s4 =	simm.s32 $_scs_section_size  }
0x9a: {  	s5 =	simm.s32 $_size__tile_overlayer_lowered;
	s6 =	simm.s32 $_tile_overlayer_lowered  }
0x9b: {  	s22 =	simm.s32 $0x1BFF;
	s21 =	sshll.u32 s6, $0x1;
	s3 =	sadd.s32 s4, s19  }
0x9c: {  	s7 =	simm.s32 $0x0;
	s20 =	sshll.u32 s5, $0x1;
	s5 =	sadd.s32 s21, s3  }
0x9d: {  	[timem:s7], [sflag:s22] =	dma.local [hbm:s5], s20  }
0x9e: {  	_ =	swait.ge [sflag:s22], s20  }
0x9f: {  	s4 =	ssub.s32 $0x0, s20;
	[sflag:s22] =	ssyncset.done $0x0  }
0xa0: {  	[sflag:s22] =	ssyncadd.s32 s4;
	_ =	sdelay $0x1  }
0xa1: {  	s23 =	simm.s32 $0x1B8B  }
0xa2: {  	_ =	swait.ge [sflag:s23], $0x1  }
0xa3: {  	[sflag:s23] =	ssyncset.done $0x0  }
0xa4: {  	s25 =	simm.s32 $0x1B8E;
	s24 =	sld [smem:$0x3FFE];
	[sflag:s23] =	ssyncadd.s32 $0xFFFFFFFF  }
0xa5: {  	s26 =	simm.s32 $execute0_lowered;
	[smem:$0x3FD2] =	sst s25  }
0xa6: {  	s5 =	sshll.u32 s26, $0x1;
	_ =	strace $0x80000049;
	[dreg:$0x1] =	wrdreg $0xFFFFFFFF  }
0xa7: {  	s28 =	simm.s32 $_size_execute0_lowered;
	s3 =	sadd.s32 s3, s5;
	[dreg:$0x0] =	wrdreg $0x0  }
0xa8: {  	s5 =	sshll.u32 s28, $0x1;
	[dreg:$0x2] =	wrdreg s3  }
0xa9: {  	[dreg:$0x3] =	wrdreg s5  }
0xaa: {  	[dreg:$0x4] =	wrdreg $0xC0  }
0xab: {  	_ =	task [dreg:s7], $0x5FFFF  }
0xac: {  	[dreg:$0x1] =	wrdreg $0xFFFFFFFF  }
0xad: {  	[dreg:$0x0] =	wrdreg $0x60  }
0xae: {  	[dreg:$0x2] =	wrdreg s24  }
0xaf: {  	[dreg:$0x3] =	wrdreg s2  }
0xb0: {  	[dreg:$0x4] =	wrdreg $0x41800  }
0xb1: {  	[dreg:$0x5] =	wrdreg $0x9  }
0xb2: {  	_ =	task.clear_ibuf [dreg:s7], $0x6FFFF;
	_ =	strace $0x90000049  }
0xb3: {  	s29 =	simm.s32 $0x9;
	_ =	strace $0x8000004B  }
0xb4: {  	_ =	swait.ge [sflag:s29], $0x1  }
0xb5: {  	[sflag:s29] =	ssyncadd.s32 $0xFFFFFFFF  }
0xb6: {  	_ =	strace $0x9000004B  }
0xb7: {  	_ =	sfence  }
0xb8: {  	s30 =	sld [smem:$0x0];
	_ =	sdelay $0x2  }
0xb9: {  	s31 =	sshll.u32 s1, $0xD;
	s1 =	sshrl.u32 s1, $0x2  }
0xba: {  	s3 =	sand.u32 $0x4000, s31;
	s1 =	sadd.s32 s1, s30  }
0xbb: {  	s0 =	sor.u32 s3, s0;
	s1 =	sshll.u32 s1, $0x11  }
0xbc: {  	s0 =	sor.u32 s1, s0  }
0xbd: {  	s0 =	sadd.s32 $0x8F2B, s0  }
0xbe: {  	[sflag:s0] =	ssyncadd.remote.s32 $0x1  }
0xbf: {  	_ =	sfence.sel $0xFFFF  }
0xc0: {  	[dreg:$0x0] =	wrdreg $0xFFFFFFFF;
	(pc) =	sbr.abs _section_cstart, $3  }
0xc1: {  	[dreg:$0x1] =	wrdreg $0xFFFFFFFF  }
0xc2: {  	_ =	task.clear_ibuf [dreg:s7], $0x2FFFF;
	_ =	strace $0x9FFFFFFF  }
0xc3: {  	(tm) =	ssettm $0x7FFFFFFF  }
tec
execute0_lowered:
.L_overlay_start_1:
0x0: {  	(tag) =	ssettag $0x1  }
0x1: {  	s5 =	rddreg [dreg:$0x0]  }
0x2: {  	s19 =	rddreg [dreg:$0x1]  }
0x3: {  	s0 =	srdreg.scid;
	s2 =	rddreg [dreg:$0x2]  }
0x4: {  	s1 =	stileid.u32;
	s3 =	simm.s32 $0x0;
	s21 =	simm.s32 $0x3  }
0x5: {  	s22 =	simm.s32 $0x2;
	s23 =	simm.s32 $0x80;
	s24 =	simm.s32 $0x100  }
0x6: {  	s25 =	simm.s32 $0x1;
	s26 =	simm.s32 $0x0;
	s6 =	smul.u32 $0x14000, s1  }
0x7: {  	s7 =	sand.u32 $0x1, s0;
	[smem:$0x7FF] =	sst s3;
	s8 =	smul.u32 $0x50000, s1  }
0x8: {  	p0 =	sgt.u32 s1, $0x1;
	s4 =	smul.u32 $0x140000, s7;
	s9 =	ssub.s32 $0x2, s7  }
0x9: {  	_ =	strace $0x8000004A;
	s20 =	sshll.u32 s7, $0x5;
	s10 =	sshrl.u32 s9, $0x1  }
0xa: {  	s30 =	sshrl.u32 s8, $0x2;
	s6 =	sadd.s32 s6, s4;
	s15 =	ssub.s32 s9, s10  }
0xb: {  	s4 =	sadd.s32 $0x53E00, s5;
	s6 =	sshrl.u32 s6, $0x3;
	s15 =	smax.u32 s15, $0x1  }
0xc: {  	s14 =	sadd.s32 s6, s5;
	s5 =	sadd.s32 s30, s2;
	s6 =	sshll.u32 s1, $0x6  }
0xd: {  	s7 =	sadd.s32 $0x4000, s5;
	s31 =	sor.u32 s20, s6;
	s8 =	sadd.s32 $0x8000, s5  }
0xe: {  	s9 =	sadd.s32 $0xC000, s5;
	s11 =	sadd.s32 $0x10000, s5;
	s10 =	sadd.s32 s19, s31  }
0xf: {  	s14 =	sadd.s32 $0x7BE00, s14;
	s19 =	sadd.s32 s6, s19;
	s12 =	sadd.s32 $0x13800, s10  }
0x10: {  	s13 =	sadd.s32 $0x13810, s10;
	s16 =	sadd.s32 $0x13010, s10;
	s17 =	sadd.s32 $0x13400, s10  }
0x11: {  	v0 =	vimm.f32 $0.0e+00;
	s18 =	sadd.s32 $0x13410, s10;
	s19 =	sadd.s32 s20, s19;
	s20 =	simm.s32 $0x180  }
.LBB2_1:
0x12: {  	s28 =	sand.u32 $0xFE00, s3  }
0x13: {  	s29 =	sand.u32 $0x70, s3;
	s30 =	sshrl.u32 s28, $0x2  }
0x14: {  	s28 =	simm.s32 $0x40;
	s30 =	sor.u32 s29, s30;
	s29 =	simm.s32 $0x0  }
.LBB2_2:
0x15: {  	p1 =	sne.s32 s28, $0xFFC0  }
0x16: {  	[tilespmem:s30+$0x180] =	vst v0;
	s29 =	sadd.s32 $0x10, s29;
	s30 =	smov.u32 s28;
	s28 =	sadd.s32 $0x40, s28  }
.Ltmp0:
0x17: {  	(pc) =	sbr.rel @p1 .LBB2_2-.Ltmp0, $4  }
0x18: {  	_ = 	snop  }
0x19: {  	s30 =	sand.u32 $0xFE00, s30  }
0x1a: {  	s31 =	sand.u32 $0x70, s29;
	s30 =	sshrl.u32 s30, $0x2  }
0x1b: {  	s30 =	sor.u32 s31, s30  }
0x1c: {  	[tilespmem:s30+$0x180] =	vst v0  }
0x1d: {  	[spmem:s5] =	stream.linear.scatter [tilespmem:s20], [sflag:$0x3], $0x4000, $0x38;
	[tilespmem:$0x18180] =	vst v63  }
0x1e: {  	_ =	swait.ge [sflag:s21], $0x4000  }
0x1f: {  	[sflag:s21] =	ssyncset.done $0x0  }
0x20: {  	[sflag:s21] =	ssyncadd.s32 $0xFFFFC000  }
0x21: {  	[spmem:s7] =	stream.linear.scatter [tilespmem:s20], [sflag:$0x3], $0x4000, $0x38;
	[tilespmem:$0x18180] =	vst v63  }
0x22: {  	_ =	swait.ge [sflag:s21], $0x4000  }
0x23: {  	[sflag:s21] =	ssyncset.done $0x0  }
0x24: {  	[sflag:s21] =	ssyncadd.s32 $0xFFFFC000  }
0x25: {  	[spmem:s8] =	stream.linear.scatter [tilespmem:s20], [sflag:$0x3], $0x4000, $0x38;
	[tilespmem:$0x18180] =	vst v63  }
0x26: {  	_ =	swait.ge [sflag:s21], $0x4000  }
0x27: {  	[sflag:s21] =	ssyncset.done $0x0  }
0x28: {  	[sflag:s21] =	ssyncadd.s32 $0xFFFFC000  }
0x29: {  	[spmem:s9] =	stream.linear.scatter [tilespmem:s20], [sflag:$0x3], $0x4000, $0x38;
	[tilespmem:$0x18180] =	vst v63  }
0x2a: {  	_ =	swait.ge [sflag:s21], $0x4000  }
0x2b: {  	[sflag:s21] =	ssyncset.done $0x0  }
0x2c: {  	[sflag:s21] =	ssyncadd.s32 $0xFFFFC000  }
0x2d: {  	[spmem:s11] =	stream.linear.scatter [tilespmem:s20], [sflag:$0x3], $0x4000, $0x38;
	[tilespmem:$0x18180] =	vst v63  }
0x2e: {  	_ =	swait.ge [sflag:s21], $0x4000  }
0x2f: {  	[sflag:s21] =	ssyncset.done $0x0  }
0x30: {  	[sflag:s21] =	ssyncadd.s32 $0xFFFFC000  }
0x31: {  	s28 =	simm.s32 $0x0;
	[bflag:$0x0] =	sbarrier.arrive $0xFFFF  }
0x32: {  	[tilespmem:s28], [sflag:$0x2] =	stream.linear.gather [hbm4b:s10+s28], $0x80, $0x38;
	[tilespmem:$0x18180] =	vst v63  }
0x33: {  	_ =	swait.ge [sflag:s22], $0x80  }
0x34: {  	[sflag:s22] =	ssyncset.done $0x0  }
0x35: {  	s28 =	sadd.s32 $0x0, s19;
	[sflag:s22] =	ssyncadd.s32 $0xFFFFFF80  }
0x36: {  	[tilespmem:s20], [sflag:$0x1] =	stream.indirect.gather [hbm4b:s4+s23], $0x80, s3, s23, $0xb8;
	[tilespmem:$0x18180] =	vst v63  }
0x37: {  	s29 =	sadd.s32 $0x10, s28  }
0x38: {  	[tilespmem:s24], [sflag:$0x3] =	stream.linear.gather [hbm4b:s29+s3], $0x80, $0x38;
	[tilespmem:$0x18180] =	vst v63  }
0x39: {  	_ =	swait.ge [sflag:s21], $0x80  }
0x3a: {  	[sflag:s21] =	ssyncset.done $0x0  }
0x3b: {  	s30 =	sadd.s32 $0x400, s28;
	[sflag:s21] =	ssyncadd.s32 $0xFFFFFF80  }
0x3c: {  	[tilespmem:s23], [sflag:$0x2] =	stream.linear.gather [hbm4b:s30+s3], $0x80, $0x38;
	[tilespmem:$0x18180] =	vst v63  }
0x3d: {  	_ =	swait.ge [sflag:s25], $0x4000  }
0x3e: {  	[sflag:s25] =	ssyncset.done $0x0  }
0x3f: {  	[sflag:s25] =	ssyncadd.s32 $0xFFFFC000  }
0x40: {  	[spmem:s2] =	stream.indirect.scatter.add.f32 [tilespmem:s20], [sflag:$0x3], $0x80, s24, s23, $0xb8;
	[tilespmem:$0x18180] =	vst v63  }
0x41: {  	_ =	swait.ge [sflag:s21], $0x4000  }
0x42: {  	[sflag:s21] =	ssyncset.done $0x0  }
0x43: {  	[sflag:s21] =	ssyncadd.s32 $0xFFFFC000  }
0x44: {  	_ =	swait.ge [sflag:s22], $0x80  }
0x45: {  	[sflag:s22] =	ssyncset.done $0x0  }
0x46: {  	[sflag:s22] =	ssyncadd.s32 $0xFFFFFF80  }
0x47: {  	[tilespmem:s20], [sflag:$0x1] =	stream.indirect.gather [hbm4b:s4+s23], $0x80, s23, s23, $0xb8;
	[tilespmem:$0x18180] =	vst v63  }
0x48: {  	s31 =	sadd.s32 $0x410, s28  }
0x49: {  	[tilespmem:s24], [sflag:$0x3] =	stream.linear.gather [hbm4b:s31+s3], $0x80, $0x38;
	[tilespmem:$0x18180] =	vst v63  }
0x4a: {  	_ =	swait.ge [sflag:s21], $0x80  }
0x4b: {  	[sflag:s21] =	ssyncset.done $0x0  }
0x4c: {  	s28 =	sadd.s32 $0x800, s28;
	[sflag:s21] =	ssyncadd.s32 $0xFFFFFF80  }
0x4d: {  	[tilespmem:s3], [sflag:$0x2] =	stream.linear.gather [hbm4b:s28+s3], $0x80, $0x38;
	[tilespmem:$0x18180] =	vst v63  }
0x4e: {  	_ =	swait.ge [sflag:s25], $0x4000  }
0x4f: {  	[sflag:s25] =	ssyncset.done $0x0  }
0x50: {  	[sflag:s25] =	ssyncadd.s32 $0xFFFFC000  }
0x51: {  	[spmem:s2] =	stream.indirect.scatter.add.f32 [tilespmem:s20], [sflag:$0x3], $0x80, s24, s23, $0xb8;
	[tilespmem:$0x18180] =	vst v63  }
0x52: {  	_ =	swait.ge [sflag:s21], $0x4000  }
0x53: {  	s28 =	simm.s32 $0x800;
	[sflag:s21] =	ssyncset.done $0x0  }
.LBB2_4:
0x54: {  	p1 =	sne.s32 s28, $0x12800  }
0x55: {  	[sflag:s21] =	ssyncadd.s32 $0xFFFFC000;
	s29 =	smov.u32 s28;
	s28 =	sadd.s32 $0x800, s28  }
0x56: {  	_ =	swait.ge [sflag:s22], $0x80  }
0x57: {  	[sflag:s22] =	ssyncset.done $0x0  }
0x58: {  	s29 =	sadd.s32 s29, s19;
	[sflag:s22] =	ssyncadd.s32 $0xFFFFFF80  }
0x59: {  	[tilespmem:s20], [sflag:$0x1] =	stream.indirect.gather [hbm4b:s4+s23], $0x80, s3, s23, $0xb8;
	[tilespmem:$0x18180] =	vst v63  }
0x5a: {  	s30 =	sadd.s32 $0x10, s29  }
0x5b: {  	[tilespmem:s24], [sflag:$0x3] =	stream.linear.gather [hbm4b:s30+s3], $0x80, $0x38;
	[tilespmem:$0x18180] =	vst v63  }
0x5c: {  	_ =	swait.ge [sflag:s21], $0x80  }
0x5d: {  	[sflag:s21] =	ssyncset.done $0x0  }
0x5e: {  	s30 =	sadd.s32 $0x400, s29;
	[sflag:s21] =	ssyncadd.s32 $0xFFFFFF80  }
0x5f: {  	[tilespmem:s23], [sflag:$0x2] =	stream.linear.gather [hbm4b:s30+s3], $0x80, $0x38;
	[tilespmem:$0x18180] =	vst v63  }
0x60: {  	_ =	swait.ge [sflag:s25], $0x4000  }
0x61: {  	[sflag:s25] =	ssyncset.done $0x0  }
0x62: {  	[sflag:s25] =	ssyncadd.s32 $0xFFFFC000  }
0x63: {  	[spmem:s2] =	stream.indirect.scatter.add.f32 [tilespmem:s20], [sflag:$0x3], $0x80, s24, s23, $0xb8;
	[tilespmem:$0x18180] =	vst v63  }
0x64: {  	_ =	swait.ge [sflag:s21], $0x4000  }
0x65: {  	[sflag:s21] =	ssyncset.done $0x0  }
0x66: {  	[sflag:s21] =	ssyncadd.s32 $0xFFFFC000  }
0x67: {  	_ =	swait.ge [sflag:s22], $0x80  }
0x68: {  	[sflag:s22] =	ssyncset.done $0x0  }
0x69: {  	[sflag:s22] =	ssyncadd.s32 $0xFFFFFF80  }
0x6a: {  	[tilespmem:s20], [sflag:$0x1] =	stream.indirect.gather [hbm4b:s4+s23], $0x80, s23, s23, $0xb8;
	[tilespmem:$0x18180] =	vst v63  }
0x6b: {  	s30 =	sadd.s32 $0x410, s29  }
0x6c: {  	[tilespmem:s24], [sflag:$0x3] =	stream.linear.gather [hbm4b:s30+s3], $0x80, $0x38;
	[tilespmem:$0x18180] =	vst v63  }
0x6d: {  	_ =	swait.ge [sflag:s21], $0x80  }
0x6e: {  	[sflag:s21] =	ssyncset.done $0x0  }
0x6f: {  	s29 =	sadd.s32 $0x800, s29;
	[sflag:s21] =	ssyncadd.s32 $0xFFFFFF80  }
0x70: {  	[tilespmem:s3], [sflag:$0x2] =	stream.linear.gather [hbm4b:s29+s3], $0x80, $0x38;
	[tilespmem:$0x18180] =	vst v63  }
0x71: {  	_ =	swait.ge [sflag:s25], $0x4000  }
.Ltmp1:
0x72: {  	[sflag:s25] =	ssyncset.done $0x0;
	(pc) =	sbr.rel @p1 .LBB2_4-.Ltmp1, $4  }
0x73: {  	[sflag:s25] =	ssyncadd.s32 $0xFFFFC000  }
0x74: {  	[spmem:s2] =	stream.indirect.scatter.add.f32 [tilespmem:s20], [sflag:$0x3], $0x80, s24, s23, $0xb8;
	[tilespmem:$0x18180] =	vst v63  }
0x75: {  	_ =	swait.ge [sflag:s21], $0x4000  }
0x76: {  	[sflag:s21] =	ssyncset.done $0x0  }
0x77: {  	[sflag:s21] =	ssyncadd.s32 $0xFFFFC000  }
0x78: {  	_ =	swait.ge [sflag:s22], $0x80  }
0x79: {  	[sflag:s22] =	ssyncset.done $0x0  }
0x7a: {  	[sflag:s22] =	ssyncadd.s32 $0xFFFFFF80  }
0x7b: {  	[tilespmem:s20], [sflag:$0x1] =	stream.indirect.gather [hbm4b:s4+s23], $0x80, s3, s23, $0xb8;
	[tilespmem:$0x18180] =	vst v63  }
0x7c: {  	_ = 	snop  }
0x7d: {  	[tilespmem:s24], [sflag:$0x3] =	stream.linear.gather [hbm4b:s16+s3], $0x80, $0x38;
	[tilespmem:$0x18180] =	vst v63  }
0x7e: {  	_ =	swait.ge [sflag:s21], $0x80  }
0x7f: {  	[sflag:s21] =	ssyncset.done $0x0  }
0x80: {  	[sflag:s21] =	ssyncadd.s32 $0xFFFFFF80  }
0x81: {  	[tilespmem:s23], [sflag:$0x2] =	stream.linear.gather [hbm4b:s17+s3], $0x80, $0x38;
	[tilespmem:$0x18180] =	vst v63  }
0x82: {  	_ =	swait.ge [sflag:s25], $0x4000  }
0x83: {  	[sflag:s25] =	ssyncset.done $0x0  }
0x84: {  	[sflag:s25] =	ssyncadd.s32 $0xFFFFC000  }
0x85: {  	[spmem:s2] =	stream.indirect.scatter.add.f32 [tilespmem:s20], [sflag:$0x3], $0x80, s24, s23, $0xb8;
	[tilespmem:$0x18180] =	vst v63  }
0x86: {  	_ =	swait.ge [sflag:s21], $0x4000  }
0x87: {  	[sflag:s21] =	ssyncset.done $0x0  }
0x88: {  	[sflag:s21] =	ssyncadd.s32 $0xFFFFC000  }
0x89: {  	_ =	swait.ge [sflag:s22], $0x80  }
0x8a: {  	[sflag:s22] =	ssyncset.done $0x0  }
0x8b: {  	[sflag:s22] =	ssyncadd.s32 $0xFFFFFF80  }
0x8c: {  	[tilespmem:s20], [sflag:$0x1] =	stream.indirect.gather [hbm4b:s4+s23], $0x80, s23, s23, $0xb8;
	[tilespmem:$0x18180] =	vst v63  }
0x8d: {  	_ = 	snop  }
0x8e: {  	[tilespmem:s24], [sflag:$0x3] =	stream.linear.gather [hbm4b:s18+s3], $0x80, $0x38;
	[tilespmem:$0x18180] =	vst v63  }
0x8f: {  	_ =	swait.ge [sflag:s21], $0x80  }
0x90: {  	[sflag:s21] =	ssyncset.done $0x0  }
0x91: {  	[sflag:s21] =	ssyncadd.s32 $0xFFFFFF80  }
0x92: {  	_ =	swait.ge [sflag:s25], $0x4000  }
0x93: {  	[sflag:s25] =	ssyncset.done $0x0  }
0x94: {  	[sflag:s25] =	ssyncadd.s32 $0xFFFFC000  }
0x95: {  	[spmem:s2] =	stream.indirect.scatter.add.f32 [tilespmem:s20], [sflag:$0x3], $0x80, s24, s23, $0xb8;
	[tilespmem:$0x18180] =	vst v63  }
0x96: {  	_ =	swait.ge [sflag:s21], $0x4000  }
0x97: {  	[sflag:s21] =	ssyncset.done $0x0  }
0x98: {  	s28 =	simm.s32 @!p0 $0x0;
	s29 =	simm.s32 @!p0 $0x3;
	[sflag:s21] =	ssyncadd.s32 $0xFFFFC000  }
0x99: {  	[tilespmem:s28], [sflag:$0x3] =	stream.linear.gather @!p0 [hbm4b:s12+s28], $0x80, $0x38;
	[tilespmem:$0x18180] =	vst v63  }
0x9a: {  	_ =	swait.ge @!p0 [sflag:s29], $0x80  }
0x9b: {  	[sflag:s29] =	ssyncset.done @!p0 $0x0  }
0x9c: {  	s30 =	simm.s32 @!p0 $0x80;
	s31 =	simm.s32 @!p0 $0x180;
	[sflag:s29] =	ssyncadd.s32 @!p0 $0xFFFFFF80  }
0x9d: {  	[tilespmem:s31], [sflag:$0x1] =	stream.indirect.gather @!p0 [hbm4b:s4+s30], $0x80, s28, s30, $0xb8;
	[tilespmem:$0x18180] =	vst v63  }
0x9e: {  	s0 =	simm.s32 @!p0 $0x100  }
0x9f: {  	[tilespmem:s0], [sflag:$0x3] =	stream.linear.gather @!p0 [hbm4b:s13+s28], $0x80, $0x38;
	[tilespmem:$0x18180] =	vst v63  }
0xa0: {  	_ =	swait.ge @!p0 [sflag:s29], $0x80  }
0xa1: {  	[sflag:s29] =	ssyncset.done @!p0 $0x0  }
0xa2: {  	s28 =	simm.s32 @!p0 $0x1;
	[sflag:s29] =	ssyncadd.s32 @!p0 $0xFFFFFF80  }
0xa3: {  	_ =	swait.ge @!p0 [sflag:s28], $0x4000  }
0xa4: {  	[sflag:s28] =	ssyncset.done @!p0 $0x0  }
0xa5: {  	[sflag:s28] =	ssyncadd.s32 @!p0 $0xFFFFC000  }
0xa6: {  	[spmem:s2] =	stream.indirect.scatter.add.f32 @!p0 [tilespmem:s31], [sflag:$0x3], $0x80, s0, s30, $0xb8;
	[tilespmem:$0x18180] =	vst v63  }
0xa7: {  	_ =	swait.ge @!p0 [sflag:s29], $0x4000  }
0xa8: {  	s26 =	sadd.s32 $0x1, s26;
	[sflag:s29] =	ssyncset.done @!p0 $0x0  }
0xa9: {  	p1 =	sne.s32 s26, s15;
	s30 =	sor.u32 $0x1C03, s6;
	[sflag:s29] =	ssyncadd.s32 @!p0 $0xFFFFC000  }
.Ltmp2:
0xaa: {  	s31 =	sshrl.u32 s5, $0x3;
	[bflag:$0x0] =	sbarrier.arrive $0xFFFF;
	(pc) =	sbr.rel @p1 .LBB2_1-.Ltmp2, $4  }
0xab: {  	[hbm:s14], [sflag:s30] =	dma.local [spmem:s31], $0x2800  }
0xac: {  	_ =	swait.ge [sflag:s21], $0x2800  }
0xad: {  	[sflag:s21] =	ssyncset.done $0x0  }
0xae: {  	[sflag:s21] =	ssyncadd.s32 $0xFFFFD800  }
0xaf: {  	_ =	sfence.sel $0x180000  }
0xb0: {  	[bflag:$0x0] =	sbarrier.arrive $0xFFFF  }
0xb1: {  	_ =	strace $0x9000004A  }
0xb2: {  	[bflag:$0x2] =	sbarrier.arrive $0xFFFF  }
0xb3: {  	p0 =	sne.s32 s1, $0x0;
	s0 =	rddreg [dreg:$0x3]  }
0xb4: {  	s0 =	sadd.s32 @!p0 $0x100000, s0  }
0xb5: {  	[sflag:s0] =	ssyncadd.tile.s32 @!p0 $0x1;
	_ =	shalt  }
.Lfunc_end2:
_tile_overlayer_lowered:
.L_overlay_start_2:
0xb6: {  	(tag) =	ssettag $0x2  }
0xb7: {  	s0 =	rddreg [dreg:$0x0];
	s2 =	stileid.u32  }
0xb8: {  	s1 =	rddreg [dreg:$0x1];
	p0 =	sne.s32 s2, $0x0  }
0xb9: {  	s3 =	rddreg [dreg:$0x2];
	[bflag:$0x3] =	sbarrier.arrive $0xFFFF;
	s2 =	simm.s32 @!p0 $0x1C03  }
0xba: {  	[timem:s3], [sflag:s2] =	dma.local @!p0 [hbm:s0], s1  }
0xbb: {  	s0 =	simm.s32 @!p0 $0x3  }
0xbc: {  	_ =	swait.ge @!p0 [sflag:s0], s1  }
0xbd: {  	s1 =	ssub.s32 @!p0 $0x0, s1;
	[sflag:s0] =	ssyncset.done @!p0 $0x0  }
0xbe: {  	[sflag:s0] =	ssyncadd.s32 @!p0 s1  }
0xbf: {  	[bflag:$0x3] =	sbarrier.arrive $0xFFFF  }
0xc0: {  	_ =	shalt  }

// kernel: kernel.14.cloned.1.call-start
scs
__scs_entry_jumppad:
0x0: {  	(pc) =	sbr.rel $0x88, $3  }
0x1: {  	(tag) =	ssettag $0x0;
	lr =	simm.s32 $0x1  }
0x2: {  	[smem:$0x3F96] =	sst lr;
	_ =	strace $0xD0000000  }
0x3: {  	_ = 	snop  }
0x4: {  	_ = 	snop  }
0x5: {  	_ = 	snop  }
0x6: {  	_ = 	snop  }
0x7: {  	_ = 	snop  }
__scs_overlays_trampoline_lowered:
0x8: {  	[smem:$0x3FA5] =	sst s0  }
0x9: {  	[smem:$0x3FA6] =	sst s1  }
0xa: {  	[smem:$0x3FA7] =	sst s2  }
0xb: {  	[smem:$0x3FA8] =	sst s3  }
0xc: {  	[smem:$0x3FA9] =	sst s4  }
0xd: {  	[smem:$0x3FAA] =	sst s5  }
0xe: {  	[smem:$0x3FAB] =	sst s6  }
0xf: {  	[smem:$0x3FAC] =	sst s7  }
0x10: {  	[smem:$0x3FAD] =	sst s8  }
0x11: {  	[smem:$0x3FAE] =	sst s9;
	s0 =	simm.s32 @!p0 $0x0  }
0x12: {  	s1 =	sld [smem:$0x3F94];
	s0 =	simm.s32 @p0 $0x1  }
0x13: {  	[smem:$0x3FAF] =	sst s0;
	s0 =	simm.s32 @!p1 $0x0  }
0x14: {  	s2 =	sld [smem:$0x3F93];
	s0 =	simm.s32 @p1 $0x1  }
0x15: {  	[smem:$0x3FB0] =	sst s0;
	s0 =	simm.s32 @!p2 $0x0  }
0x16: {  	s3 =	sld [smem:$0x3FDB];
	s0 =	simm.s32 @p2 $0x1  }
0x17: {  	s4 =	simm.s32 $0x1BF5;
	[smem:$0x3FB2] =	sst s0  }
0x18: {  	s0 =	sld [smem:$0x3F95];
	_ =	swait.ge [sflag:s4], $0x0  }
0x19: {  	s7 =	sld [smem:$0x3F96]  }
0x1a: {  	s8 =	sadd.s32 $0xFFFFE003, lr  }
0x1b: {  	s9 =	sadd.s32 $0xFFFFFEF7, lr;
	s5 =	simm.s32 $0xFFFFFFFF;
	p2 =	slt.u32 s8, $0xFFFFF086  }
0x1c: {  	p1 =	slt.u32 s9, $0xF7A;
	s5 =	simm.s32 @!p2 $0x0  }
0x1d: {  	s5 =	simm.s32 @p1 $0x1;
	p0 =	seq.s32 s7, s2  }
0x1e: {  	s7 =	smul.u32 @!p0 $0xF7A, s2;
	p2 =	seq.s32 @!p0 s5, $0x0  }
0x1f: {  	s9 =	smul.u32 $0xF7A, s1;
	s8 =	simm.s32 @!p0 $0x1BF5;
	p2 =	por !p2, p0  }
0x20: {  	[sflag:s8] =	ssyncset.s32 @!p0 $0xFFFFF086;
	s6 =	sadd.s32 @!p0 s3, s7;
	s7 =	simm.s32 @!p0 $0x108  }
0x21: {  	s3 =	sadd.s32 s3, s9;
	s6 =	sadd.s32 @!p0 $0x88, s6;
	s7 =	simm.s32 @p2 $0x1082  }
0x22: {  	[simem:s7], [sflag:s8] =	dma.local @!p0 [hbm:s6], $0xF7A  }
0x23: {  	s9 =	sor.u32 $0xD0000000, s2;
	s6 =	simm.s32 $0x108;
	_ =	swait.ge @!p0 [sflag:s8], $0x0  }
0x24: {  	s3 =	sadd.s32 $0x88, s3;
	s6 =	simm.s32 @!p1 $0x1082;
	[sflag:s4] =	ssyncset.s32 $0xFFFFF086  }
0x25: {  	[simem:s6], [sflag:s4] =	dma.local [hbm:s3], $0xF7A  }
0x26: {  	[smem:$0x3F96] =	sst s1;
	(tag) =	ssettag s2;
	_ =	strace s9  }
0x27: {  	s1 =	sld [smem:$0x3FA6]  }
0x28: {  	s2 =	sld [smem:$0x3FA7]  }
0x29: {  	s4 =	sld [smem:$0x3FA9]  }
0x2a: {  	p0 =	seq.s32 s5, $0x0;
	s5 =	sld [smem:$0x3FAA]  }
0x2b: {  	s6 =	sld [smem:$0x3FAB]  }
0x2c: {  	s7 =	sld [smem:$0x3FAC]  }
0x2d: {  	s3 =	simm.s32 $0x108;
	s8 =	sld [smem:$0x3FAD]  }
0x2e: {  	s3 =	simm.s32 @!p0 $0x1082;
	s9 =	sld [smem:$0x3FAE]  }
0x2f: {  	lr =	sadd.s32 s0, s3;
	s0 =	sld [smem:$0x3FA5]  }
0x30: {  	s3 =	sld [smem:$0x3FA8]  }
0x31: {  	[smem:$0x3FB1] =	sst s10  }
0x32: {  	s10 =	sld [smem:$0x3FAF];
	_ =	sdelay $0x3  }
0x33: {  	p0 =	seq.s32 s10, $0x1;
	s10 =	sld [smem:$0x3FB1];
	_ =	sdelay $0x3  }
0x34: {  	[smem:$0x3FB1] =	sst s10  }
0x35: {  	s10 =	sld [smem:$0x3FB0];
	_ =	sdelay $0x3  }
0x36: {  	p1 =	seq.s32 s10, $0x1;
	s10 =	sld [smem:$0x3FB1];
	_ =	sdelay $0x3  }
0x37: {  	[smem:$0x3FB1] =	sst s10  }
0x38: {  	s10 =	sld [smem:$0x3FB2]  }
0x39: {  	_ = 	snop;
	(pc) =	sbr.ind lr, $3  }
0x3a: {  	_ = 	snop  }
0x3b: {  	_ = 	snop  }
0x3c: {  	p2 =	seq.s32 s10, $0x1;
	s10 =	sld [smem:$0x3FB1]  }
0x3d: {  	_ =	shalt  }
0x3e: {  	_ =	shalt  }
0x3f: {  	_ =	shalt  }
0x40: {  	_ =	shalt  }
0x41: {  	_ =	shalt  }
0x42: {  	_ =	shalt  }
0x43: {  	_ =	shalt  }
0x44: {  	_ =	shalt  }
0x45: {  	_ =	shalt  }
0x46: {  	_ =	shalt  }
0x47: {  	_ =	shalt  }
0x48: {  	_ =	shalt  }
0x49: {  	_ =	shalt  }
0x4a: {  	_ =	shalt  }
0x4b: {  	_ =	shalt  }
0x4c: {  	_ =	shalt  }
0x4d: {  	_ =	shalt  }
0x4e: {  	_ =	shalt  }
0x4f: {  	_ =	shalt  }
0x50: {  	_ =	shalt  }
0x51: {  	_ =	shalt  }
0x52: {  	_ =	shalt  }
0x53: {  	_ =	shalt  }
0x54: {  	_ =	shalt  }
0x55: {  	_ =	shalt  }
0x56: {  	_ =	shalt  }
0x57: {  	_ =	shalt  }
0x58: {  	_ =	shalt  }
0x59: {  	_ =	shalt  }
0x5a: {  	_ =	shalt  }
0x5b: {  	_ =	shalt  }
0x5c: {  	_ =	shalt  }
0x5d: {  	_ =	shalt  }
0x5e: {  	_ =	shalt  }
0x5f: {  	_ =	shalt  }
0x60: {  	_ =	shalt  }
0x61: {  	_ =	shalt  }
0x62: {  	_ =	shalt  }
0x63: {  	_ =	shalt  }
0x64: {  	_ =	shalt  }
0x65: {  	_ =	shalt  }
0x66: {  	_ =	shalt  }
0x67: {  	_ =	shalt  }
0x68: {  	_ =	shalt  }
0x69: {  	_ =	shalt  }
0x6a: {  	_ =	shalt  }
0x6b: {  	_ =	shalt  }
0x6c: {  	_ =	shalt  }
0x6d: {  	_ =	shalt  }
0x6e: {  	_ =	shalt  }
0x6f: {  	_ =	shalt  }
0x70: {  	_ =	shalt  }
0x71: {  	_ =	shalt  }
0x72: {  	_ =	shalt  }
0x73: {  	_ =	shalt  }
0x74: {  	_ =	shalt  }
0x75: {  	_ =	shalt  }
0x76: {  	_ =	shalt  }
0x77: {  	_ =	shalt  }
0x78: {  	_ =	shalt  }
0x79: {  	_ =	shalt  }
0x7a: {  	_ =	shalt  }
0x7b: {  	_ =	shalt  }
0x7c: {  	_ =	shalt  }
0x7d: {  	_ =	shalt  }
0x7e: {  	_ =	shalt  }
0x7f: {  	_ =	shalt  }
0x80: {  	_ =	shalt  }
0x81: {  	_ =	shalt  }
0x82: {  	_ =	shalt  }
0x83: {  	_ =	shalt  }
0x84: {  	_ =	shalt  }
0x85: {  	_ =	shalt  }
0x86: {  	_ =	shalt  }
0x87: {  	_ =	shalt  }
.Lfunc_end0:
.L_simem_size_0:
called_computation.2_lowered:
.L_overlay_start_0:
0x88: {  	s2 =	sld [smem:$0x3FD9]  }
0x89: {  	s3 =	sld [smem:$0x3FFE];
	_ =	sdelay $0x1  }
0x8a: {  	s1 =	srdreg.scid  }
0x8b: {  	s0 =	sand.u32 $0x1, s1  }
0x8c: {  	s17 =	sshll.u32 s0, $0xA;
	s2 =	sadd.s32 s3, s2  }
0x8d: {  	s2 =	sadd.s32 s2, s17  }
0x8e: {  	[smem:$0x3FBD] =	sst s2  }
0x8f: {  	_ = 	snop  }
0x90: {  	s2 =	sld [smem:$0x3FC8];
	(tm) =	ssettm $0x1  }
0x91: {  	s18 =	sld [smem:$0x3FFB];
	_ =	sdelay $0x3  }
0x92: {  	_ =	strace s18  }
0x93: {  	s3 =	sld [smem:$0x3FFC];
	_ =	sdelay $0x3  }
0x94: {  	_ =	strace s3  }
0x95: {  	s3 =	sld [smem:$0x3FFD];
	_ =	sdelay $0x3  }
0x96: {  	_ =	strace s3  }
0x97: {  	_ =	strace $0x8FFFFFFF  }
0x98: {  	s19 =	sld [smem:$0x3FDB];
	_ =	sdelay $0x1  }
0x99: {  	s4 =	simm.s32 $_scs_section_size  }
0x9a: {  	s5 =	simm.s32 $_size__tile_overlayer_lowered;
	s6 =	simm.s32 $_tile_overlayer_lowered  }
0x9b: {  	s22 =	simm.s32 $0x1BFF;
	s21 =	sshll.u32 s6, $0x1;
	s3 =	sadd.s32 s4, s19  }
0x9c: {  	s7 =	simm.s32 $0x0;
	s20 =	sshll.u32 s5, $0x1;
	s5 =	sadd.s32 s21, s3  }
0x9d: {  	[timem:s7], [sflag:s22] =	dma.local [hbm:s5], s20  }
0x9e: {  	_ =	swait.ge [sflag:s22], s20  }
0x9f: {  	s4 =	ssub.s32 $0x0, s20;
	[sflag:s22] =	ssyncset.done $0x0  }
0xa0: {  	[sflag:s22] =	ssyncadd.s32 s4;
	_ =	sdelay $0x1  }
0xa1: {  	s23 =	simm.s32 $0x1B8B  }
0xa2: {  	_ =	swait.ge [sflag:s23], $0x1  }
0xa3: {  	[sflag:s23] =	ssyncset.done $0x0  }
0xa4: {  	s25 =	simm.s32 $0x1B8E;
	s24 =	sld [smem:$0x3FFE];
	[sflag:s23] =	ssyncadd.s32 $0xFFFFFFFF  }
0xa5: {  	s26 =	simm.s32 $execute0_lowered;
	[smem:$0x3FD2] =	sst s25  }
0xa6: {  	s5 =	sshll.u32 s26, $0x1;
	_ =	strace $0x8000004C;
	[dreg:$0x1] =	wrdreg $0xFFFFFFFF  }
0xa7: {  	s28 =	simm.s32 $_size_execute0_lowered;
	s3 =	sadd.s32 s3, s5;
	[dreg:$0x0] =	wrdreg $0x0  }
0xa8: {  	s5 =	sshll.u32 s28, $0x1;
	[dreg:$0x2] =	wrdreg s3  }
0xa9: {  	[dreg:$0x3] =	wrdreg s5  }
0xaa: {  	[dreg:$0x4] =	wrdreg $0xC0  }
0xab: {  	_ =	task [dreg:s7], $0x5FFFF  }
0xac: {  	[dreg:$0x1] =	wrdreg $0xFFFFFFFF  }
0xad: {  	[dreg:$0x0] =	wrdreg $0x60  }
0xae: {  	[dreg:$0x2] =	wrdreg s24  }
0xaf: {  	[dreg:$0x3] =	wrdreg s2  }
0xb0: {  	[dreg:$0x4] =	wrdreg $0x41800  }
0xb1: {  	[dreg:$0x5] =	wrdreg $0x9  }
0xb2: {  	_ =	task.clear_ibuf [dreg:s7], $0x6FFFF;
	_ =	strace $0x9000004C  }
0xb3: {  	s29 =	simm.s32 $0x9;
	_ =	strace $0x8000004E  }
0xb4: {  	_ =	swait.ge [sflag:s29], $0x1  }
0xb5: {  	[sflag:s29] =	ssyncadd.s32 $0xFFFFFFFF  }
0xb6: {  	_ =	strace $0x9000004E  }
0xb7: {  	_ =	sfence  }
0xb8: {  	s30 =	sld [smem:$0x0];
	_ =	sdelay $0x2  }
0xb9: {  	s31 =	sshll.u32 s1, $0xD;
	s1 =	sshrl.u32 s1, $0x2  }
0xba: {  	s3 =	sand.u32 $0x4000, s31;
	s1 =	sadd.s32 s1, s30  }
0xbb: {  	s0 =	sor.u32 s3, s0;
	s1 =	sshll.u32 s1, $0x11  }
0xbc: {  	s0 =	sor.u32 s1, s0  }
0xbd: {  	s0 =	sadd.s32 $0x8F2B, s0  }
0xbe: {  	[sflag:s0] =	ssyncadd.remote.s32 $0x1  }
0xbf: {  	_ =	sfence.sel $0xFFFF  }
0xc0: {  	[dreg:$0x0] =	wrdreg $0xFFFFFFFF;
	(pc) =	sbr.abs _section_cstart, $3  }
0xc1: {  	[dreg:$0x1] =	wrdreg $0xFFFFFFFF  }
0xc2: {  	_ =	task.clear_ibuf [dreg:s7], $0x2FFFF;
	_ =	strace $0x9FFFFFFF  }
0xc3: {  	(tm) =	ssettm $0x7FFFFFFF  }
tec
execute0_lowered:
.L_overlay_start_1:
0x0: {  	(tag) =	ssettag $0x1  }
0x1: {  	s5 =	rddreg [dreg:$0x0]  }
0x2: {  	s0 =	srdreg.scid;
	s9 =	rddreg [dreg:$0x1]  }
0x3: {  	s2 =	rddreg [dreg:$0x2];
	s1 =	stileid.u32;
	s3 =	simm.s32 $0x0  }
0x4: {  	s18 =	simm.s32 $0x180;
	s19 =	simm.s32 $0x3;
	s20 =	simm.s32 $0x2  }
0x5: {  	s21 =	simm.s32 $0x80;
	s22 =	simm.s32 $0x100;
	s23 =	simm.s32 $0x1  }
0x6: {  	s4 =	sand.u32 $0x1, s0;
	s0 =	rddreg [dreg:$0x3];
	s8 =	smul.u32 $0x14000, s1  }
0x7: {  	s24 =	simm.s32 $0x0;
	[smem:$0x7FF] =	sst s3;
	s10 =	smul.u32 $0x50000, s1  }
0x8: {  	s31 =	sshll.u32 s1, $0x5;
	p0 =	sgt.u32 s1, $0x3;
	s6 =	smul.u32 $0x28000, s4  }
0x9: {  	s7 =	smul.u32 $0x140000, s4;
	_ =	strace $0x8000004D;
	s28 =	ssub.s32 $0x2, s4  }
0xa: {  	s9 =	sadd.s32 s9, s31;
	s29 =	sshrl.u32 s10, $0x2;
	s30 =	sshrl.u32 s28, $0x1  }
0xb: {  	s12 =	sadd.s32 $0x13810, s9;
	s15 =	sadd.s32 $0x13410, s9;
	s16 =	sadd.s32 $0x13600, s9  }
0xc: {  	s17 =	sadd.s32 $0x13610, s9;
	s11 =	sadd.s32 s6, s5;
	s26 =	sadd.s32 s8, s7  }
0xd: {  	s4 =	sadd.s32 s29, s2;
	s14 =	ssub.s32 s28, s30;
	s6 =	sshrl.u32 s26, $0x3  }
0xe: {  	s7 =	sadd.s32 $0xC000, s4;
	s8 =	sadd.s32 $0x10000, s4;
	s10 =	sadd.s32 $0x53E00, s11  }
0xf: {  	s11 =	sadd.s32 $0x13800, s9;
	s14 =	smax.u32 s14, $0x1;
	s13 =	sadd.s32 s6, s5  }
0x10: {  	v0 =	vimm.f32 $0.0e+00;
	s5 =	sadd.s32 $0x4000, s4;
	s6 =	sadd.s32 $0x8000, s4;
	s13 =	sadd.s32 $0xA3E00, s13  }
.LBB2_1:
0x11: {  	s25 =	sand.u32 $0xFE00, s3  }
0x12: {  	s26 =	sand.u32 $0x70, s3;
	s28 =	sshrl.u32 s25, $0x2  }
0x13: {  	s25 =	simm.s32 $0x40;
	s28 =	sor.u32 s26, s28;
	s26 =	simm.s32 $0x0  }
.LBB2_2:
0x14: {  	p1 =	sne.s32 s25, $0xFFC0  }
0x15: {  	[tilespmem:s28+$0x180] =	vst v0;
	s26 =	sadd.s32 $0x10, s26;
	s28 =	smov.u32 s25;
	s25 =	sadd.s32 $0x40, s25  }
.Ltmp0:
0x16: {  	(pc) =	sbr.rel @p1 .LBB2_2-.Ltmp0, $4  }
0x17: {  	_ = 	snop  }
0x18: {  	s28 =	sand.u32 $0xFE00, s28  }
0x19: {  	s29 =	sand.u32 $0x70, s26;
	s28 =	sshrl.u32 s28, $0x2  }
0x1a: {  	s28 =	sor.u32 s29, s28  }
0x1b: {  	[tilespmem:s28+$0x180] =	vst v0  }
0x1c: {  	[spmem:s4] =	stream.linear.scatter [tilespmem:s18], [sflag:$0x3], $0x4000, $0x38;
	[tilespmem:$0x18180] =	vst v63  }
0x1d: {  	_ =	swait.ge [sflag:s19], $0x4000  }
0x1e: {  	[sflag:s19] =	ssyncset.done $0x0  }
0x1f: {  	[sflag:s19] =	ssyncadd.s32 $0xFFFFC000  }
0x20: {  	[spmem:s5] =	stream.linear.scatter [tilespmem:s18], [sflag:$0x3], $0x4000, $0x38;
	[tilespmem:$0x18180] =	vst v63  }
0x21: {  	_ =	swait.ge [sflag:s19], $0x4000  }
0x22: {  	[sflag:s19] =	ssyncset.done $0x0  }
0x23: {  	[sflag:s19] =	ssyncadd.s32 $0xFFFFC000  }
0x24: {  	[spmem:s6] =	stream.linear.scatter [tilespmem:s18], [sflag:$0x3], $0x4000, $0x38;
	[tilespmem:$0x18180] =	vst v63  }
0x25: {  	_ =	swait.ge [sflag:s19], $0x4000  }
0x26: {  	[sflag:s19] =	ssyncset.done $0x0  }
0x27: {  	[sflag:s19] =	ssyncadd.s32 $0xFFFFC000  }
0x28: {  	[spmem:s7] =	stream.linear.scatter [tilespmem:s18], [sflag:$0x3], $0x4000, $0x38;
	[tilespmem:$0x18180] =	vst v63  }
0x29: {  	_ =	swait.ge [sflag:s19], $0x4000  }
0x2a: {  	[sflag:s19] =	ssyncset.done $0x0  }
0x2b: {  	[sflag:s19] =	ssyncadd.s32 $0xFFFFC000  }
0x2c: {  	[spmem:s8] =	stream.linear.scatter [tilespmem:s18], [sflag:$0x3], $0x4000, $0x38;
	[tilespmem:$0x18180] =	vst v63  }
0x2d: {  	_ =	swait.ge [sflag:s19], $0x4000  }
0x2e: {  	[sflag:s19] =	ssyncset.done $0x0  }
0x2f: {  	[sflag:s19] =	ssyncadd.s32 $0xFFFFC000  }
0x30: {  	[bflag:$0x0] =	sbarrier.arrive $0xFFFF  }
0x31: {  	[tilespmem:s3], [sflag:$0x2] =	stream.linear.gather [hbm4b:s9+s3], $0x80, $0x38;
	[tilespmem:$0x18180] =	vst v63  }
0x32: {  	_ =	swait.ge [sflag:s20], $0x80  }
0x33: {  	[sflag:s20] =	ssyncset.done $0x0  }
0x34: {  	s25 =	sadd.s32 $0xFFFECC00, s9;
	[sflag:s20] =	ssyncadd.s32 $0xFFFFFF80  }
0x35: {  	[tilespmem:s18], [sflag:$0x1] =	stream.indirect.gather [hbm4b:s10+s21], $0x80, s3, s21, $0xb8;
	[tilespmem:$0x18180] =	vst v63  }
0x36: {  	s26 =	sadd.s32 $0x13410, s25  }
0x37: {  	[tilespmem:s22], [sflag:$0x3] =	stream.linear.gather [hbm4b:s26+s3], $0x80, $0x38;
	[tilespmem:$0x18180] =	vst v63  }
0x38: {  	_ =	swait.ge [sflag:s19], $0x80  }
0x39: {  	[sflag:s19] =	ssyncset.done $0x0  }
0x3a: {  	s30 =	sadd.s32 $0x13600, s25;
	[sflag:s19] =	ssyncadd.s32 $0xFFFFFF80  }
0x3b: {  	[tilespmem:s21], [sflag:$0x2] =	stream.linear.gather [hbm4b:s30+s3], $0x80, $0x38;
	[tilespmem:$0x18180] =	vst v63  }
0x3c: {  	_ =	swait.ge [sflag:s23], $0x4000  }
0x3d: {  	[sflag:s23] =	ssyncset.done $0x0  }
0x3e: {  	[sflag:s23] =	ssyncadd.s32 $0xFFFFC000  }
0x3f: {  	[spmem:s2] =	stream.indirect.scatter.add.f32 [tilespmem:s18], [sflag:$0x3], $0x80, s22, s21, $0xb8;
	[tilespmem:$0x18180] =	vst v63  }
0x40: {  	_ =	swait.ge [sflag:s19], $0x4000  }
0x41: {  	[sflag:s19] =	ssyncset.done $0x0  }
0x42: {  	[sflag:s19] =	ssyncadd.s32 $0xFFFFC000  }
0x43: {  	_ =	swait.ge [sflag:s20], $0x80  }
0x44: {  	[sflag:s20] =	ssyncset.done $0x0  }
0x45: {  	[sflag:s20] =	ssyncadd.s32 $0xFFFFFF80  }
0x46: {  	[tilespmem:s18], [sflag:$0x1] =	stream.indirect.gather [hbm4b:s10+s21], $0x80, s21, s21, $0xb8;
	[tilespmem:$0x18180] =	vst v63  }
0x47: {  	s31 =	sadd.s32 $0x13610, s25  }
0x48: {  	[tilespmem:s22], [sflag:$0x3] =	stream.linear.gather [hbm4b:s31+s3], $0x80, $0x38;
	[tilespmem:$0x18180] =	vst v63  }
0x49: {  	_ =	swait.ge [sflag:s19], $0x80  }
0x4a: {  	[sflag:s19] =	ssyncset.done $0x0  }
0x4b: {  	s25 =	sadd.s32 $0x13800, s25;
	[sflag:s19] =	ssyncadd.s32 $0xFFFFFF80  }
0x4c: {  	[tilespmem:s3], [sflag:$0x2] =	stream.linear.gather [hbm4b:s25+s3], $0x80, $0x38;
	[tilespmem:$0x18180] =	vst v63  }
0x4d: {  	_ =	swait.ge [sflag:s23], $0x4000  }
0x4e: {  	[sflag:s23] =	ssyncset.done $0x0  }
0x4f: {  	[sflag:s23] =	ssyncadd.s32 $0xFFFFC000  }
0x50: {  	[spmem:s2] =	stream.indirect.scatter.add.f32 [tilespmem:s18], [sflag:$0x3], $0x80, s22, s21, $0xb8;
	[tilespmem:$0x18180] =	vst v63  }
0x51: {  	_ =	swait.ge [sflag:s19], $0x4000  }
0x52: {  	s25 =	simm.s32 $0xFFFED000;
	[sflag:s19] =	ssyncset.done $0x0  }
.LBB2_4:
0x53: {  	p1 =	sne.s32 s25, $0xFFFFFC00  }
0x54: {  	[sflag:s19] =	ssyncadd.s32 $0xFFFFC000;
	s26 =	smov.u32 s25;
	s25 =	sadd.s32 $0x400, s25  }
0x55: {  	_ =	swait.ge [sflag:s20], $0x80  }
0x56: {  	[sflag:s20] =	ssyncset.done $0x0  }
0x57: {  	s26 =	sadd.s32 s26, s9;
	[sflag:s20] =	ssyncadd.s32 $0xFFFFFF80  }
0x58: {  	[tilespmem:s18], [sflag:$0x1] =	stream.indirect.gather [hbm4b:s10+s21], $0x80, s3, s21, $0xb8;
	[tilespmem:$0x18180] =	vst v63  }
0x59: {  	s28 =	sadd.s32 $0x13410, s26  }
0x5a: {  	[tilespmem:s22], [sflag:$0x3] =	stream.linear.gather [hbm4b:s28+s3], $0x80, $0x38;
	[tilespmem:$0x18180] =	vst v63  }
0x5b: {  	_ =	swait.ge [sflag:s19], $0x80  }
0x5c: {  	[sflag:s19] =	ssyncset.done $0x0  }
0x5d: {  	s28 =	sadd.s32 $0x13600, s26;
	[sflag:s19] =	ssyncadd.s32 $0xFFFFFF80  }
0x5e: {  	[tilespmem:s21], [sflag:$0x2] =	stream.linear.gather [hbm4b:s28+s3], $0x80, $0x38;
	[tilespmem:$0x18180] =	vst v63  }
0x5f: {  	_ =	swait.ge [sflag:s23], $0x4000  }
0x60: {  	[sflag:s23] =	ssyncset.done $0x0  }
0x61: {  	[sflag:s23] =	ssyncadd.s32 $0xFFFFC000  }
0x62: {  	[spmem:s2] =	stream.indirect.scatter.add.f32 [tilespmem:s18], [sflag:$0x3], $0x80, s22, s21, $0xb8;
	[tilespmem:$0x18180] =	vst v63  }
0x63: {  	_ =	swait.ge [sflag:s19], $0x4000  }
0x64: {  	[sflag:s19] =	ssyncset.done $0x0  }
0x65: {  	[sflag:s19] =	ssyncadd.s32 $0xFFFFC000  }
0x66: {  	_ =	swait.ge [sflag:s20], $0x80  }
0x67: {  	[sflag:s20] =	ssyncset.done $0x0  }
0x68: {  	[sflag:s20] =	ssyncadd.s32 $0xFFFFFF80  }
0x69: {  	[tilespmem:s18], [sflag:$0x1] =	stream.indirect.gather [hbm4b:s10+s21], $0x80, s21, s21, $0xb8;
	[tilespmem:$0x18180] =	vst v63  }
0x6a: {  	s28 =	sadd.s32 $0x13610, s26  }
0x6b: {  	[tilespmem:s22], [sflag:$0x3] =	stream.linear.gather [hbm4b:s28+s3], $0x80, $0x38;
	[tilespmem:$0x18180] =	vst v63  }
0x6c: {  	_ =	swait.ge [sflag:s19], $0x80  }
0x6d: {  	[sflag:s19] =	ssyncset.done $0x0  }
0x6e: {  	s26 =	sadd.s32 $0x13800, s26;
	[sflag:s19] =	ssyncadd.s32 $0xFFFFFF80  }
0x6f: {  	[tilespmem:s3], [sflag:$0x2] =	stream.linear.gather [hbm4b:s26+s3], $0x80, $0x38;
	[tilespmem:$0x18180] =	vst v63  }
0x70: {  	_ =	swait.ge [sflag:s23], $0x4000  }
.Ltmp1:
0x71: {  	[sflag:s23] =	ssyncset.done $0x0;
	(pc) =	sbr.rel @p1 .LBB2_4-.Ltmp1, $4  }
0x72: {  	[sflag:s23] =	ssyncadd.s32 $0xFFFFC000  }
0x73: {  	[spmem:s2] =	stream.indirect.scatter.add.f32 [tilespmem:s18], [sflag:$0x3], $0x80, s22, s21, $0xb8;
	[tilespmem:$0x18180] =	vst v63  }
0x74: {  	_ =	swait.ge [sflag:s19], $0x4000  }
0x75: {  	[sflag:s19] =	ssyncset.done $0x0  }
0x76: {  	[sflag:s19] =	ssyncadd.s32 $0xFFFFC000  }
0x77: {  	_ =	swait.ge [sflag:s20], $0x80  }
0x78: {  	[sflag:s20] =	ssyncset.done $0x0  }
0x79: {  	[sflag:s20] =	ssyncadd.s32 $0xFFFFFF80  }
0x7a: {  	[tilespmem:s18], [sflag:$0x1] =	stream.indirect.gather [hbm4b:s10+s21], $0x80, s3, s21, $0xb8;
	[tilespmem:$0x18180] =	vst v63  }
0x7b: {  	_ = 	snop  }
0x7c: {  	[tilespmem:s22], [sflag:$0x3] =	stream.linear.gather [hbm4b:s15+s3], $0x80, $0x38;
	[tilespmem:$0x18180] =	vst v63  }
0x7d: {  	_ =	swait.ge [sflag:s19], $0x80  }
0x7e: {  	[sflag:s19] =	ssyncset.done $0x0  }
0x7f: {  	[sflag:s19] =	ssyncadd.s32 $0xFFFFFF80  }
0x80: {  	[tilespmem:s21], [sflag:$0x2] =	stream.linear.gather [hbm4b:s16+s3], $0x80, $0x38;
	[tilespmem:$0x18180] =	vst v63  }
0x81: {  	_ =	swait.ge [sflag:s23], $0x4000  }
0x82: {  	[sflag:s23] =	ssyncset.done $0x0  }
0x83: {  	[sflag:s23] =	ssyncadd.s32 $0xFFFFC000  }
0x84: {  	[spmem:s2] =	stream.indirect.scatter.add.f32 [tilespmem:s18], [sflag:$0x3], $0x80, s22, s21, $0xb8;
	[tilespmem:$0x18180] =	vst v63  }
0x85: {  	_ =	swait.ge [sflag:s19], $0x4000  }
0x86: {  	[sflag:s19] =	ssyncset.done $0x0  }
0x87: {  	[sflag:s19] =	ssyncadd.s32 $0xFFFFC000  }
0x88: {  	_ =	swait.ge [sflag:s20], $0x80  }
0x89: {  	[sflag:s20] =	ssyncset.done $0x0  }
0x8a: {  	[sflag:s20] =	ssyncadd.s32 $0xFFFFFF80  }
0x8b: {  	[tilespmem:s18], [sflag:$0x1] =	stream.indirect.gather [hbm4b:s10+s21], $0x80, s21, s21, $0xb8;
	[tilespmem:$0x18180] =	vst v63  }
0x8c: {  	_ = 	snop  }
0x8d: {  	[tilespmem:s22], [sflag:$0x3] =	stream.linear.gather [hbm4b:s17+s3], $0x80, $0x38;
	[tilespmem:$0x18180] =	vst v63  }
0x8e: {  	_ =	swait.ge [sflag:s19], $0x80  }
0x8f: {  	[sflag:s19] =	ssyncset.done $0x0  }
0x90: {  	[sflag:s19] =	ssyncadd.s32 $0xFFFFFF80  }
0x91: {  	_ =	swait.ge [sflag:s23], $0x4000  }
0x92: {  	[sflag:s23] =	ssyncset.done $0x0  }
0x93: {  	[sflag:s23] =	ssyncadd.s32 $0xFFFFC000  }
0x94: {  	[spmem:s2] =	stream.indirect.scatter.add.f32 [tilespmem:s18], [sflag:$0x3], $0x80, s22, s21, $0xb8;
	[tilespmem:$0x18180] =	vst v63  }
0x95: {  	_ =	swait.ge [sflag:s19], $0x4000  }
0x96: {  	[sflag:s19] =	ssyncset.done $0x0  }
0x97: {  	s25 =	simm.s32 @!p0 $0x0;
	s26 =	simm.s32 @!p0 $0x3;
	[sflag:s19] =	ssyncadd.s32 $0xFFFFC000  }
0x98: {  	[tilespmem:s25], [sflag:$0x3] =	stream.linear.gather @!p0 [hbm4b:s11+s25], $0x80, $0x38;
	[tilespmem:$0x18180] =	vst v63  }
0x99: {  	_ =	swait.ge @!p0 [sflag:s26], $0x80  }
0x9a: {  	[sflag:s26] =	ssyncset.done @!p0 $0x0  }
0x9b: {  	s28 =	simm.s32 @!p0 $0x80;
	s29 =	simm.s32 @!p0 $0x180;
	[sflag:s26] =	ssyncadd.s32 @!p0 $0xFFFFFF80  }
0x9c: {  	[tilespmem:s29], [sflag:$0x1] =	stream.indirect.gather @!p0 [hbm4b:s10+s28], $0x80, s25, s28, $0xb8;
	[tilespmem:$0x18180] =	vst v63  }
0x9d: {  	s30 =	simm.s32 @!p0 $0x100  }
0x9e: {  	[tilespmem:s30], [sflag:$0x3] =	stream.linear.gather @!p0 [hbm4b:s12+s25], $0x80, $0x38;
	[tilespmem:$0x18180] =	vst v63  }
0x9f: {  	_ =	swait.ge @!p0 [sflag:s26], $0x80  }
0xa0: {  	[sflag:s26] =	ssyncset.done @!p0 $0x0  }
0xa1: {  	s25 =	simm.s32 @!p0 $0x1;
	[sflag:s26] =	ssyncadd.s32 @!p0 $0xFFFFFF80  }
0xa2: {  	_ =	swait.ge @!p0 [sflag:s25], $0x4000  }
0xa3: {  	[sflag:s25] =	ssyncset.done @!p0 $0x0  }
0xa4: {  	[sflag:s25] =	ssyncadd.s32 @!p0 $0xFFFFC000  }
0xa5: {  	[spmem:s2] =	stream.indirect.scatter.add.f32 @!p0 [tilespmem:s29], [sflag:$0x3], $0x80, s30, s28, $0xb8;
	[tilespmem:$0x18180] =	vst v63  }
0xa6: {  	_ =	swait.ge @!p0 [sflag:s26], $0x4000  }
0xa7: {  	s31 =	sshrl.u32 s4, $0x3;
	s24 =	sadd.s32 $0x1, s24;
	[sflag:s26] =	ssyncset.done @!p0 $0x0  }
0xa8: {  	p1 =	sne.s32 s24, s14;
	s30 =	sshll.u32 s1, $0x6;
	[sflag:s26] =	ssyncadd.s32 @!p0 $0xFFFFC000  }
.Ltmp2:
0xa9: {  	s25 =	sor.u32 $0x1C03, s30;
	[bflag:$0x0] =	sbarrier.arrive $0xFFFF;
	(pc) =	sbr.rel @p1 .LBB2_1-.Ltmp2, $4  }
0xaa: {  	[hbm:s13], [sflag:s25] =	dma.local [spmem:s31], $0x2800  }
0xab: {  	_ =	swait.ge [sflag:s19], $0x2800  }
0xac: {  	[sflag:s19] =	ssyncset.done $0x0  }
0xad: {  	[sflag:s19] =	ssyncadd.s32 $0xFFFFD800  }
0xae: {  	_ =	sfence.sel $0x180000  }
0xaf: {  	[bflag:$0x0] =	sbarrier.arrive $0xFFFF  }
0xb0: {  	p0 =	sne.s32 s1, $0x0;
	_ =	strace $0x9000004D  }
0xb1: {  	s0 =	sadd.s32 @!p0 $0x100000, s0;
	[bflag:$0x2] =	sbarrier.arrive $0xFFFF  }
0xb2: {  	[sflag:s0] =	ssyncadd.tile.s32 @!p0 $0x1;
	_ =	shalt  }
.Lfunc_end2:
_tile_overlayer_lowered:
.L_overlay_start_2:
0xb3: {  	(tag) =	ssettag $0x2  }
0xb4: {  	s0 =	rddreg [dreg:$0x0];
	s2 =	stileid.u32  }
0xb5: {  	s1 =	rddreg [dreg:$0x1];
	p0 =	sne.s32 s2, $0x0  }
0xb6: {  	s3 =	rddreg [dreg:$0x2];
	[bflag:$0x3] =	sbarrier.arrive $0xFFFF;
	s2 =	simm.s32 @!p0 $0x1C03  }
0xb7: {  	[timem:s3], [sflag:s2] =	dma.local @!p0 [hbm:s0], s1  }
0xb8: {  	s0 =	simm.s32 @!p0 $0x3  }
0xb9: {  	_ =	swait.ge @!p0 [sflag:s0], s1  }
0xba: {  	s1 =	ssub.s32 @!p0 $0x0, s1;
	[sflag:s0] =	ssyncset.done @!p0 $0x0  }
0xbb: {  	[sflag:s0] =	ssyncadd.s32 @!p0 s1  }
0xbc: {  	[bflag:$0x3] =	sbarrier.arrive $0xFFFF  }
0xbd: {  	_ =	shalt  }

// kernel: kernel.8.cloned.1.call-start
scs
__scs_entry_jumppad:
0x0: {  	(pc) =	sbr.rel $0x88, $3  }
0x1: {  	(tag) =	ssettag $0x0;
	lr =	simm.s32 $0x1  }
0x2: {  	[smem:$0x3F96] =	sst lr;
	_ =	strace $0xD0000000  }
0x3: {  	_ = 	snop  }
0x4: {  	_ = 	snop  }
0x5: {  	_ = 	snop  }
0x6: {  	_ = 	snop  }
0x7: {  	_ = 	snop  }
__scs_overlays_trampoline_lowered:
0x8: {  	[smem:$0x3FA5] =	sst s0  }
0x9: {  	[smem:$0x3FA6] =	sst s1  }
0xa: {  	[smem:$0x3FA7] =	sst s2  }
0xb: {  	[smem:$0x3FA8] =	sst s3  }
0xc: {  	[smem:$0x3FA9] =	sst s4  }
0xd: {  	[smem:$0x3FAA] =	sst s5  }
0xe: {  	[smem:$0x3FAB] =	sst s6  }
0xf: {  	[smem:$0x3FAC] =	sst s7  }
0x10: {  	[smem:$0x3FAD] =	sst s8  }
0x11: {  	[smem:$0x3FAE] =	sst s9;
	s0 =	simm.s32 @!p0 $0x0  }
0x12: {  	s1 =	sld [smem:$0x3F94];
	s0 =	simm.s32 @p0 $0x1  }
0x13: {  	[smem:$0x3FAF] =	sst s0;
	s0 =	simm.s32 @!p1 $0x0  }
0x14: {  	s2 =	sld [smem:$0x3F93];
	s0 =	simm.s32 @p1 $0x1  }
0x15: {  	[smem:$0x3FB0] =	sst s0;
	s0 =	simm.s32 @!p2 $0x0  }
0x16: {  	s3 =	sld [smem:$0x3FDB];
	s0 =	simm.s32 @p2 $0x1  }
0x17: {  	s4 =	simm.s32 $0x1BF5;
	[smem:$0x3FB2] =	sst s0  }
0x18: {  	s0 =	sld [smem:$0x3F95];
	_ =	swait.ge [sflag:s4], $0x0  }
0x19: {  	s7 =	sld [smem:$0x3F96]  }
0x1a: {  	s8 =	sadd.s32 $0xFFFFE003, lr  }
0x1b: {  	s9 =	sadd.s32 $0xFFFFFEF7, lr;
	s5 =	simm.s32 $0xFFFFFFFF;
	p2 =	slt.u32 s8, $0xFFFFF086  }
0x1c: {  	p1 =	slt.u32 s9, $0xF7A;
	s5 =	simm.s32 @!p2 $0x0  }
0x1d: {  	s5 =	simm.s32 @p1 $0x1;
	p0 =	seq.s32 s7, s2  }
0x1e: {  	s7 =	smul.u32 @!p0 $0xF7A, s2;
	p2 =	seq.s32 @!p0 s5, $0x0  }
0x1f: {  	s9 =	smul.u32 $0xF7A, s1;
	s8 =	simm.s32 @!p0 $0x1BF5;
	p2 =	por !p2, p0  }
0x20: {  	[sflag:s8] =	ssyncset.s32 @!p0 $0xFFFFF086;
	s6 =	sadd.s32 @!p0 s3, s7;
	s7 =	simm.s32 @!p0 $0x108  }
0x21: {  	s3 =	sadd.s32 s3, s9;
	s6 =	sadd.s32 @!p0 $0x88, s6;
	s7 =	simm.s32 @p2 $0x1082  }
0x22: {  	[simem:s7], [sflag:s8] =	dma.local @!p0 [hbm:s6], $0xF7A  }
0x23: {  	s9 =	sor.u32 $0xD0000000, s2;
	s6 =	simm.s32 $0x108;
	_ =	swait.ge @!p0 [sflag:s8], $0x0  }
0x24: {  	s3 =	sadd.s32 $0x88, s3;
	s6 =	simm.s32 @!p1 $0x1082;
	[sflag:s4] =	ssyncset.s32 $0xFFFFF086  }
0x25: {  	[simem:s6], [sflag:s4] =	dma.local [hbm:s3], $0xF7A  }
0x26: {  	[smem:$0x3F96] =	sst s1;
	(tag) =	ssettag s2;
	_ =	strace s9  }
0x27: {  	s1 =	sld [smem:$0x3FA6]  }
0x28: {  	s2 =	sld [smem:$0x3FA7]  }
0x29: {  	s4 =	sld [smem:$0x3FA9]  }
0x2a: {  	p0 =	seq.s32 s5, $0x0;
	s5 =	sld [smem:$0x3FAA]  }
0x2b: {  	s6 =	sld [smem:$0x3FAB]  }
0x2c: {  	s7 =	sld [smem:$0x3FAC]  }
0x2d: {  	s3 =	simm.s32 $0x108;
	s8 =	sld [smem:$0x3FAD]  }
0x2e: {  	s3 =	simm.s32 @!p0 $0x1082;
	s9 =	sld [smem:$0x3FAE]  }
0x2f: {  	lr =	sadd.s32 s0, s3;
	s0 =	sld [smem:$0x3FA5]  }
0x30: {  	s3 =	sld [smem:$0x3FA8]  }
0x31: {  	[smem:$0x3FB1] =	sst s10  }
0x32: {  	s10 =	sld [smem:$0x3FAF];
	_ =	sdelay $0x3  }
0x33: {  	p0 =	seq.s32 s10, $0x1;
	s10 =	sld [smem:$0x3FB1];
	_ =	sdelay $0x3  }
0x34: {  	[smem:$0x3FB1] =	sst s10  }
0x35: {  	s10 =	sld [smem:$0x3FB0];
	_ =	sdelay $0x3  }
0x36: {  	p1 =	seq.s32 s10, $0x1;
	s10 =	sld [smem:$0x3FB1];
	_ =	sdelay $0x3  }
0x37: {  	[smem:$0x3FB1] =	sst s10  }
0x38: {  	s10 =	sld [smem:$0x3FB2]  }
0x39: {  	_ = 	snop;
	(pc) =	sbr.ind lr, $3  }
0x3a: {  	_ = 	snop  }
0x3b: {  	_ = 	snop  }
0x3c: {  	p2 =	seq.s32 s10, $0x1;
	s10 =	sld [smem:$0x3FB1]  }
0x3d: {  	_ =	shalt  }
0x3e: {  	_ =	shalt  }
0x3f: {  	_ =	shalt  }
0x40: {  	_ =	shalt  }
0x41: {  	_ =	shalt  }
0x42: {  	_ =	shalt  }
0x43: {  	_ =	shalt  }
0x44: {  	_ =	shalt  }
0x45: {  	_ =	shalt  }
0x46: {  	_ =	shalt  }
0x47: {  	_ =	shalt  }
0x48: {  	_ =	shalt  }
0x49: {  	_ =	shalt  }
0x4a: {  	_ =	shalt  }
0x4b: {  	_ =	shalt  }
0x4c: {  	_ =	shalt  }
0x4d: {  	_ =	shalt  }
0x4e: {  	_ =	shalt  }
0x4f: {  	_ =	shalt  }
0x50: {  	_ =	shalt  }
0x51: {  	_ =	shalt  }
0x52: {  	_ =	shalt  }
0x53: {  	_ =	shalt  }
0x54: {  	_ =	shalt  }
0x55: {  	_ =	shalt  }
0x56: {  	_ =	shalt  }
0x57: {  	_ =	shalt  }
0x58: {  	_ =	shalt  }
0x59: {  	_ =	shalt  }
0x5a: {  	_ =	shalt  }
0x5b: {  	_ =	shalt  }
0x5c: {  	_ =	shalt  }
0x5d: {  	_ =	shalt  }
0x5e: {  	_ =	shalt  }
0x5f: {  	_ =	shalt  }
0x60: {  	_ =	shalt  }
0x61: {  	_ =	shalt  }
0x62: {  	_ =	shalt  }
0x63: {  	_ =	shalt  }
0x64: {  	_ =	shalt  }
0x65: {  	_ =	shalt  }
0x66: {  	_ =	shalt  }
0x67: {  	_ =	shalt  }
0x68: {  	_ =	shalt  }
0x69: {  	_ =	shalt  }
0x6a: {  	_ =	shalt  }
0x6b: {  	_ =	shalt  }
0x6c: {  	_ =	shalt  }
0x6d: {  	_ =	shalt  }
0x6e: {  	_ =	shalt  }
0x6f: {  	_ =	shalt  }
0x70: {  	_ =	shalt  }
0x71: {  	_ =	shalt  }
0x72: {  	_ =	shalt  }
0x73: {  	_ =	shalt  }
0x74: {  	_ =	shalt  }
0x75: {  	_ =	shalt  }
0x76: {  	_ =	shalt  }
0x77: {  	_ =	shalt  }
0x78: {  	_ =	shalt  }
0x79: {  	_ =	shalt  }
0x7a: {  	_ =	shalt  }
0x7b: {  	_ =	shalt  }
0x7c: {  	_ =	shalt  }
0x7d: {  	_ =	shalt  }
0x7e: {  	_ =	shalt  }
0x7f: {  	_ =	shalt  }
0x80: {  	_ =	shalt  }
0x81: {  	_ =	shalt  }
0x82: {  	_ =	shalt  }
0x83: {  	_ =	shalt  }
0x84: {  	_ =	shalt  }
0x85: {  	_ =	shalt  }
0x86: {  	_ =	shalt  }
0x87: {  	_ =	shalt  }
.Lfunc_end0:
.L_simem_size_0:
called_computation_lowered:
.L_overlay_start_0:
0x88: {  	s2 =	sld [smem:$0x3FD9]  }
0x89: {  	s3 =	sld [smem:$0x3FFE];
	_ =	sdelay $0x1  }
0x8a: {  	s1 =	srdreg.scid  }
0x8b: {  	s0 =	sand.u32 $0x1, s1  }
0x8c: {  	s16 =	sshll.u32 s0, $0xA;
	s2 =	sadd.s32 s3, s2  }
0x8d: {  	s2 =	sadd.s32 s2, s16  }
0x8e: {  	[smem:$0x3FBD] =	sst s2  }
0x8f: {  	_ = 	snop  }
0x90: {  	(tm) =	ssettm $0x1  }
0x91: {  	s17 =	sld [smem:$0x3FFB];
	_ =	sdelay $0x3  }
0x92: {  	_ =	strace s17  }
0x93: {  	s2 =	sld [smem:$0x3FFC];
	_ =	sdelay $0x3  }
0x94: {  	_ =	strace s2  }
0x95: {  	s2 =	sld [smem:$0x3FFD];
	_ =	sdelay $0x3  }
0x96: {  	_ =	strace s2  }
0x97: {  	_ =	strace $0x8FFFFFFF  }
0x98: {  	s18 =	sld [smem:$0x3FDB];
	_ =	sdelay $0x1  }
0x99: {  	s19 =	simm.s32 $_scs_section_size  }
0x9a: {  	s4 =	simm.s32 $_size__tile_overlayer_lowered;
	s5 =	simm.s32 $_tile_overlayer_lowered  }
0x9b: {  	s22 =	simm.s32 $0x1BFF;
	s21 =	sshll.u32 s5, $0x1;
	s2 =	sadd.s32 s19, s18  }
0x9c: {  	s6 =	simm.s32 $0x0;
	s20 =	sshll.u32 s4, $0x1;
	s4 =	sadd.s32 s21, s2  }
0x9d: {  	[timem:s6], [sflag:s22] =	dma.local [hbm:s4], s20  }
0x9e: {  	_ =	swait.ge [sflag:s22], s20  }
0x9f: {  	s3 =	ssub.s32 $0x0, s20;
	[sflag:s22] =	ssyncset.done $0x0  }
0xa0: {  	[sflag:s22] =	ssyncadd.s32 s3;
	_ =	sdelay $0x1  }
0xa1: {  	s23 =	simm.s32 $0x1B8B  }
0xa2: {  	_ =	swait.ge [sflag:s23], $0x1  }
0xa3: {  	[sflag:s23] =	ssyncset.done $0x0  }
0xa4: {  	s25 =	simm.s32 $0x1B8E;
	s24 =	sld [smem:$0x3FFE];
	[sflag:s23] =	ssyncadd.s32 $0xFFFFFFFF  }
0xa5: {  	s26 =	simm.s32 $execute0_lowered;
	[smem:$0x3FD2] =	sst s25  }
0xa6: {  	s4 =	sshll.u32 s26, $0x1;
	_ =	strace $0x80000046;
	[dreg:$0x1] =	wrdreg $0xFFFFFFFF  }
0xa7: {  	s28 =	simm.s32 $_size_execute0_lowered;
	s2 =	sadd.s32 s2, s4;
	[dreg:$0x0] =	wrdreg $0x0  }
0xa8: {  	s4 =	sshll.u32 s28, $0x1;
	[dreg:$0x2] =	wrdreg s2  }
0xa9: {  	[dreg:$0x3] =	wrdreg s4  }
0xaa: {  	[dreg:$0x4] =	wrdreg $0xC0  }
0xab: {  	_ =	task [dreg:s6], $0x5FFFF  }
0xac: {  	[dreg:$0x1] =	wrdreg $0xFFFFFFFF  }
0xad: {  	[dreg:$0x0] =	wrdreg $0x60  }
0xae: {  	[dreg:$0x2] =	wrdreg s24  }
0xaf: {  	[dreg:$0x3] =	wrdreg $0x53800  }
0xb0: {  	[dreg:$0x4] =	wrdreg $0x9  }
0xb1: {  	_ =	task.clear_ibuf [dreg:s6], $0x5FFFF;
	_ =	strace $0x90000046  }
0xb2: {  	s29 =	simm.s32 $0x9;
	_ =	strace $0x80000048  }
0xb3: {  	_ =	swait.ge [sflag:s29], $0x1  }
0xb4: {  	[sflag:s29] =	ssyncadd.s32 $0xFFFFFFFF  }
0xb5: {  	_ =	strace $0x90000048  }
0xb6: {  	_ =	sfence  }
0xb7: {  	s30 =	sld [smem:$0x0];
	_ =	sdelay $0x2  }
0xb8: {  	s31 =	sshll.u32 s1, $0xD;
	s1 =	sshrl.u32 s1, $0x2  }
0xb9: {  	s3 =	sand.u32 $0x4000, s31;
	s1 =	sadd.s32 s1, s30  }
0xba: {  	s0 =	sor.u32 s3, s0;
	s1 =	sshll.u32 s1, $0x11  }
0xbb: {  	s0 =	sor.u32 s1, s0  }
0xbc: {  	s0 =	sadd.s32 $0x8F2B, s0  }
0xbd: {  	[sflag:s0] =	ssyncadd.remote.s32 $0x1  }
0xbe: {  	_ =	sfence.sel $0xFFFF  }
0xbf: {  	[dreg:$0x0] =	wrdreg $0xFFFFFFFF;
	(pc) =	sbr.abs _section_cstart, $3  }
0xc0: {  	[dreg:$0x1] =	wrdreg $0xFFFFFFFF  }
0xc1: {  	_ =	task.clear_ibuf [dreg:s6], $0x2FFFF;
	_ =	strace $0x9FFFFFFF  }
0xc2: {  	(tm) =	ssettm $0x7FFFFFFF  }
0xc3: {  	_ =	shalt  }
tec
execute0_lowered:
.L_overlay_start_1:
0x0: {  	(tag) =	ssettag $0x1  }
0x1: {  	s4 =	rddreg [dreg:$0x0]  }
0x2: {  	s1 =	rddreg [dreg:$0x1]  }
0x3: {  	s2 =	srdreg.scid;
	s0 =	rddreg [dreg:$0x2]  }
0x4: {  	s3 =	simm.s32 $0x0;
	s12 =	simm.s32 $0x6;
	s13 =	simm.s32 $0x1  }
0x5: {  	s14 =	simm.s32 $0x80;
	s15 =	simm.s32 $0x5080;
	s16 =	simm.s32 $0x100  }
0x6: {  	s17 =	simm.s32 $0x180;
	s18 =	simm.s32 $0x2;
	s19 =	simm.s32 $0x3  }
0x7: {  	s20 =	simm.s32 $0x4;
	s21 =	simm.s32 $0x5;
	s22 =	simm.s32 $0x5000  }
0x8: {  	s23 =	simm.s32 $0x20;
	s24 =	simm.s32 $0x10;
	s5 =	sand.u32 $0x1, s2  }
0x9: {  	s25 =	simm.s32 $0x0;
	s2 =	stileid.u32;
	s6 =	smul.u32 $0x4E200, s5  }
0xa: {  	[smem:$0x7FF] =	sst s3;
	s7 =	sshll.u32 s2, $0x7;
	s26 =	smul.u32 $0x4E400, s5  }
0xb: {  	_ =	strace $0x80000047;
	s8 =	sshll.u32 s2, $0xA;
	s9 =	smul.u32 $0x500, s2  }
0xc: {  	s28 =	sshll.u32 s5, $0x7;
	s5 =	ssub.s32 $0x2, s5;
	s29 =	smul.u32 $0xA00, s2  }
0xd: {  	p0 =	slt.u32 s2, $0x8;
	s31 =	sshrl.u32 s5, $0x1;
	s6 =	sadd.s32 s7, s6  }
0xe: {  	s7 =	sadd.s32 s8, s26;
	s8 =	sor.u32 s28, s9;
	s9 =	sshrl.u32 s29, $0x2  }
0xf: {  	s6 =	sadd.s32 $0x4C000, s6;
	s7 =	sshrl.u32 s7, $0x3;
	s8 =	sshrl.u32 s8, $0x3  }
0x10: {  	s6 =	sshrl.u32 s6, $0x3;
	s10 =	sadd.s32 s7, s4;
	s30 =	sadd.s32 s8, s4  }
0x11: {  	s8 =	ssub.s32 s5, s31;
	s6 =	sadd.s32 s6, s4;
	s4 =	simm.s32 $0x14  }
0x12: {  	s5 =	sadd.s32 s9, s1;
	s7 =	sadd.s32 $0x2B200, s30;
	s4 =	simm.s32 @!p0 $0x13  }
0x13: {  	s8 =	smax.u32 s8, $0x1;
	s9 =	sadd.s32 $0x3E00, s10;
	s11 =	sshll.u32 s4, $0x1  }
0x14: {  	v0 =	vimm.f32 $1.000000000e+00;
	v1 =	vimm.f32 $0.0e+00;
	s6 =	sadd.s32 $0x17800, s6;
	s10 =	sadd.s32 $0xFFFFFFFF, s11;
	s11 =	simm.s32 $0x5100  }
.LBB2_1:
0x15: {  	p0 =	sne.s32 s4, $0x1  }
.Ltmp0:
0x16: {  	_ = 	snop;
	(pc) =	sbr.rel @!p0 .LBB2_3-.Ltmp0, $3  }
0x17: {  	_ =	sdelay $0x1  }
0x18: {  	[tilespmem:s3], [sflag:$0x1] =	stream.linear.gather [hbm4b:s9+s3], $0x400, $0x38;
	[tilespmem:$0x5600] =	vst v63  }
0x19: {  	s26 =	sadd.s32 $0xFFFFFFFF, s4;
	s28 =	smov.u32 s9;
	s29 =	simm.s32 $0x0  }
.LBB2_2:
0x1a: {  	p1 =	sne.s32 s26, $0x1  }
.Ltmp1:
0x1b: {  	_ = 	snop;
	(pc) =	sbr.rel @p1 .LBB2_2-.Ltmp1, $4  }
0x1c: {  	_ = 	snop  }
0x1d: {  	s28 =	sadd.s32 $0x800, s28;
	s29 =	sadd.s32 $0x400, s29  }
0x1e: {  	s26 =	sadd.s32 $0xFFFFFFFF, s26  }
0x1f: {  	[tilespmem:s29], [sflag:$0x1] =	stream.linear.gather [hbm4b:s28+s3], $0x400, $0x38;
	[tilespmem:$0x5600] =	vst v63  }
.LBB2_3:
0x20: {  	[tilespmem:$0x5080] =	vst v0  }
0x21: {  	[tilespmem:$0x5090] =	vst v0  }
0x22: {  	[tilespmem:$0x50A0] =	vst v0  }
0x23: {  	[tilespmem:$0x50B0] =	vst v0  }
0x24: {  	[tilespmem:$0x50C0] =	vst v0  }
0x25: {  	[tilespmem:$0x50D0] =	vst v0  }
0x26: {  	[tilespmem:$0x50E0] =	vst v0  }
0x27: {  	[tilespmem:$0x50F0] =	vst v0  }
0x28: {  	[tilespmem:$0x5100] =	vst v1  }
0x29: {  	[tilespmem:$0x5110] =	vst v1  }
0x2a: {  	[tilespmem:$0x5120] =	vst v1  }
0x2b: {  	[tilespmem:$0x5130] =	vst v1  }
0x2c: {  	[tilespmem:$0x5140] =	vst v1  }
0x2d: {  	[tilespmem:$0x5150] =	vst v1  }
0x2e: {  	[tilespmem:$0x5160] =	vst v1  }
0x2f: {  	[tilespmem:$0x5170] =	vst v1  }
0x30: {  	[tilespmem:$0x5180] =	vst v1  }
0x31: {  	[tilespmem:$0x5190] =	vst v1  }
0x32: {  	[tilespmem:$0x51A0] =	vst v1  }
0x33: {  	[tilespmem:$0x51B0] =	vst v1  }
0x34: {  	[tilespmem:$0x51C0] =	vst v1  }
0x35: {  	[tilespmem:$0x51D0] =	vst v1  }
0x36: {  	[tilespmem:$0x51E0] =	vst v1  }
0x37: {  	[tilespmem:$0x51F0] =	vst v1  }
0x38: {  	[tilespmem:$0x5200] =	vst v1  }
0x39: {  	[tilespmem:$0x5210] =	vst v1  }
0x3a: {  	[tilespmem:$0x5220] =	vst v1  }
0x3b: {  	[tilespmem:$0x5230] =	vst v1  }
0x3c: {  	[tilespmem:$0x5240] =	vst v1  }
0x3d: {  	[tilespmem:$0x5250] =	vst v1  }
0x3e: {  	[tilespmem:$0x5260] =	vst v1  }
0x3f: {  	[tilespmem:$0x5270] =	vst v1  }
0x40: {  	[tilespmem:$0x5280] =	vst v1  }
0x41: {  	[tilespmem:$0x5290] =	vst v1  }
0x42: {  	[tilespmem:$0x52A0] =	vst v1  }
0x43: {  	[tilespmem:$0x52B0] =	vst v1  }
0x44: {  	[tilespmem:$0x52C0] =	vst v1  }
0x45: {  	[tilespmem:$0x52D0] =	vst v1  }
0x46: {  	[tilespmem:$0x52E0] =	vst v1  }
0x47: {  	[tilespmem:$0x52F0] =	vst v1  }
0x48: {  	[tilespmem:$0x5300] =	vst v1  }
0x49: {  	[tilespmem:$0x5310] =	vst v1  }
0x4a: {  	[tilespmem:$0x5320] =	vst v1  }
0x4b: {  	[tilespmem:$0x5330] =	vst v1  }
0x4c: {  	[tilespmem:$0x5340] =	vst v1  }
0x4d: {  	[tilespmem:$0x5350] =	vst v1  }
0x4e: {  	[tilespmem:$0x5360] =	vst v1  }
0x4f: {  	[tilespmem:$0x5370] =	vst v1  }
0x50: {  	[spmem:s5] =	stream.linear.scatter [tilespmem:s11], [sflag:$0x6], $0x280, $0x38;
	[tilespmem:$0x5600] =	vst v63  }
.Ltmp2:
0x51: {  	_ =	swait.ge [sflag:s12], $0x280;
	(pc) =	sbr.rel @!p0 .LBB2_5-.Ltmp2, $4  }
0x52: {  	[sflag:s12] =	ssyncset.done $0x0  }
0x53: {  	[sflag:s12] =	ssyncadd.s32 $0xFFFFFD80  }
0x54: {  	_ =	swait.ge [sflag:s13], $0x400  }
0x55: {  	s26 =	sadd.s32 $0xFFFFFFFF, s4;
	[sflag:s13] =	ssyncset.done $0x0  }
.LBB2_4:
0x56: {  	p0 =	sne.s32 s26, $0x1;
	s26 =	sadd.s32 $0xFFFFFFFF, s26;
	[sflag:s13] =	ssyncadd.s32 $0xFFFFFC00  }
.Ltmp3:
0x57: {  	(pc) =	sbr.rel @p0 .LBB2_4-.Ltmp3, $3  }
0x58: {  	_ =	sdelay $0x1  }
0x59: {  	_ =	swait.ge [sflag:s13], $0x400  }
0x5a: {  	[sflag:s13] =	ssyncset.done $0x0  }
.LBB2_5:
0x5b: {  	[sflag:s13] =	ssyncadd.s32 $0xFFFFFC00  }
0x5c: {  	[bflag:$0x0] =	sbarrier.arrive $0xFFFF  }
0x5d: {  	[spmem:s1] =	stream.indirect.scatter.add.f32 [tilespmem:s15], [sflag:$0x2], $0x1, s3, s14, $0xb8;
	[tilespmem:$0x5600] =	vst v63  }
0x5e: {  	_ = 	snop  }
0x5f: {  	[spmem:s1] =	stream.indirect.scatter.add.f32 [tilespmem:s15], [sflag:$0x3], $0x1, s14, s14, $0xb8;
	[tilespmem:$0x5600] =	vst v63  }
0x60: {  	_ = 	snop  }
0x61: {  	[spmem:s1] =	stream.indirect.scatter.add.f32 [tilespmem:s15], [sflag:$0x4], $0x1, s16, s14, $0xb8;
	[tilespmem:$0x5600] =	vst v63  }
0x62: {  	_ = 	snop  }
0x63: {  	[spmem:s1] =	stream.indirect.scatter.add.f32 [tilespmem:s15], [sflag:$0x5], $0x1, s17, s14, $0xb8;
	[tilespmem:$0x5600] =	vst v63  }
0x64: {  	_ =	swait.ge [sflag:s18], $0x80  }
0x65: {  	[sflag:s18] =	ssyncset.done $0x0  }
0x66: {  	s26 =	simm.s32 $0x200;
	[sflag:s18] =	ssyncadd.s32 $0xFFFFFF80  }
0x67: {  	[spmem:s1] =	stream.indirect.scatter.add.f32 [tilespmem:s15], [sflag:$0x2], $0x1, s26, s14, $0xb8;
	[tilespmem:$0x5600] =	vst v63  }
0x68: {  	_ =	swait.ge [sflag:s19], $0x80  }
0x69: {  	[sflag:s19] =	ssyncset.done $0x0  }
0x6a: {  	s30 =	simm.s32 $0x280;
	[sflag:s19] =	ssyncadd.s32 $0xFFFFFF80  }
0x6b: {  	[spmem:s1] =	stream.indirect.scatter.add.f32 [tilespmem:s15], [sflag:$0x3], $0x1, s30, s14, $0xb8;
	[tilespmem:$0x5600] =	vst v63  }
0x6c: {  	_ =	swait.ge [sflag:s20], $0x80  }
0x6d: {  	p0 =	sne.s32 s10, $0x1;
	[sflag:s20] =	ssyncset.done $0x0  }
.Ltmp4:
0x6e: {  	s31 =	simm.s32 $0x300;
	[sflag:s20] =	ssyncadd.s32 $0xFFFFFF80;
	(pc) =	sbr.rel @!p0 .LBB2_7-.Ltmp4, $4  }
0x6f: {  	[spmem:s1] =	stream.indirect.scatter.add.f32 [tilespmem:s15], [sflag:$0x4], $0x1, s31, s14, $0xb8;
	[tilespmem:$0x5600] =	vst v63  }
0x70: {  	_ =	swait.ge [sflag:s21], $0x80  }
0x71: {  	s29 =	simm.s32 $0x380;
	[sflag:s21] =	ssyncset.done $0x0  }
0x72: {  	s28 =	simm.s32 $0x580;
	s26 =	sadd.s32 $0xFFFFFFFF, s10;
	[sflag:s21] =	ssyncadd.s32 $0xFFFFFF80  }
.LBB2_6:
0x73: {  	[spmem:s1] =	stream.indirect.scatter.add.f32 [tilespmem:s15], [sflag:$0x5], $0x1, s29, s14, $0xb8;
	[tilespmem:$0x5600] =	vst v63  }
0x74: {  	p0 =	sne.s32 s26, $0x1;
	s26 =	sadd.s32 $0xFFFFFFFF, s26;
	_ =	swait.ge [sflag:s18], $0x80  }
0x75: {  	s29 =	smov.u32 s28;
	[sflag:s18] =	ssyncset.done $0x0  }
0x76: {  	s30 =	sadd.s32 $0xFFFFFE80, s28;
	[sflag:s18] =	ssyncadd.s32 $0xFFFFFF80  }
0x77: {  	[spmem:s1] =	stream.indirect.scatter.add.f32 [tilespmem:s15], [sflag:$0x2], $0x1, s30, s14, $0xb8;
	[tilespmem:$0x5600] =	vst v63  }
0x78: {  	_ =	swait.ge [sflag:s19], $0x80  }
0x79: {  	[sflag:s19] =	ssyncset.done $0x0  }
0x7a: {  	s30 =	sadd.s32 $0xFFFFFF00, s28;
	[sflag:s19] =	ssyncadd.s32 $0xFFFFFF80  }
0x7b: {  	[spmem:s1] =	stream.indirect.scatter.add.f32 [tilespmem:s15], [sflag:$0x3], $0x1, s30, s14, $0xb8;
	[tilespmem:$0x5600] =	vst v63  }
0x7c: {  	_ =	swait.ge [sflag:s20], $0x80  }
0x7d: {  	[sflag:s20] =	ssyncset.done $0x0  }
.Ltmp5:
0x7e: {  	s30 =	sadd.s32 $0xFFFFFF80, s28;
	[sflag:s20] =	ssyncadd.s32 $0xFFFFFF80;
	(pc) =	sbr.rel @p0 .LBB2_6-.Ltmp5, $4  }
0x7f: {  	[spmem:s1] =	stream.indirect.scatter.add.f32 [tilespmem:s15], [sflag:$0x4], $0x1, s30, s14, $0xb8;
	[tilespmem:$0x5600] =	vst v63  }
0x80: {  	_ =	swait.ge [sflag:s21], $0x80  }
0x81: {  	[sflag:s21] =	ssyncset.done $0x0  }
0x82: {  	s28 =	sadd.s32 $0x200, s28;
	[sflag:s21] =	ssyncadd.s32 $0xFFFFFF80  }
.LBB2_7:
0x83: {  	[spmem:s1] =	stream.indirect.scatter.add.f32 [tilespmem:s15], [sflag:$0x5], $0x1, s29, s14, $0xb8;
	[tilespmem:$0x5600] =	vst v63  }
0x84: {  	_ =	swait.ge [sflag:s18], $0x80  }
0x85: {  	[sflag:s18] =	ssyncset.done $0x0  }
0x86: {  	[sflag:s18] =	ssyncadd.s32 $0xFFFFFF80  }
0x87: {  	_ =	swait.ge [sflag:s19], $0x80  }
0x88: {  	[sflag:s19] =	ssyncset.done $0x0  }
0x89: {  	[sflag:s19] =	ssyncadd.s32 $0xFFFFFF80  }
0x8a: {  	_ =	swait.ge [sflag:s20], $0x80  }
0x8b: {  	[sflag:s20] =	ssyncset.done $0x0  }
0x8c: {  	[sflag:s20] =	ssyncadd.s32 $0xFFFFFF80  }
0x8d: {  	_ =	swait.ge [sflag:s21], $0x80  }
0x8e: {  	[sflag:s21] =	ssyncset.done $0x0  }
0x8f: {  	[sflag:s21] =	ssyncadd.s32 $0xFFFFFF80  }
0x90: {  	[tilespmem:s22], [sflag:$0x6] =	stream.linear.gather [hbm4b:s6+s3], $0x80, $0x38;
	[tilespmem:$0x5600] =	vst v63  }
0x91: {  	_ =	swait.ge [sflag:s12], $0x80  }
0x92: {  	[sflag:s12] =	ssyncset.done $0x0  }
0x93: {  	[sflag:s12] =	ssyncadd.s32 $0xFFFFFF80  }
0x94: {  	[spmem:s1] =	stream.indirect.scatter.add.f32 [tilespmem:s15], [sflag:$0x6], $0x1, s22, s14, $0xb8;
	[tilespmem:$0x5600] =	vst v63  }
0x95: {  	_ =	swait.ge [sflag:s12], $0x80  }
0x96: {  	s26 =	sshll.u32 s2, $0x6;
	s25 =	sadd.s32 $0x1, s25;
	[sflag:s12] =	ssyncset.done $0x0  }
0x97: {  	s28 =	sshrl.u32 s5, $0x3;
	p0 =	sne.s32 s25, s8;
	[sflag:s12] =	ssyncadd.s32 $0xFFFFFF80  }
.Ltmp6:
0x98: {  	s26 =	sor.u32 $0x1C06, s26;
	[bflag:$0x0] =	sbarrier.arrive $0xFFFF;
	(pc) =	sbr.rel @p0 .LBB2_1-.Ltmp6, $4  }
0x99: {  	[hbm:s7@s23], [sflag:s26] =	dma.strided [spmem:s28@s24], $0x50, s13, $0x10   }
0x9a: {  	_ =	swait.ge [sflag:s12], $0x50  }
0x9b: {  	[sflag:s12] =	ssyncset.done $0x0  }
0x9c: {  	[sflag:s12] =	ssyncadd.s32 $0xFFFFFFB0  }
0x9d: {  	_ =	sfence.sel $0x180000  }
0x9e: {  	[bflag:$0x0] =	sbarrier.arrive $0xFFFF  }
0x9f: {  	p0 =	sne.s32 s2, $0x0;
	_ =	strace $0x90000047  }
0xa0: {  	s0 =	sadd.s32 @!p0 $0x100000, s0;
	[bflag:$0x2] =	sbarrier.arrive $0xFFFF  }
0xa1: {  	[sflag:s0] =	ssyncadd.tile.s32 @!p0 $0x1;
	_ =	shalt  }
.Lfunc_end2:
_tile_overlayer_lowered:
.L_overlay_start_2:
0xa2: {  	(tag) =	ssettag $0x2  }
0xa3: {  	s0 =	rddreg [dreg:$0x0];
	s2 =	stileid.u32  }
0xa4: {  	s1 =	rddreg [dreg:$0x1];
	p0 =	sne.s32 s2, $0x0  }
0xa5: {  	s3 =	rddreg [dreg:$0x2];
	[bflag:$0x3] =	sbarrier.arrive $0xFFFF;
	s2 =	simm.s32 @!p0 $0x1C06  }
0xa6: {  	[timem:s3], [sflag:s2] =	dma.local @!p0 [hbm:s0], s1  }
0xa7: {  	s0 =	simm.s32 @!p0 $0x6  }
0xa8: {  	_ =	swait.ge @!p0 [sflag:s0], s1  }
0xa9: {  	s1 =	ssub.s32 @!p0 $0x0, s1;
	[sflag:s0] =	ssyncset.done @!p0 $0x0  }
0xaa: {  	[sflag:s0] =	ssyncadd.s32 @!p0 s1  }
0xab: {  	[bflag:$0x3] =	sbarrier.arrive $0xFFFF  }
0xac: {  	_ =	shalt  }

</sc_bundles>
